<compile_context>
chip_gen: v7x
topology: tpu7x:2x2x1
jax: 0.10.2.dev20260603
libtpu: 0.0.44.dev20260713+nightly
codegen_flags: <defaults>
</compile_context>

<pallas_src>
import functools
import math

import jax
import jax.numpy as jnp
import numpy as np
from jax import lax
from jax.experimental import pallas as pl
from jax.experimental.pallas import tpu as pltpu
from jax.experimental.pallas import tpu_sc as plsc

D = 128
SCALE = np.float32(math.sqrt(float(D)))

NC, NS = 2, 16
NW = NC * NS
CH = 128


def _make_gather(n_chunks):
    rpw = n_chunks * CH
    mesh = plsc.VectorSubcoreMesh(
        core_axis_name="c", subcore_axis_name="s", num_cores=NC, num_subcores=NS
    )

    assert (n_chunks - 4) % 4 == 0 and n_chunks >= 8

    @functools.partial(
        pl.kernel,
        out_type=jax.ShapeDtypeStruct((NW * rpw, D), jnp.float32),
        mesh=mesh,
        scratch_types=[
            pltpu.VMEM((n_chunks, CH), jnp.int32),
            pltpu.VMEM((4, CH, D), jnp.float32),
            [pltpu.SemaphoreType.DMA] * 4,
            [pltpu.SemaphoreType.DMA] * 4,
        ],
    )
    def _gather(table_hbm, idx_hbm, out_hbm, idx_v, rows_v, gsem, ssem):
        wid = lax.axis_index("s") * NC + lax.axis_index("c")
        base = wid * rpw
        pltpu.sync_copy(idx_hbm.at[wid], idx_v)

        def gather_start(b, c):
            pltpu.async_copy(table_hbm.at[idx_v.at[c]], rows_v.at[b], gsem[b])

        def gather_wait(b, c):
            pltpu.make_async_copy(
                table_hbm.at[idx_v.at[c]], rows_v.at[b], gsem[b]
            ).wait()

        def scatter_start(b, c):
            pltpu.async_copy(
                rows_v.at[b], out_hbm.at[pl.ds(base + c * CH, CH)], ssem[b]
            )

        def scatter_wait(b, c):
            pltpu.make_async_copy(
                rows_v.at[b], out_hbm.at[pl.ds(base + c * CH, CH)], ssem[b]
            ).wait()

        def scale_buf(b):
            buf = rows_v.at[b]

            @pl.loop(0, CH)
            def _row(r):
                for j in range(D // 16):
                    sl = pl.ds(16 * j, 16)
                    buf[r, sl] = buf[r, sl] * SCALE

        gather_start(0, 0)
        gather_start(1, 1)
        gather_wait(0, 0)
        scale_buf(0)
        scatter_start(0, 0)
        gather_start(2, 2)
        gather_wait(1, 1)
        scale_buf(1)
        scatter_start(1, 1)
        gather_start(3, 3)

        @pl.loop(0, (n_chunks - 4) // 4)
        def _grp(g):
            for i in range(4):
                c = 4 * g + 2 + i
                bc = (2 + i) % 4
                bn = i % 4
                gather_wait(bc, c)
                scale_buf(bc)
                scatter_start(bc, c)
                scatter_wait(bn, c - 2)
                gather_start(bn, c + 2)

        for i in range(2):
            c = n_chunks - 2 + i
            gather_wait((2 + i) % 4, c)
            scale_buf((2 + i) % 4)
            scatter_start((2 + i) % 4, c)
            scatter_wait(i % 4, c - 2)
        scatter_wait(2, n_chunks - 2)
        scatter_wait(3, n_chunks - 1)

    return _gather


def kernel(tokens, embedding_table):
    b0, b1 = tokens.shape
    n_tok = b0 * b1
    assert n_tok % (NW * CH) == 0
    n_chunks = n_tok // (NW * CH)
    idx = tokens.reshape(NW, n_chunks, CH).astype(jnp.int32)
    out = _make_gather(n_chunks)(embedding_table, idx)
    return out.reshape(b0, b1, D)

# --- scband reference (transcript-rebuilt; emitter-appended) ---
"""Pipeline reference for scband-token-embedding-38345468019367 (READ-ONLY COPY).

The authoritative reference and input builder live on the scoring server;
editing this copy changes nothing except your own understanding.
"""

import jax, jax.numpy as jnp
import numpy as np
import math

CHARSET_SIZE = 100000
EMBED_DIM = 128

def setup_inputs(seed: int = 0) -> dict:
    key = jax.random.key(seed)
    k_tok, k_tab = jax.random.split(key)
    tokens = jax.random.randint(k_tok, (4096, 200), 0, CHARSET_SIZE, dtype=jnp.int64 if jax.config.jax_enable_x64 else jnp.int32)
    embedding_table = jax.random.normal(k_tab, (CHARSET_SIZE, EMBED_DIM), dtype=jnp.float32)
    return {"tokens": tokens, "embedding_table": embedding_table}

def reference(tokens, embedding_table):
    # TokenEmbedding.forward: sqrt(embed_dim) * embedding(tokens)
    emb = jnp.take(embedding_table, tokens, axis=0)
    return math.sqrt(EMBED_DIM) * emb

if __name__ == "__main__":
    import jax
    _d = setup_inputs()
    print(jax.jit(kernel)(*tuple(_d.values())))

</pallas_src>

<mosaic_0001>
#map = affine_map<(d0, d1) -> (0, 0)>
#map1 = affine_map<(d0, d1) -> (0, 0, 0)>
module attributes {stable_mosaic.version = 14 : i64} {
  func.func @_gather(%arg0: i32, %arg1: i32, %arg2: memref<100000x128xf32, #tpu.memory_space<hbm>>, %arg3: memref<32x200x128xi32, #tpu.memory_space<hbm>>, %arg4: memref<819200x128xf32, #tpu.memory_space<hbm>>, %arg5: memref<200x128xi32, #tpu.memory_space<vmem>>, %arg6: memref<4x128x128xf32, #tpu.memory_space<vmem>>, %arg7: memref<!tpu.dma_semaphore, #tpu.memory_space<semaphore_mem>>, %arg8: memref<!tpu.dma_semaphore, #tpu.memory_space<semaphore_mem>>, %arg9: memref<!tpu.dma_semaphore, #tpu.memory_space<semaphore_mem>>, %arg10: memref<!tpu.dma_semaphore, #tpu.memory_space<semaphore_mem>>, %arg11: memref<!tpu.dma_semaphore, #tpu.memory_space<semaphore_mem>>, %arg12: memref<!tpu.dma_semaphore, #tpu.memory_space<semaphore_mem>>, %arg13: memref<!tpu.dma_semaphore, #tpu.memory_space<semaphore_mem>>, %arg14: memref<!tpu.dma_semaphore, #tpu.memory_space<semaphore_mem>>) attributes {dimension_semantics = [#tpu.dimension_semantics<core_parallel>, #tpu.dimension_semantics<subcore_parallel>], iteration_bounds = array<i64: 2, 16>, scalar_prefetch = 0 : i64, scratch_operands = 10 : i64, tpu.core_type = #tpu.core_type<sc_vector_subcore>, window_params = [{transform_indices = #map}, {transform_indices = #map1}, {transform_indices = #map}]} {
    %mul3A = arith.constant 2 : i32
    %mul3A_0 = arith.muli %arg1, %mul3A : i32
    %add3A = arith.addi %mul3A_0, %arg0 : i32
    %mul3A_1 = arith.constant 25600 : i32
    %mul3A_2 = arith.muli %add3A, %mul3A_1 : i32
    "tpu.region"() ({
      %run_scoped3A = tpu.sem_alloc : memref<!tpu.dma_semaphore, #tpu.memory_space<semaphore_mem>>
      %dma_start3A_245 = arith.constant 0 : i32
      %dma_start3A_246 = arith.constant 0 : i32
      %dma_start3A_247 = tpu.memref_slice %arg3[%add3A, %dma_start3A_245, %dma_start3A_246] : memref<32x200x128xi32, #tpu.memory_space<hbm>> -> memref<1x200x128xi32, #tpu.memory_space<hbm>>
      %dma_start3A_248 = tpu.memref_squeeze %dma_start3A_247 : memref<1x200x128xi32, #tpu.memory_space<hbm>> -> memref<200x128xi32, #tpu.memory_space<hbm>>
      %dma_start3A_249 = arith.constant 0 : i32
      %dma_start3A_250 = arith.constant 0 : i32
      %dma_start3A_251 = tpu.memref_slice %arg3[%add3A, %dma_start3A_249, %dma_start3A_250] : memref<32x200x128xi32, #tpu.memory_space<hbm>> -> memref<1x200x128xi32, #tpu.memory_space<hbm>>
      %dma_start3A_252 = tpu.memref_squeeze %dma_start3A_251 : memref<1x200x128xi32, #tpu.memory_space<hbm>> -> memref<200x128xi32, #tpu.memory_space<hbm>>
      tpu.enqueue_dma source(%dma_start3A_252 : memref<200x128xi32, #tpu.memory_space<hbm>>) target(%arg5 : memref<200x128xi32, #tpu.memory_space<vmem>>) target_semaphore(%run_scoped3A : memref<!tpu.dma_semaphore, #tpu.memory_space<semaphore_mem>>)
      %dma_wait3A_253 = arith.constant 0 : i32
      %dma_wait3A_254 = arith.constant 0 : i32
      %dma_wait3A_255 = tpu.memref_slice %arg3[%add3A, %dma_wait3A_253, %dma_wait3A_254] : memref<32x200x128xi32, #tpu.memory_space<hbm>> -> memref<1x200x128xi32, #tpu.memory_space<hbm>>
      %dma_wait3A_256 = tpu.memref_squeeze %dma_wait3A_255 : memref<1x200x128xi32, #tpu.memory_space<hbm>> -> memref<200x128xi32, #tpu.memory_space<hbm>>
      %dma_wait3A_257 = arith.constant 0 : i32
      %dma_wait3A_258 = arith.constant 0 : i32
      %dma_wait3A_259 = tpu.memref_slice %arg3[%add3A, %dma_wait3A_257, %dma_wait3A_258] : memref<32x200x128xi32, #tpu.memory_space<hbm>> -> memref<1x200x128xi32, #tpu.memory_space<hbm>>
      %dma_wait3A_260 = tpu.memref_squeeze %dma_wait3A_259 : memref<1x200x128xi32, #tpu.memory_space<hbm>> -> memref<200x128xi32, #tpu.memory_space<hbm>>
      tpu.wait_dma2 semaphore(%run_scoped3A : memref<!tpu.dma_semaphore, #tpu.memory_space<semaphore_mem>>) src(%dma_wait3A_260 : memref<200x128xi32, #tpu.memory_space<hbm>>) dst(%arg5 : memref<200x128xi32, #tpu.memory_space<vmem>>)
      tpu.yield
    }) : () -> ()
    %dma_start3A = arith.constant 0 : i32
    %dma_start3A_3 = arith.constant 0 : i32
    %dma_start3A_4 = arith.constant 0 : i32
    %dma_start3A_5 = arith.constant 0 : i32
    %dma_start3A_6 = tpu.memref_slice %arg6[%dma_start3A_3, %dma_start3A_4, %dma_start3A_5] : memref<4x128x128xf32, #tpu.memory_space<vmem>> -> memref<1x128x128xf32, #tpu.memory_space<vmem>>
    %dma_start3A_7 = tpu.memref_squeeze %dma_start3A_6 : memref<1x128x128xf32, #tpu.memory_space<vmem>> -> memref<128x128xf32, #tpu.memory_space<vmem>>
    %dma_start3A_8 = arith.constant 0 : i32
    %dma_start3A_9 = tpu.memref_slice %arg5[%dma_start3A, %dma_start3A_8] : memref<200x128xi32, #tpu.memory_space<vmem>> -> memref<1x128xi32, #tpu.memory_space<vmem>>
    %dma_start3A_10 = tpu.memref_squeeze %dma_start3A_9 : memref<1x128xi32, #tpu.memory_space<vmem>> -> memref<128xi32, #tpu.memory_space<vmem>>
    %dma_start3A_11 = arith.constant 0 : i32
    %dma_start3A_12 = arith.constant 0 : i32
    %dma_start3A_13 = tpu.memref_slice %arg2[%dma_start3A_11, %dma_start3A_12] : memref<100000x128xf32, #tpu.memory_space<hbm>> -> memref<100000x128xf32, #tpu.memory_space<hbm>>
    tpu.enqueue_indirect_dma source(%dma_start3A_13 : memref<100000x128xf32, #tpu.memory_space<hbm>>) target(%dma_start3A_7 : memref<128x128xf32, #tpu.memory_space<vmem>>) offsets(%dma_start3A_10 : memref<128xi32, #tpu.memory_space<vmem>>) semaphore(%arg7 : memref<!tpu.dma_semaphore, #tpu.memory_space<semaphore_mem>>)
    %dma_start3A_14 = arith.constant 1 : i32
    %dma_start3A_15 = arith.constant 1 : i32
    %dma_start3A_16 = arith.constant 0 : i32
    %dma_start3A_17 = arith.constant 0 : i32
    %dma_start3A_18 = tpu.memref_slice %arg6[%dma_start3A_15, %dma_start3A_16, %dma_start3A_17] : memref<4x128x128xf32, #tpu.memory_space<vmem>> -> memref<1x128x128xf32, #tpu.memory_space<vmem>>
    %dma_start3A_19 = tpu.memref_squeeze %dma_start3A_18 : memref<1x128x128xf32, #tpu.memory_space<vmem>> -> memref<128x128xf32, #tpu.memory_space<vmem>>
    %dma_start3A_20 = arith.constant 0 : i32
    %dma_start3A_21 = tpu.memref_slice %arg5[%dma_start3A_14, %dma_start3A_20] : memref<200x128xi32, #tpu.memory_space<vmem>> -> memref<1x128xi32, #tpu.memory_space<vmem>>
    %dma_start3A_22 = tpu.memref_squeeze %dma_start3A_21 : memref<1x128xi32, #tpu.memory_space<vmem>> -> memref<128xi32, #tpu.memory_space<vmem>>
    %dma_start3A_23 = arith.constant 0 : i32
    %dma_start3A_24 = arith.constant 0 : i32
    %dma_start3A_25 = tpu.memref_slice %arg2[%dma_start3A_23, %dma_start3A_24] : memref<100000x128xf32, #tpu.memory_space<hbm>> -> memref<100000x128xf32, #tpu.memory_space<hbm>>
    tpu.enqueue_indirect_dma source(%dma_start3A_25 : memref<100000x128xf32, #tpu.memory_space<hbm>>) target(%dma_start3A_19 : memref<128x128xf32, #tpu.memory_space<vmem>>) offsets(%dma_start3A_22 : memref<128xi32, #tpu.memory_space<vmem>>) semaphore(%arg8 : memref<!tpu.dma_semaphore, #tpu.memory_space<semaphore_mem>>)
    %dma_wait3A = arith.constant 0 : i32
    %dma_wait3A_26 = arith.constant 0 : i32
    %dma_wait3A_27 = arith.constant 0 : i32
    %dma_wait3A_28 = arith.constant 0 : i32
    %dma_wait3A_29 = tpu.memref_slice %arg6[%dma_wait3A_26, %dma_wait3A_27, %dma_wait3A_28] : memref<4x128x128xf32, #tpu.memory_space<vmem>> -> memref<1x128x128xf32, #tpu.memory_space<vmem>>
    %dma_wait3A_30 = tpu.memref_squeeze %dma_wait3A_29 : memref<1x128x128xf32, #tpu.memory_space<vmem>> -> memref<128x128xf32, #tpu.memory_space<vmem>>
    %dma_wait3A_31 = arith.constant 0 : i32
    %dma_wait3A_32 = tpu.memref_slice %arg5[%dma_wait3A, %dma_wait3A_31] : memref<200x128xi32, #tpu.memory_space<vmem>> -> memref<1x128xi32, #tpu.memory_space<vmem>>
    %dma_wait3A_33 = tpu.memref_squeeze %dma_wait3A_32 : memref<1x128xi32, #tpu.memory_space<vmem>> -> memref<128xi32, #tpu.memory_space<vmem>>
    %dma_wait3A_34 = arith.constant 0 : i32
    %dma_wait3A_35 = arith.constant 0 : i32
    %dma_wait3A_36 = tpu.memref_slice %arg2[%dma_wait3A_34, %dma_wait3A_35] : memref<100000x128xf32, #tpu.memory_space<hbm>> -> memref<100000x128xf32, #tpu.memory_space<hbm>>
    tpu.wait_indirect_dma semaphore(%arg7 : memref<!tpu.dma_semaphore, #tpu.memory_space<semaphore_mem>>) src(%dma_wait3A_36 : memref<100000x128xf32, #tpu.memory_space<hbm>>) dst(%dma_wait3A_30 : memref<128x128xf32, #tpu.memory_space<vmem>>)
    %scan3A = arith.constant 0 : i32
    %scan3A_37 = arith.constant 0 : i32
    %scan3A_38 = arith.constant 128 : i32
    %scan3A_39 = arith.addi %scan3A_37, %scan3A_38 : i32
    %scan3A_40 = arith.constant 1 : i32
    scf.for %scan3A_245 = %scan3A_37 to %scan3A_39 step %scan3A_40  : i32 {
      %mul3A_246 = arith.constant 1 : i32
      %mul3A_247 = arith.muli %scan3A_245, %mul3A_246 : i32
      %add3A_248 = arith.constant 0 : i32
      %add3A_249 = arith.addi %add3A_248, %mul3A_247 : i32
      %get3A = arith.constant 0 : i32
      %get3A_250 = arith.constant 0 : i32
      %get3A_251 = tpu.memref_slice %arg6[%scan3A, %get3A, %get3A_250] : memref<4x128x128xf32, #tpu.memory_space<vmem>> -> memref<1x128x128xf32, #tpu.memory_space<vmem>>
      %get3A_252 = tpu.memref_squeeze %get3A_251 : memref<1x128x128xf32, #tpu.memory_space<vmem>> -> memref<128x128xf32, #tpu.memory_space<vmem>>
      %get3A_253 = arith.index_cast %add3A_249 : i32 to index
      %get3A_254 = arith.constant 0 : index
      %get3A_255 = tpu.vector_load %get3A_252[%get3A_253, %get3A_254] {strides = array<i32>} : memref<128x128xf32, #tpu.memory_space<vmem>>, vector<1x16xf32>,
      %get3A_256 = vector.shape_cast %get3A_255 : vector<1x16xf32> to vector<16xf32>
      %mul3A_257 = arith.constant 11.3137083 : f32
      %mul3A_258 = vector.broadcast %mul3A_257 : f32 to vector<16xf32>
      %mul3A_259 = arith.mulf %get3A_256, %mul3A_258 : vector<16xf32>
      %swap3A = arith.constant 0 : i32
      %swap3A_260 = arith.constant 0 : i32
      %swap3A_261 = tpu.memref_slice %arg6[%scan3A, %swap3A, %swap3A_260] : memref<4x128x128xf32, #tpu.memory_space<vmem>> -> memref<1x128x128xf32, #tpu.memory_space<vmem>>
      %swap3A_262 = tpu.memref_squeeze %swap3A_261 : memref<1x128x128xf32, #tpu.memory_space<vmem>> -> memref<128x128xf32, #tpu.memory_space<vmem>>
      %swap3A_263 = arith.index_cast %add3A_249 : i32 to index
      %swap3A_264 = arith.constant 0 : index
      %swap3A_265 = tpu.vector_load %swap3A_262[%swap3A_263, %swap3A_264] {strides = array<i32>} : memref<128x128xf32, #tpu.memory_space<vmem>>, vector<1x16xf32>,
      %swap3A_266 = vector.shape_cast %swap3A_265 : vector<1x16xf32> to vector<16xf32>
      %swap3A_267 = vector.shape_cast %mul3A_259 : vector<16xf32> to vector<1x16xf32>
      tpu.vector_store %swap3A_262[%swap3A_263, %swap3A_264], %swap3A_267 {strides = array<i32>} : memref<128x128xf32, #tpu.memory_space<vmem>>, vector<1x16xf32>,
      %get3A_268 = arith.constant 0 : i32
      %get3A_269 = arith.constant 0 : i32
      %get3A_270 = tpu.memref_slice %arg6[%scan3A, %get3A_268, %get3A_269] : memref<4x128x128xf32, #tpu.memory_space<vmem>> -> memref<1x128x128xf32, #tpu.memory_space<vmem>>
      %get3A_271 = tpu.memref_squeeze %get3A_270 : memref<1x128x128xf32, #tpu.memory_space<vmem>> -> memref<128x128xf32, #tpu.memory_space<vmem>>
      %get3A_272 = arith.index_cast %add3A_249 : i32 to index
      %get3A_273 = arith.constant 16 : index
      %get3A_274 = tpu.vector_load %get3A_271[%get3A_272, %get3A_273] {strides = array<i32>} : memref<128x128xf32, #tpu.memory_space<vmem>>, vector<1x16xf32>,
      %get3A_275 = vector.shape_cast %get3A_274 : vector<1x16xf32> to vector<16xf32>
      %mul3A_276 = arith.constant 11.3137083 : f32
      %mul3A_277 = vector.broadcast %mul3A_276 : f32 to vector<16xf32>
      %mul3A_278 = arith.mulf %get3A_275, %mul3A_277 : vector<16xf32>
      %swap3A_279 = arith.constant 0 : i32
      %swap3A_280 = arith.constant 0 : i32
      %swap3A_281 = tpu.memref_slice %arg6[%scan3A, %swap3A_279, %swap3A_280] : memref<4x128x128xf32, #tpu.memory_space<vmem>> -> memref<1x128x128xf32, #tpu.memory_space<vmem>>
      %swap3A_282 = tpu.memref_squeeze %swap3A_281 : memref<1x128x128xf32, #tpu.memory_space<vmem>> -> memref<128x128xf32, #tpu.memory_space<vmem>>
      %swap3A_283 = arith.index_cast %add3A_249 : i32 to index
      %swap3A_284 = arith.constant 16 : index
      %swap3A_285 = tpu.vector_load %swap3A_282[%swap3A_283, %swap3A_284] {strides = array<i32>} : memref<128x128xf32, #tpu.memory_space<vmem>>, vector<1x16xf32>,
      %swap3A_286 = vector.shape_cast %swap3A_285 : vector<1x16xf32> to vector<16xf32>
      %swap3A_287 = vector.shape_cast %mul3A_278 : vector<16xf32> to vector<1x16xf32>
      tpu.vector_store %swap3A_282[%swap3A_283, %swap3A_284], %swap3A_287 {strides = array<i32>} : memref<128x128xf32, #tpu.memory_space<vmem>>, vector<1x16xf32>,
      %get3A_288 = arith.constant 0 : i32
      %get3A_289 = arith.constant 0 : i32
      %get3A_290 = tpu.memref_slice %arg6[%scan3A, %get3A_288, %get3A_289] : memref<4x128x128xf32, #tpu.memory_space<vmem>> -> memref<1x128x128xf32, #tpu.memory_space<vmem>>
      %get3A_291 = tpu.memref_squeeze %get3A_290 : memref<1x128x128xf32, #tpu.memory_space<vmem>> -> memref<128x128xf32, #tpu.memory_space<vmem>>
      %get3A_292 = arith.index_cast %add3A_249 : i32 to index
      %get3A_293 = arith.constant 32 : index
      %get3A_294 = tpu.vector_load %get3A_291[%get3A_292, %get3A_293] {strides = array<i32>} : memref<128x128xf32, #tpu.memory_space<vmem>>, vector<1x16xf32>,
      %get3A_295 = vector.shape_cast %get3A_294 : vector<1x16xf32> to vector<16xf32>
      %mul3A_296 = arith.constant 11.3137083 : f32
      %mul3A_297 = vector.broadcast %mul3A_296 : f32 to vector<16xf32>
      %mul3A_298 = arith.mulf %get3A_295, %mul3A_297 : vector<16xf32>
      %swap3A_299 = arith.constant 0 : i32
      %swap3A_300 = arith.constant 0 : i32
      %swap3A_301 = tpu.memref_slice %arg6[%scan3A, %swap3A_299, %swap3A_300] : memref<4x128x128xf32, #tpu.memory_space<vmem>> -> memref<1x128x128xf32, #tpu.memory_space<vmem>>
      %swap3A_302 = tpu.memref_squeeze %swap3A_301 : memref<1x128x128xf32, #tpu.memory_space<vmem>> -> memref<128x128xf32, #tpu.memory_space<vmem>>
      %swap3A_303 = arith.index_cast %add3A_249 : i32 to index
      %swap3A_304 = arith.constant 32 : index
      %swap3A_305 = tpu.vector_load %swap3A_302[%swap3A_303, %swap3A_304] {strides = array<i32>} : memref<128x128xf32, #tpu.memory_space<vmem>>, vector<1x16xf32>,
      %swap3A_306 = vector.shape_cast %swap3A_305 : vector<1x16xf32> to vector<16xf32>
      %swap3A_307 = vector.shape_cast %mul3A_298 : vector<16xf32> to vector<1x16xf32>
      tpu.vector_store %swap3A_302[%swap3A_303, %swap3A_304], %swap3A_307 {strides = array<i32>} : memref<128x128xf32, #tpu.memory_space<vmem>>, vector<1x16xf32>,
      %get3A_308 = arith.constant 0 : i32
      %get3A_309 = arith.constant 0 : i32
      %get3A_310 = tpu.memref_slice %arg6[%scan3A, %get3A_308, %get3A_309] : memref<4x128x128xf32, #tpu.memory_space<vmem>> -> memref<1x128x128xf32, #tpu.memory_space<vmem>>
      %get3A_311 = tpu.memref_squeeze %get3A_310 : memref<1x128x128xf32, #tpu.memory_space<vmem>> -> memref<128x128xf32, #tpu.memory_space<vmem>>
      %get3A_312 = arith.index_cast %add3A_249 : i32 to index
      %get3A_313 = arith.constant 48 : index
      %get3A_314 = tpu.vector_load %get3A_311[%get3A_312, %get3A_313] {strides = array<i32>} : memref<128x128xf32, #tpu.memory_space<vmem>>, vector<1x16xf32>,
      %get3A_315 = vector.shape_cast %get3A_314 : vector<1x16xf32> to vector<16xf32>
      %mul3A_316 = arith.constant 11.3137083 : f32
      %mul3A_317 = vector.broadcast %mul3A_316 : f32 to vector<16xf32>
      %mul3A_318 = arith.mulf %get3A_315, %mul3A_317 : vector<16xf32>
      %swap3A_319 = arith.constant 0 : i32
      %swap3A_320 = arith.constant 0 : i32
      %swap3A_321 = tpu.memref_slice %arg6[%scan3A, %swap3A_319, %swap3A_320] : memref<4x128x128xf32, #tpu.memory_space<vmem>> -> memref<1x128x128xf32, #tpu.memory_space<vmem>>
      %swap3A_322 = tpu.memref_squeeze %swap3A_321 : memref<1x128x128xf32, #tpu.memory_space<vmem>> -> memref<128x128xf32, #tpu.memory_space<vmem>>
      %swap3A_323 = arith.index_cast %add3A_249 : i32 to index
      %swap3A_324 = arith.constant 48 : index
      %swap3A_325 = tpu.vector_load %swap3A_322[%swap3A_323, %swap3A_324] {strides = array<i32>} : memref<128x128xf32, #tpu.memory_space<vmem>>, vector<1x16xf32>,
      %swap3A_326 = vector.shape_cast %swap3A_325 : vector<1x16xf32> to vector<16xf32>
      %swap3A_327 = vector.shape_cast %mul3A_318 : vector<16xf32> to vector<1x16xf32>
      tpu.vector_store %swap3A_322[%swap3A_323, %swap3A_324], %swap3A_327 {strides = array<i32>} : memref<128x128xf32, #tpu.memory_space<vmem>>, vector<1x16xf32>,
      %get3A_328 = arith.constant 0 : i32
      %get3A_329 = arith.constant 0 : i32
      %get3A_330 = tpu.memref_slice %arg6[%scan3A, %get3A_328, %get3A_329] : memref<4x128x128xf32, #tpu.memory_space<vmem>> -> memref<1x128x128xf32, #tpu.memory_space<vmem>>
      %get3A_331 = tpu.memref_squeeze %get3A_330 : memref<1x128x128xf32, #tpu.memory_space<vmem>> -> memref<128x128xf32, #tpu.memory_space<vmem>>
      %get3A_332 = arith.index_cast %add3A_249 : i32 to index
      %get3A_333 = arith.constant 64 : index
      %get3A_334 = tpu.vector_load %get3A_331[%get3A_332, %get3A_333] {strides = array<i32>} : memref<128x128xf32, #tpu.memory_space<vmem>>, vector<1x16xf32>,
      %get3A_335 = vector.shape_cast %get3A_334 : vector<1x16xf32> to vector<16xf32>
      %mul3A_336 = arith.constant 11.3137083 : f32
      %mul3A_337 = vector.broadcast %mul3A_336 : f32 to vector<16xf32>
      %mul3A_338 = arith.mulf %get3A_335, %mul3A_337 : vector<16xf32>
      %swap3A_339 = arith.constant 0 : i32
      %swap3A_340 = arith.constant 0 : i32
      %swap3A_341 = tpu.memref_slice %arg6[%scan3A, %swap3A_339, %swap3A_340] : memref<4x128x128xf32, #tpu.memory_space<vmem>> -> memref<1x128x128xf32, #tpu.memory_space<vmem>>
      %swap3A_342 = tpu.memref_squeeze %swap3A_341 : memref<1x128x128xf32, #tpu.memory_space<vmem>> -> memref<128x128xf32, #tpu.memory_space<vmem>>
      %swap3A_343 = arith.index_cast %add3A_249 : i32 to index
      %swap3A_344 = arith.constant 64 : index
      %swap3A_345 = tpu.vector_load %swap3A_342[%swap3A_343, %swap3A_344] {strides = array<i32>} : memref<128x128xf32, #tpu.memory_space<vmem>>, vector<1x16xf32>,
      %swap3A_346 = vector.shape_cast %swap3A_345 : vector<1x16xf32> to vector<16xf32>
      %swap3A_347 = vector.shape_cast %mul3A_338 : vector<16xf32> to vector<1x16xf32>
      tpu.vector_store %swap3A_342[%swap3A_343, %swap3A_344], %swap3A_347 {strides = array<i32>} : memref<128x128xf32, #tpu.memory_space<vmem>>, vector<1x16xf32>,
      %get3A_348 = arith.constant 0 : i32
      %get3A_349 = arith.constant 0 : i32
      %get3A_350 = tpu.memref_slice %arg6[%scan3A, %get3A_348, %get3A_349] : memref<4x128x128xf32, #tpu.memory_space<vmem>> -> memref<1x128x128xf32, #tpu.memory_space<vmem>>
      %get3A_351 = tpu.memref_squeeze %get3A_350 : memref<1x128x128xf32, #tpu.memory_space<vmem>> -> memref<128x128xf32, #tpu.memory_space<vmem>>
      %get3A_352 = arith.index_cast %add3A_249 : i32 to index
      %get3A_353 = arith.constant 80 : index
      %get3A_354 = tpu.vector_load %get3A_351[%get3A_352, %get3A_353] {strides = array<i32>} : memref<128x128xf32, #tpu.memory_space<vmem>>, vector<1x16xf32>,
      %get3A_355 = vector.shape_cast %get3A_354 : vector<1x16xf32> to vector<16xf32>
      %mul3A_356 = arith.constant 11.3137083 : f32
      %mul3A_357 = vector.broadcast %mul3A_356 : f32 to vector<16xf32>
      %mul3A_358 = arith.mulf %get3A_355, %mul3A_357 : vector<16xf32>
      %swap3A_359 = arith.constant 0 : i32
      %swap3A_360 = arith.constant 0 : i32
      %swap3A_361 = tpu.memref_slice %arg6[%scan3A, %swap3A_359, %swap3A_360] : memref<4x128x128xf32, #tpu.memory_space<vmem>> -> memref<1x128x128xf32, #tpu.memory_space<vmem>>
      %swap3A_362 = tpu.memref_squeeze %swap3A_361 : memref<1x128x128xf32, #tpu.memory_space<vmem>> -> memref<128x128xf32, #tpu.memory_space<vmem>>
      %swap3A_363 = arith.index_cast %add3A_249 : i32 to index
      %swap3A_364 = arith.constant 80 : index
      %swap3A_365 = tpu.vector_load %swap3A_362[%swap3A_363, %swap3A_364] {strides = array<i32>} : memref<128x128xf32, #tpu.memory_space<vmem>>, vector<1x16xf32>,
      %swap3A_366 = vector.shape_cast %swap3A_365 : vector<1x16xf32> to vector<16xf32>
      %swap3A_367 = vector.shape_cast %mul3A_358 : vector<16xf32> to vector<1x16xf32>
      tpu.vector_store %swap3A_362[%swap3A_363, %swap3A_364], %swap3A_367 {strides = array<i32>} : memref<128x128xf32, #tpu.memory_space<vmem>>, vector<1x16xf32>,
      %get3A_368 = arith.constant 0 : i32
      %get3A_369 = arith.constant 0 : i32
      %get3A_370 = tpu.memref_slice %arg6[%scan3A, %get3A_368, %get3A_369] : memref<4x128x128xf32, #tpu.memory_space<vmem>> -> memref<1x128x128xf32, #tpu.memory_space<vmem>>
      %get3A_371 = tpu.memref_squeeze %get3A_370 : memref<1x128x128xf32, #tpu.memory_space<vmem>> -> memref<128x128xf32, #tpu.memory_space<vmem>>
      %get3A_372 = arith.index_cast %add3A_249 : i32 to index
      %get3A_373 = arith.constant 96 : index
      %get3A_374 = tpu.vector_load %get3A_371[%get3A_372, %get3A_373] {strides = array<i32>} : memref<128x128xf32, #tpu.memory_space<vmem>>, vector<1x16xf32>,
      %get3A_375 = vector.shape_cast %get3A_374 : vector<1x16xf32> to vector<16xf32>
      %mul3A_376 = arith.constant 11.3137083 : f32
      %mul3A_377 = vector.broadcast %mul3A_376 : f32 to vector<16xf32>
      %mul3A_378 = arith.mulf %get3A_375, %mul3A_377 : vector<16xf32>
      %swap3A_379 = arith.constant 0 : i32
      %swap3A_380 = arith.constant 0 : i32
      %swap3A_381 = tpu.memref_slice %arg6[%scan3A, %swap3A_379, %swap3A_380] : memref<4x128x128xf32, #tpu.memory_space<vmem>> -> memref<1x128x128xf32, #tpu.memory_space<vmem>>
      %swap3A_382 = tpu.memref_squeeze %swap3A_381 : memref<1x128x128xf32, #tpu.memory_space<vmem>> -> memref<128x128xf32, #tpu.memory_space<vmem>>
      %swap3A_383 = arith.index_cast %add3A_249 : i32 to index
      %swap3A_384 = arith.constant 96 : index
      %swap3A_385 = tpu.vector_load %swap3A_382[%swap3A_383, %swap3A_384] {strides = array<i32>} : memref<128x128xf32, #tpu.memory_space<vmem>>, vector<1x16xf32>,
      %swap3A_386 = vector.shape_cast %swap3A_385 : vector<1x16xf32> to vector<16xf32>
      %swap3A_387 = vector.shape_cast %mul3A_378 : vector<16xf32> to vector<1x16xf32>
      tpu.vector_store %swap3A_382[%swap3A_383, %swap3A_384], %swap3A_387 {strides = array<i32>} : memref<128x128xf32, #tpu.memory_space<vmem>>, vector<1x16xf32>,
      %get3A_388 = arith.constant 0 : i32
      %get3A_389 = arith.constant 0 : i32
      %get3A_390 = tpu.memref_slice %arg6[%scan3A, %get3A_388, %get3A_389] : memref<4x128x128xf32, #tpu.memory_space<vmem>> -> memref<1x128x128xf32, #tpu.memory_space<vmem>>
      %get3A_391 = tpu.memref_squeeze %get3A_390 : memref<1x128x128xf32, #tpu.memory_space<vmem>> -> memref<128x128xf32, #tpu.memory_space<vmem>>
      %get3A_392 = arith.index_cast %add3A_249 : i32 to index
      %get3A_393 = arith.constant 112 : index
      %get3A_394 = tpu.vector_load %get3A_391[%get3A_392, %get3A_393] {strides = array<i32>} : memref<128x128xf32, #tpu.memory_space<vmem>>, vector<1x16xf32>,
      %get3A_395 = vector.shape_cast %get3A_394 : vector<1x16xf32> to vector<16xf32>
      %mul3A_396 = arith.constant 11.3137083 : f32
      %mul3A_397 = vector.broadcast %mul3A_396 : f32 to vector<16xf32>
      %mul3A_398 = arith.mulf %get3A_395, %mul3A_397 : vector<16xf32>
      %swap3A_399 = arith.constant 0 : i32
      %swap3A_400 = arith.constant 0 : i32
      %swap3A_401 = tpu.memref_slice %arg6[%scan3A, %swap3A_399, %swap3A_400] : memref<4x128x128xf32, #tpu.memory_space<vmem>> -> memref<1x128x128xf32, #tpu.memory_space<vmem>>
      %swap3A_402 = tpu.memref_squeeze %swap3A_401 : memref<1x128x128xf32, #tpu.memory_space<vmem>> -> memref<128x128xf32, #tpu.memory_space<vmem>>
      %swap3A_403 = arith.index_cast %add3A_249 : i32 to index
      %swap3A_404 = arith.constant 112 : index
      %swap3A_405 = tpu.vector_load %swap3A_402[%swap3A_403, %swap3A_404] {strides = array<i32>} : memref<128x128xf32, #tpu.memory_space<vmem>>, vector<1x16xf32>,
      %swap3A_406 = vector.shape_cast %swap3A_405 : vector<1x16xf32> to vector<16xf32>
      %swap3A_407 = vector.shape_cast %mul3A_398 : vector<16xf32> to vector<1x16xf32>
      tpu.vector_store %swap3A_402[%swap3A_403, %swap3A_404], %swap3A_407 {strides = array<i32>} : memref<128x128xf32, #tpu.memory_space<vmem>>, vector<1x16xf32>,
    }
    %scan3A_41 = arith.constant 128 : i32
    %add3A_42 = arith.constant 0 : i32
    %add3A_43 = arith.addi %mul3A_2, %add3A_42 : i32
    %dma_start3A_44 = arith.constant 0 : i32
    %dma_start3A_45 = arith.constant 0 : i32
    %dma_start3A_46 = arith.constant 0 : i32
    %dma_start3A_47 = tpu.memref_slice %arg6[%dma_start3A_44, %dma_start3A_45, %dma_start3A_46] : memref<4x128x128xf32, #tpu.memory_space<vmem>> -> memref<1x128x128xf32, #tpu.memory_space<vmem>>
    %dma_start3A_48 = tpu.memref_squeeze %dma_start3A_47 : memref<1x128x128xf32, #tpu.memory_space<vmem>> -> memref<128x128xf32, #tpu.memory_space<vmem>>
    %dma_start3A_49 = arith.constant 0 : i32
    %dma_start3A_50 = tpu.memref_slice %arg4[%add3A_43, %dma_start3A_49] : memref<819200x128xf32, #tpu.memory_space<hbm>> -> memref<128x128xf32, #tpu.memory_space<hbm>>
    %dma_start3A_51 = arith.constant 0 : i32
    %dma_start3A_52 = tpu.memref_slice %arg4[%add3A_43, %dma_start3A_51] : memref<819200x128xf32, #tpu.memory_space<hbm>> -> memref<128x128xf32, #tpu.memory_space<hbm>>
    %dma_start3A_53 = arith.constant 0 : i32
    %dma_start3A_54 = arith.constant 0 : i32
    %dma_start3A_55 = tpu.memref_slice %arg6[%dma_start3A_44, %dma_start3A_53, %dma_start3A_54] : memref<4x128x128xf32, #tpu.memory_space<vmem>> -> memref<1x128x128xf32, #tpu.memory_space<vmem>>
    %dma_start3A_56 = tpu.memref_squeeze %dma_start3A_55 : memref<1x128x128xf32, #tpu.memory_space<vmem>> -> memref<128x128xf32, #tpu.memory_space<vmem>>
    tpu.enqueue_dma source(%dma_start3A_56 : memref<128x128xf32, #tpu.memory_space<vmem>>) target(%dma_start3A_52 : memref<128x128xf32, #tpu.memory_space<hbm>>) target_semaphore(%arg11 : memref<!tpu.dma_semaphore, #tpu.memory_space<semaphore_mem>>)
    %dma_start3A_57 = arith.constant 2 : i32
    %dma_start3A_58 = arith.constant 2 : i32
    %dma_start3A_59 = arith.constant 0 : i32
    %dma_start3A_60 = arith.constant 0 : i32
    %dma_start3A_61 = tpu.memref_slice %arg6[%dma_start3A_58, %dma_start3A_59, %dma_start3A_60] : memref<4x128x128xf32, #tpu.memory_space<vmem>> -> memref<1x128x128xf32, #tpu.memory_space<vmem>>
    %dma_start3A_62 = tpu.memref_squeeze %dma_start3A_61 : memref<1x128x128xf32, #tpu.memory_space<vmem>> -> memref<128x128xf32, #tpu.memory_space<vmem>>
    %dma_start3A_63 = arith.constant 0 : i32
    %dma_start3A_64 = tpu.memref_slice %arg5[%dma_start3A_57, %dma_start3A_63] : memref<200x128xi32, #tpu.memory_space<vmem>> -> memref<1x128xi32, #tpu.memory_space<vmem>>
    %dma_start3A_65 = tpu.memref_squeeze %dma_start3A_64 : memref<1x128xi32, #tpu.memory_space<vmem>> -> memref<128xi32, #tpu.memory_space<vmem>>
    %dma_start3A_66 = arith.constant 0 : i32
    %dma_start3A_67 = arith.constant 0 : i32
    %dma_start3A_68 = tpu.memref_slice %arg2[%dma_start3A_66, %dma_start3A_67] : memref<100000x128xf32, #tpu.memory_space<hbm>> -> memref<100000x128xf32, #tpu.memory_space<hbm>>
    tpu.enqueue_indirect_dma source(%dma_start3A_68 : memref<100000x128xf32, #tpu.memory_space<hbm>>) target(%dma_start3A_62 : memref<128x128xf32, #tpu.memory_space<vmem>>) offsets(%dma_start3A_65 : memref<128xi32, #tpu.memory_space<vmem>>) semaphore(%arg9 : memref<!tpu.dma_semaphore, #tpu.memory_space<semaphore_mem>>)
    %dma_wait3A_69 = arith.constant 1 : i32
    %dma_wait3A_70 = arith.constant 1 : i32
    %dma_wait3A_71 = arith.constant 0 : i32
    %dma_wait3A_72 = arith.constant 0 : i32
    %dma_wait3A_73 = tpu.memref_slice %arg6[%dma_wait3A_70, %dma_wait3A_71, %dma_wait3A_72] : memref<4x128x128xf32, #tpu.memory_space<vmem>> -> memref<1x128x128xf32, #tpu.memory_space<vmem>>
    %dma_wait3A_74 = tpu.memref_squeeze %dma_wait3A_73 : memref<1x128x128xf32, #tpu.memory_space<vmem>> -> memref<128x128xf32, #tpu.memory_space<vmem>>
    %dma_wait3A_75 = arith.constant 0 : i32
    %dma_wait3A_76 = tpu.memref_slice %arg5[%dma_wait3A_69, %dma_wait3A_75] : memref<200x128xi32, #tpu.memory_space<vmem>> -> memref<1x128xi32, #tpu.memory_space<vmem>>
    %dma_wait3A_77 = tpu.memref_squeeze %dma_wait3A_76 : memref<1x128xi32, #tpu.memory_space<vmem>> -> memref<128xi32, #tpu.memory_space<vmem>>
    %dma_wait3A_78 = arith.constant 0 : i32
    %dma_wait3A_79 = arith.constant 0 : i32
    %dma_wait3A_80 = tpu.memref_slice %arg2[%dma_wait3A_78, %dma_wait3A_79] : memref<100000x128xf32, #tpu.memory_space<hbm>> -> memref<100000x128xf32, #tpu.memory_space<hbm>>
    tpu.wait_indirect_dma semaphore(%arg8 : memref<!tpu.dma_semaphore, #tpu.memory_space<semaphore_mem>>) src(%dma_wait3A_80 : memref<100000x128xf32, #tpu.memory_space<hbm>>) dst(%dma_wait3A_74 : memref<128x128xf32, #tpu.memory_space<vmem>>)
    %scan3A_81 = arith.constant 1 : i32
    %scan3A_82 = arith.constant 0 : i32
    %scan3A_83 = arith.constant 128 : i32
    %scan3A_84 = arith.addi %scan3A_82, %scan3A_83 : i32
    %scan3A_85 = arith.constant 1 : i32
    scf.for %scan3A_245 = %scan3A_82 to %scan3A_84 step %scan3A_85  : i32 {
      %mul3A_246 = arith.constant 1 : i32
      %mul3A_247 = arith.muli %scan3A_245, %mul3A_246 : i32
      %add3A_248 = arith.constant 0 : i32
      %add3A_249 = arith.addi %add3A_248, %mul3A_247 : i32
      %get3A = arith.constant 0 : i32
      %get3A_250 = arith.constant 0 : i32
      %get3A_251 = tpu.memref_slice %arg6[%scan3A_81, %get3A, %get3A_250] : memref<4x128x128xf32, #tpu.memory_space<vmem>> -> memref<1x128x128xf32, #tpu.memory_space<vmem>>
      %get3A_252 = tpu.memref_squeeze %get3A_251 : memref<1x128x128xf32, #tpu.memory_space<vmem>> -> memref<128x128xf32, #tpu.memory_space<vmem>>
      %get3A_253 = arith.index_cast %add3A_249 : i32 to index
      %get3A_254 = arith.constant 0 : index
      %get3A_255 = tpu.vector_load %get3A_252[%get3A_253, %get3A_254] {strides = array<i32>} : memref<128x128xf32, #tpu.memory_space<vmem>>, vector<1x16xf32>,
      %get3A_256 = vector.shape_cast %get3A_255 : vector<1x16xf32> to vector<16xf32>
      %mul3A_257 = arith.constant 11.3137083 : f32
      %mul3A_258 = vector.broadcast %mul3A_257 : f32 to vector<16xf32>
      %mul3A_259 = arith.mulf %get3A_256, %mul3A_258 : vector<16xf32>
      %swap3A = arith.constant 0 : i32
      %swap3A_260 = arith.constant 0 : i32
      %swap3A_261 = tpu.memref_slice %arg6[%scan3A_81, %swap3A, %swap3A_260] : memref<4x128x128xf32, #tpu.memory_space<vmem>> -> memref<1x128x128xf32, #tpu.memory_space<vmem>>
      %swap3A_262 = tpu.memref_squeeze %swap3A_261 : memref<1x128x128xf32, #tpu.memory_space<vmem>> -> memref<128x128xf32, #tpu.memory_space<vmem>>
      %swap3A_263 = arith.index_cast %add3A_249 : i32 to index
      %swap3A_264 = arith.constant 0 : index
      %swap3A_265 = tpu.vector_load %swap3A_262[%swap3A_263, %swap3A_264] {strides = array<i32>} : memref<128x128xf32, #tpu.memory_space<vmem>>, vector<1x16xf32>,
      %swap3A_266 = vector.shape_cast %swap3A_265 : vector<1x16xf32> to vector<16xf32>
      %swap3A_267 = vector.shape_cast %mul3A_259 : vector<16xf32> to vector<1x16xf32>
      tpu.vector_store %swap3A_262[%swap3A_263, %swap3A_264], %swap3A_267 {strides = array<i32>} : memref<128x128xf32, #tpu.memory_space<vmem>>, vector<1x16xf32>,
      %get3A_268 = arith.constant 0 : i32
      %get3A_269 = arith.constant 0 : i32
      %get3A_270 = tpu.memref_slice %arg6[%scan3A_81, %get3A_268, %get3A_269] : memref<4x128x128xf32, #tpu.memory_space<vmem>> -> memref<1x128x128xf32, #tpu.memory_space<vmem>>
      %get3A_271 = tpu.memref_squeeze %get3A_270 : memref<1x128x128xf32, #tpu.memory_space<vmem>> -> memref<128x128xf32, #tpu.memory_space<vmem>>
      %get3A_272 = arith.index_cast %add3A_249 : i32 to index
      %get3A_273 = arith.constant 16 : index
      %get3A_274 = tpu.vector_load %get3A_271[%get3A_272, %get3A_273] {strides = array<i32>} : memref<128x128xf32, #tpu.memory_space<vmem>>, vector<1x16xf32>,
      %get3A_275 = vector.shape_cast %get3A_274 : vector<1x16xf32> to vector<16xf32>
      %mul3A_276 = arith.constant 11.3137083 : f32
      %mul3A_277 = vector.broadcast %mul3A_276 : f32 to vector<16xf32>
      %mul3A_278 = arith.mulf %get3A_275, %mul3A_277 : vector<16xf32>
      %swap3A_279 = arith.constant 0 : i32
      %swap3A_280 = arith.constant 0 : i32
      %swap3A_281 = tpu.memref_slice %arg6[%scan3A_81, %swap3A_279, %swap3A_280] : memref<4x128x128xf32, #tpu.memory_space<vmem>> -> memref<1x128x128xf32, #tpu.memory_space<vmem>>
      %swap3A_282 = tpu.memref_squeeze %swap3A_281 : memref<1x128x128xf32, #tpu.memory_space<vmem>> -> memref<128x128xf32, #tpu.memory_space<vmem>>
      %swap3A_283 = arith.index_cast %add3A_249 : i32 to index
      %swap3A_284 = arith.constant 16 : index
      %swap3A_285 = tpu.vector_load %swap3A_282[%swap3A_283, %swap3A_284] {strides = array<i32>} : memref<128x128xf32, #tpu.memory_space<vmem>>, vector<1x16xf32>,
      %swap3A_286 = vector.shape_cast %swap3A_285 : vector<1x16xf32> to vector<16xf32>
      %swap3A_287 = vector.shape_cast %mul3A_278 : vector<16xf32> to vector<1x16xf32>
      tpu.vector_store %swap3A_282[%swap3A_283, %swap3A_284], %swap3A_287 {strides = array<i32>} : memref<128x128xf32, #tpu.memory_space<vmem>>, vector<1x16xf32>,
      %get3A_288 = arith.constant 0 : i32
      %get3A_289 = arith.constant 0 : i32
      %get3A_290 = tpu.memref_slice %arg6[%scan3A_81, %get3A_288, %get3A_289] : memref<4x128x128xf32, #tpu.memory_space<vmem>> -> memref<1x128x128xf32, #tpu.memory_space<vmem>>
      %get3A_291 = tpu.memref_squeeze %get3A_290 : memref<1x128x128xf32, #tpu.memory_space<vmem>> -> memref<128x128xf32, #tpu.memory_space<vmem>>
      %get3A_292 = arith.index_cast %add3A_249 : i32 to index
      %get3A_293 = arith.constant 32 : index
      %get3A_294 = tpu.vector_load %get3A_291[%get3A_292, %get3A_293] {strides = array<i32>} : memref<128x128xf32, #tpu.memory_space<vmem>>, vector<1x16xf32>,
      %get3A_295 = vector.shape_cast %get3A_294 : vector<1x16xf32> to vector<16xf32>
      %mul3A_296 = arith.constant 11.3137083 : f32
      %mul3A_297 = vector.broadcast %mul3A_296 : f32 to vector<16xf32>
      %mul3A_298 = arith.mulf %get3A_295, %mul3A_297 : vector<16xf32>
      %swap3A_299 = arith.constant 0 : i32
      %swap3A_300 = arith.constant 0 : i32
      %swap3A_301 = tpu.memref_slice %arg6[%scan3A_81, %swap3A_299, %swap3A_300] : memref<4x128x128xf32, #tpu.memory_space<vmem>> -> memref<1x128x128xf32, #tpu.memory_space<vmem>>
      %swap3A_302 = tpu.memref_squeeze %swap3A_301 : memref<1x128x128xf32, #tpu.memory_space<vmem>> -> memref<128x128xf32, #tpu.memory_space<vmem>>
      %swap3A_303 = arith.index_cast %add3A_249 : i32 to index
      %swap3A_304 = arith.constant 32 : index
      %swap3A_305 = tpu.vector_load %swap3A_302[%swap3A_303, %swap3A_304] {strides = array<i32>} : memref<128x128xf32, #tpu.memory_space<vmem>>, vector<1x16xf32>,
      %swap3A_306 = vector.shape_cast %swap3A_305 : vector<1x16xf32> to vector<16xf32>
      %swap3A_307 = vector.shape_cast %mul3A_298 : vector<16xf32> to vector<1x16xf32>
      tpu.vector_store %swap3A_302[%swap3A_303, %swap3A_304], %swap3A_307 {strides = array<i32>} : memref<128x128xf32, #tpu.memory_space<vmem>>, vector<1x16xf32>,
      %get3A_308 = arith.constant 0 : i32
      %get3A_309 = arith.constant 0 : i32
      %get3A_310 = tpu.memref_slice %arg6[%scan3A_81, %get3A_308, %get3A_309] : memref<4x128x128xf32, #tpu.memory_space<vmem>> -> memref<1x128x128xf32, #tpu.memory_space<vmem>>
      %get3A_311 = tpu.memref_squeeze %get3A_310 : memref<1x128x128xf32, #tpu.memory_space<vmem>> -> memref<128x128xf32, #tpu.memory_space<vmem>>
      %get3A_312 = arith.index_cast %add3A_249 : i32 to index
      %get3A_313 = arith.constant 48 : index
      %get3A_314 = tpu.vector_load %get3A_311[%get3A_312, %get3A_313] {strides = array<i32>} : memref<128x128xf32, #tpu.memory_space<vmem>>, vector<1x16xf32>,
      %get3A_315 = vector.shape_cast %get3A_314 : vector<1x16xf32> to vector<16xf32>
      %mul3A_316 = arith.constant 11.3137083 : f32
      %mul3A_317 = vector.broadcast %mul3A_316 : f32 to vector<16xf32>
      %mul3A_318 = arith.mulf %get3A_315, %mul3A_317 : vector<16xf32>
      %swap3A_319 = arith.constant 0 : i32
      %swap3A_320 = arith.constant 0 : i32
      %swap3A_321 = tpu.memref_slice %arg6[%scan3A_81, %swap3A_319, %swap3A_320] : memref<4x128x128xf32, #tpu.memory_space<vmem>> -> memref<1x128x128xf32, #tpu.memory_space<vmem>>
      %swap3A_322 = tpu.memref_squeeze %swap3A_321 : memref<1x128x128xf32, #tpu.memory_space<vmem>> -> memref<128x128xf32, #tpu.memory_space<vmem>>
      %swap3A_323 = arith.index_cast %add3A_249 : i32 to index
      %swap3A_324 = arith.constant 48 : index
      %swap3A_325 = tpu.vector_load %swap3A_322[%swap3A_323, %swap3A_324] {strides = array<i32>} : memref<128x128xf32, #tpu.memory_space<vmem>>, vector<1x16xf32>,
      %swap3A_326 = vector.shape_cast %swap3A_325 : vector<1x16xf32> to vector<16xf32>
      %swap3A_327 = vector.shape_cast %mul3A_318 : vector<16xf32> to vector<1x16xf32>
      tpu.vector_store %swap3A_322[%swap3A_323, %swap3A_324], %swap3A_327 {strides = array<i32>} : memref<128x128xf32, #tpu.memory_space<vmem>>, vector<1x16xf32>,
      %get3A_328 = arith.constant 0 : i32
      %get3A_329 = arith.constant 0 : i32
      %get3A_330 = tpu.memref_slice %arg6[%scan3A_81, %get3A_328, %get3A_329] : memref<4x128x128xf32, #tpu.memory_space<vmem>> -> memref<1x128x128xf32, #tpu.memory_space<vmem>>
      %get3A_331 = tpu.memref_squeeze %get3A_330 : memref<1x128x128xf32, #tpu.memory_space<vmem>> -> memref<128x128xf32, #tpu.memory_space<vmem>>
      %get3A_332 = arith.index_cast %add3A_249 : i32 to index
      %get3A_333 = arith.constant 64 : index
      %get3A_334 = tpu.vector_load %get3A_331[%get3A_332, %get3A_333] {strides = array<i32>} : memref<128x128xf32, #tpu.memory_space<vmem>>, vector<1x16xf32>,
      %get3A_335 = vector.shape_cast %get3A_334 : vector<1x16xf32> to vector<16xf32>
      %mul3A_336 = arith.constant 11.3137083 : f32
      %mul3A_337 = vector.broadcast %mul3A_336 : f32 to vector<16xf32>
      %mul3A_338 = arith.mulf %get3A_335, %mul3A_337 : vector<16xf32>
      %swap3A_339 = arith.constant 0 : i32
      %swap3A_340 = arith.constant 0 : i32
      %swap3A_341 = tpu.memref_slice %arg6[%scan3A_81, %swap3A_339, %swap3A_340] : memref<4x128x128xf32, #tpu.memory_space<vmem>> -> memref<1x128x128xf32, #tpu.memory_space<vmem>>
      %swap3A_342 = tpu.memref_squeeze %swap3A_341 : memref<1x128x128xf32, #tpu.memory_space<vmem>> -> memref<128x128xf32, #tpu.memory_space<vmem>>
      %swap3A_343 = arith.index_cast %add3A_249 : i32 to index
      %swap3A_344 = arith.constant 64 : index
      %swap3A_345 = tpu.vector_load %swap3A_342[%swap3A_343, %swap3A_344] {strides = array<i32>} : memref<128x128xf32, #tpu.memory_space<vmem>>, vector<1x16xf32>,
      %swap3A_346 = vector.shape_cast %swap3A_345 : vector<1x16xf32> to vector<16xf32>
      %swap3A_347 = vector.shape_cast %mul3A_338 : vector<16xf32> to vector<1x16xf32>
      tpu.vector_store %swap3A_342[%swap3A_343, %swap3A_344], %swap3A_347 {strides = array<i32>} : memref<128x128xf32, #tpu.memory_space<vmem>>, vector<1x16xf32>,
      %get3A_348 = arith.constant 0 : i32
      %get3A_349 = arith.constant 0 : i32
      %get3A_350 = tpu.memref_slice %arg6[%scan3A_81, %get3A_348, %get3A_349] : memref<4x128x128xf32, #tpu.memory_space<vmem>> -> memref<1x128x128xf32, #tpu.memory_space<vmem>>
      %get3A_351 = tpu.memref_squeeze %get3A_350 : memref<1x128x128xf32, #tpu.memory_space<vmem>> -> memref<128x128xf32, #tpu.memory_space<vmem>>
      %get3A_352 = arith.index_cast %add3A_249 : i32 to index
      %get3A_353 = arith.constant 80 : index
      %get3A_354 = tpu.vector_load %get3A_351[%get3A_352, %get3A_353] {strides = array<i32>} : memref<128x128xf32, #tpu.memory_space<vmem>>, vector<1x16xf32>,
      %get3A_355 = vector.shape_cast %get3A_354 : vector<1x16xf32> to vector<16xf32>
      %mul3A_356 = arith.constant 11.3137083 : f32
      %mul3A_357 = vector.broadcast %mul3A_356 : f32 to vector<16xf32>
      %mul3A_358 = arith.mulf %get3A_355, %mul3A_357 : vector<16xf32>
      %swap3A_359 = arith.constant 0 : i32
      %swap3A_360 = arith.constant 0 : i32
      %swap3A_361 = tpu.memref_slice %arg6[%scan3A_81, %swap3A_359, %swap3A_360] : memref<4x128x128xf32, #tpu.memory_space<vmem>> -> memref<1x128x128xf32, #tpu.memory_space<vmem>>
      %swap3A_362 = tpu.memref_squeeze %swap3A_361 : memref<1x128x128xf32, #tpu.memory_space<vmem>> -> memref<128x128xf32, #tpu.memory_space<vmem>>
      %swap3A_363 = arith.index_cast %add3A_249 : i32 to index
      %swap3A_364 = arith.constant 80 : index
      %swap3A_365 = tpu.vector_load %swap3A_362[%swap3A_363, %swap3A_364] {strides = array<i32>} : memref<128x128xf32, #tpu.memory_space<vmem>>, vector<1x16xf32>,
      %swap3A_366 = vector.shape_cast %swap3A_365 : vector<1x16xf32> to vector<16xf32>
      %swap3A_367 = vector.shape_cast %mul3A_358 : vector<16xf32> to vector<1x16xf32>
      tpu.vector_store %swap3A_362[%swap3A_363, %swap3A_364], %swap3A_367 {strides = array<i32>} : memref<128x128xf32, #tpu.memory_space<vmem>>, vector<1x16xf32>,
      %get3A_368 = arith.constant 0 : i32
      %get3A_369 = arith.constant 0 : i32
      %get3A_370 = tpu.memref_slice %arg6[%scan3A_81, %get3A_368, %get3A_369] : memref<4x128x128xf32, #tpu.memory_space<vmem>> -> memref<1x128x128xf32, #tpu.memory_space<vmem>>
      %get3A_371 = tpu.memref_squeeze %get3A_370 : memref<1x128x128xf32, #tpu.memory_space<vmem>> -> memref<128x128xf32, #tpu.memory_space<vmem>>
      %get3A_372 = arith.index_cast %add3A_249 : i32 to index
      %get3A_373 = arith.constant 96 : index
      %get3A_374 = tpu.vector_load %get3A_371[%get3A_372, %get3A_373] {strides = array<i32>} : memref<128x128xf32, #tpu.memory_space<vmem>>, vector<1x16xf32>,
      %get3A_375 = vector.shape_cast %get3A_374 : vector<1x16xf32> to vector<16xf32>
      %mul3A_376 = arith.constant 11.3137083 : f32
      %mul3A_377 = vector.broadcast %mul3A_376 : f32 to vector<16xf32>
      %mul3A_378 = arith.mulf %get3A_375, %mul3A_377 : vector<16xf32>
      %swap3A_379 = arith.constant 0 : i32
      %swap3A_380 = arith.constant 0 : i32
      %swap3A_381 = tpu.memref_slice %arg6[%scan3A_81, %swap3A_379, %swap3A_380] : memref<4x128x128xf32, #tpu.memory_space<vmem>> -> memref<1x128x128xf32, #tpu.memory_space<vmem>>
      %swap3A_382 = tpu.memref_squeeze %swap3A_381 : memref<1x128x128xf32, #tpu.memory_space<vmem>> -> memref<128x128xf32, #tpu.memory_space<vmem>>
      %swap3A_383 = arith.index_cast %add3A_249 : i32 to index
      %swap3A_384 = arith.constant 96 : index
      %swap3A_385 = tpu.vector_load %swap3A_382[%swap3A_383, %swap3A_384] {strides = array<i32>} : memref<128x128xf32, #tpu.memory_space<vmem>>, vector<1x16xf32>,
      %swap3A_386 = vector.shape_cast %swap3A_385 : vector<1x16xf32> to vector<16xf32>
      %swap3A_387 = vector.shape_cast %mul3A_378 : vector<16xf32> to vector<1x16xf32>
      tpu.vector_store %swap3A_382[%swap3A_383, %swap3A_384], %swap3A_387 {strides = array<i32>} : memref<128x128xf32, #tpu.memory_space<vmem>>, vector<1x16xf32>,
      %get3A_388 = arith.constant 0 : i32
      %get3A_389 = arith.constant 0 : i32
      %get3A_390 = tpu.memref_slice %arg6[%scan3A_81, %get3A_388, %get3A_389] : memref<4x128x128xf32, #tpu.memory_space<vmem>> -> memref<1x128x128xf32, #tpu.memory_space<vmem>>
      %get3A_391 = tpu.memref_squeeze %get3A_390 : memref<1x128x128xf32, #tpu.memory_space<vmem>> -> memref<128x128xf32, #tpu.memory_space<vmem>>
      %get3A_392 = arith.index_cast %add3A_249 : i32 to index
      %get3A_393 = arith.constant 112 : index
      %get3A_394 = tpu.vector_load %get3A_391[%get3A_392, %get3A_393] {strides = array<i32>} : memref<128x128xf32, #tpu.memory_space<vmem>>, vector<1x16xf32>,
      %get3A_395 = vector.shape_cast %get3A_394 : vector<1x16xf32> to vector<16xf32>
      %mul3A_396 = arith.constant 11.3137083 : f32
      %mul3A_397 = vector.broadcast %mul3A_396 : f32 to vector<16xf32>
      %mul3A_398 = arith.mulf %get3A_395, %mul3A_397 : vector<16xf32>
      %swap3A_399 = arith.constant 0 : i32
      %swap3A_400 = arith.constant 0 : i32
      %swap3A_401 = tpu.memref_slice %arg6[%scan3A_81, %swap3A_399, %swap3A_400] : memref<4x128x128xf32, #tpu.memory_space<vmem>> -> memref<1x128x128xf32, #tpu.memory_space<vmem>>
      %swap3A_402 = tpu.memref_squeeze %swap3A_401 : memref<1x128x128xf32, #tpu.memory_space<vmem>> -> memref<128x128xf32, #tpu.memory_space<vmem>>
      %swap3A_403 = arith.index_cast %add3A_249 : i32 to index
      %swap3A_404 = arith.constant 112 : index
      %swap3A_405 = tpu.vector_load %swap3A_402[%swap3A_403, %swap3A_404] {strides = array<i32>} : memref<128x128xf32, #tpu.memory_space<vmem>>, vector<1x16xf32>,
      %swap3A_406 = vector.shape_cast %swap3A_405 : vector<1x16xf32> to vector<16xf32>
      %swap3A_407 = vector.shape_cast %mul3A_398 : vector<16xf32> to vector<1x16xf32>
      tpu.vector_store %swap3A_402[%swap3A_403, %swap3A_404], %swap3A_407 {strides = array<i32>} : memref<128x128xf32, #tpu.memory_space<vmem>>, vector<1x16xf32>,
    }
    %scan3A_86 = arith.constant 128 : i32
    %add3A_87 = arith.constant 128 : i32
    %add3A_88 = arith.addi %mul3A_2, %add3A_87 : i32
    %dma_start3A_89 = arith.constant 1 : i32
    %dma_start3A_90 = arith.constant 0 : i32
    %dma_start3A_91 = arith.constant 0 : i32
    %dma_start3A_92 = tpu.memref_slice %arg6[%dma_start3A_89, %dma_start3A_90, %dma_start3A_91] : memref<4x128x128xf32, #tpu.memory_space<vmem>> -> memref<1x128x128xf32, #tpu.memory_space<vmem>>
    %dma_start3A_93 = tpu.memref_squeeze %dma_start3A_92 : memref<1x128x128xf32, #tpu.memory_space<vmem>> -> memref<128x128xf32, #tpu.memory_space<vmem>>
    %dma_start3A_94 = arith.constant 0 : i32
    %dma_start3A_95 = tpu.memref_slice %arg4[%add3A_88, %dma_start3A_94] : memref<819200x128xf32, #tpu.memory_space<hbm>> -> memref<128x128xf32, #tpu.memory_space<hbm>>
    %dma_start3A_96 = arith.constant 0 : i32
    %dma_start3A_97 = tpu.memref_slice %arg4[%add3A_88, %dma_start3A_96] : memref<819200x128xf32, #tpu.memory_space<hbm>> -> memref<128x128xf32, #tpu.memory_space<hbm>>
    %dma_start3A_98 = arith.constant 0 : i32
    %dma_start3A_99 = arith.constant 0 : i32
    %dma_start3A_100 = tpu.memref_slice %arg6[%dma_start3A_89, %dma_start3A_98, %dma_start3A_99] : memref<4x128x128xf32, #tpu.memory_space<vmem>> -> memref<1x128x128xf32, #tpu.memory_space<vmem>>
    %dma_start3A_101 = tpu.memref_squeeze %dma_start3A_100 : memref<1x128x128xf32, #tpu.memory_space<vmem>> -> memref<128x128xf32, #tpu.memory_space<vmem>>
    tpu.enqueue_dma source(%dma_start3A_101 : memref<128x128xf32, #tpu.memory_space<vmem>>) target(%dma_start3A_97 : memref<128x128xf32, #tpu.memory_space<hbm>>) target_semaphore(%arg12 : memref<!tpu.dma_semaphore, #tpu.memory_space<semaphore_mem>>)
    %dma_start3A_102 = arith.constant 3 : i32
    %dma_start3A_103 = arith.constant 3 : i32
    %dma_start3A_104 = arith.constant 0 : i32
    %dma_start3A_105 = arith.constant 0 : i32
    %dma_start3A_106 = tpu.memref_slice %arg6[%dma_start3A_103, %dma_start3A_104, %dma_start3A_105] : memref<4x128x128xf32, #tpu.memory_space<vmem>> -> memref<1x128x128xf32, #tpu.memory_space<vmem>>
    %dma_start3A_107 = tpu.memref_squeeze %dma_start3A_106 : memref<1x128x128xf32, #tpu.memory_space<vmem>> -> memref<128x128xf32, #tpu.memory_space<vmem>>
    %dma_start3A_108 = arith.constant 0 : i32
    %dma_start3A_109 = tpu.memref_slice %arg5[%dma_start3A_102, %dma_start3A_108] : memref<200x128xi32, #tpu.memory_space<vmem>> -> memref<1x128xi32, #tpu.memory_space<vmem>>
    %dma_start3A_110 = tpu.memref_squeeze %dma_start3A_109 : memref<1x128xi32, #tpu.memory_space<vmem>> -> memref<128xi32, #tpu.memory_space<vmem>>
    %dma_start3A_111 = arith.constant 0 : i32
    %dma_start3A_112 = arith.constant 0 : i32
    %dma_start3A_113 = tpu.memref_slice %arg2[%dma_start3A_111, %dma_start3A_112] : memref<100000x128xf32, #tpu.memory_space<hbm>> -> memref<100000x128xf32, #tpu.memory_space<hbm>>
    tpu.enqueue_indirect_dma source(%dma_start3A_113 : memref<100000x128xf32, #tpu.memory_space<hbm>>) target(%dma_start3A_107 : memref<128x128xf32, #tpu.memory_space<vmem>>) offsets(%dma_start3A_110 : memref<128xi32, #tpu.memory_space<vmem>>) semaphore(%arg10 : memref<!tpu.dma_semaphore, #tpu.memory_space<semaphore_mem>>)
    %scan3A_114 = arith.constant 0 : i32
    %scan3A_115 = arith.constant 49 : i32
    %scan3A_116 = arith.addi %scan3A_114, %scan3A_115 : i32
    %scan3A_117 = arith.constant 1 : i32
    scf.for %scan3A_245 = %scan3A_114 to %scan3A_116 step %scan3A_117  : i32 {
      %mul3A_246 = arith.constant 1 : i32
      %mul3A_247 = arith.muli %scan3A_245, %mul3A_246 : i32
      %add3A_248 = arith.constant 0 : i32
      %add3A_249 = arith.addi %add3A_248, %mul3A_247 : i32
      %mul3A_250 = arith.constant 4 : i32
      %mul3A_251 = arith.muli %mul3A_250, %add3A_249 : i32
      %add3A_252 = arith.constant 2 : i32
      %add3A_253 = arith.addi %mul3A_251, %add3A_252 : i32
      %add3A_254 = arith.constant 0 : i32
      %add3A_255 = arith.addi %add3A_253, %add3A_254 : i32
      %dma_wait3A_256 = arith.constant 2 : i32
      %dma_wait3A_257 = arith.constant 0 : i32
      %dma_wait3A_258 = arith.constant 0 : i32
      %dma_wait3A_259 = tpu.memref_slice %arg6[%dma_wait3A_256, %dma_wait3A_257, %dma_wait3A_258] : memref<4x128x128xf32, #tpu.memory_space<vmem>> -> memref<1x128x128xf32, #tpu.memory_space<vmem>>
      %dma_wait3A_260 = tpu.memref_squeeze %dma_wait3A_259 : memref<1x128x128xf32, #tpu.memory_space<vmem>> -> memref<128x128xf32, #tpu.memory_space<vmem>>
      %dma_wait3A_261 = arith.constant 0 : i32
      %dma_wait3A_262 = tpu.memref_slice %arg5[%add3A_255, %dma_wait3A_261] : memref<200x128xi32, #tpu.memory_space<vmem>> -> memref<1x128xi32, #tpu.memory_space<vmem>>
      %dma_wait3A_263 = tpu.memref_squeeze %dma_wait3A_262 : memref<1x128xi32, #tpu.memory_space<vmem>> -> memref<128xi32, #tpu.memory_space<vmem>>
      %dma_wait3A_264 = arith.constant 0 : i32
      %dma_wait3A_265 = arith.constant 0 : i32
      %dma_wait3A_266 = tpu.memref_slice %arg2[%dma_wait3A_264, %dma_wait3A_265] : memref<100000x128xf32, #tpu.memory_space<hbm>> -> memref<100000x128xf32, #tpu.memory_space<hbm>>
      tpu.wait_indirect_dma semaphore(%arg9 : memref<!tpu.dma_semaphore, #tpu.memory_space<semaphore_mem>>) src(%dma_wait3A_266 : memref<100000x128xf32, #tpu.memory_space<hbm>>) dst(%dma_wait3A_260 : memref<128x128xf32, #tpu.memory_space<vmem>>)
      %scan3A_267 = arith.constant 2 : i32
      %scan3A_268 = arith.constant 0 : i32
      %scan3A_269 = arith.constant 128 : i32
      %scan3A_270 = arith.addi %scan3A_268, %scan3A_269 : i32
      %scan3A_271 = arith.constant 1 : i32
      scf.for %scan3A_529 = %scan3A_268 to %scan3A_270 step %scan3A_271  : i32 {
        %mul3A_530 = arith.constant 1 : i32
        %mul3A_531 = arith.muli %scan3A_529, %mul3A_530 : i32
        %add3A_532 = arith.constant 0 : i32
        %add3A_533 = arith.addi %add3A_532, %mul3A_531 : i32
        %get3A = arith.constant 0 : i32
        %get3A_534 = arith.constant 0 : i32
        %get3A_535 = tpu.memref_slice %arg6[%scan3A_267, %get3A, %get3A_534] : memref<4x128x128xf32, #tpu.memory_space<vmem>> -> memref<1x128x128xf32, #tpu.memory_space<vmem>>
        %get3A_536 = tpu.memref_squeeze %get3A_535 : memref<1x128x128xf32, #tpu.memory_space<vmem>> -> memref<128x128xf32, #tpu.memory_space<vmem>>
        %get3A_537 = arith.index_cast %add3A_533 : i32 to index
        %get3A_538 = arith.constant 0 : index
        %get3A_539 = tpu.vector_load %get3A_536[%get3A_537, %get3A_538] {strides = array<i32>} : memref<128x128xf32, #tpu.memory_space<vmem>>, vector<1x16xf32>,
        %get3A_540 = vector.shape_cast %get3A_539 : vector<1x16xf32> to vector<16xf32>
        %mul3A_541 = arith.constant 11.3137083 : f32
        %mul3A_542 = vector.broadcast %mul3A_541 : f32 to vector<16xf32>
        %mul3A_543 = arith.mulf %get3A_540, %mul3A_542 : vector<16xf32>
        %swap3A = arith.constant 0 : i32
        %swap3A_544 = arith.constant 0 : i32
        %swap3A_545 = tpu.memref_slice %arg6[%scan3A_267, %swap3A, %swap3A_544] : memref<4x128x128xf32, #tpu.memory_space<vmem>> -> memref<1x128x128xf32, #tpu.memory_space<vmem>>
        %swap3A_546 = tpu.memref_squeeze %swap3A_545 : memref<1x128x128xf32, #tpu.memory_space<vmem>> -> memref<128x128xf32, #tpu.memory_space<vmem>>
        %swap3A_547 = arith.index_cast %add3A_533 : i32 to index
        %swap3A_548 = arith.constant 0 : index
        %swap3A_549 = tpu.vector_load %swap3A_546[%swap3A_547, %swap3A_548] {strides = array<i32>} : memref<128x128xf32, #tpu.memory_space<vmem>>, vector<1x16xf32>,
        %swap3A_550 = vector.shape_cast %swap3A_549 : vector<1x16xf32> to vector<16xf32>
        %swap3A_551 = vector.shape_cast %mul3A_543 : vector<16xf32> to vector<1x16xf32>
        tpu.vector_store %swap3A_546[%swap3A_547, %swap3A_548], %swap3A_551 {strides = array<i32>} : memref<128x128xf32, #tpu.memory_space<vmem>>, vector<1x16xf32>,
        %get3A_552 = arith.constant 0 : i32
        %get3A_553 = arith.constant 0 : i32
        %get3A_554 = tpu.memref_slice %arg6[%scan3A_267, %get3A_552, %get3A_553] : memref<4x128x128xf32, #tpu.memory_space<vmem>> -> memref<1x128x128xf32, #tpu.memory_space<vmem>>
        %get3A_555 = tpu.memref_squeeze %get3A_554 : memref<1x128x128xf32, #tpu.memory_space<vmem>> -> memref<128x128xf32, #tpu.memory_space<vmem>>
        %get3A_556 = arith.index_cast %add3A_533 : i32 to index
        %get3A_557 = arith.constant 16 : index
        %get3A_558 = tpu.vector_load %get3A_555[%get3A_556, %get3A_557] {strides = array<i32>} : memref<128x128xf32, #tpu.memory_space<vmem>>, vector<1x16xf32>,
        %get3A_559 = vector.shape_cast %get3A_558 : vector<1x16xf32> to vector<16xf32>
        %mul3A_560 = arith.constant 11.3137083 : f32
        %mul3A_561 = vector.broadcast %mul3A_560 : f32 to vector<16xf32>
        %mul3A_562 = arith.mulf %get3A_559, %mul3A_561 : vector<16xf32>
        %swap3A_563 = arith.constant 0 : i32
        %swap3A_564 = arith.constant 0 : i32
        %swap3A_565 = tpu.memref_slice %arg6[%scan3A_267, %swap3A_563, %swap3A_564] : memref<4x128x128xf32, #tpu.memory_space<vmem>> -> memref<1x128x128xf32, #tpu.memory_space<vmem>>
        %swap3A_566 = tpu.memref_squeeze %swap3A_565 : memref<1x128x128xf32, #tpu.memory_space<vmem>> -> memref<128x128xf32, #tpu.memory_space<vmem>>
        %swap3A_567 = arith.index_cast %add3A_533 : i32 to index
        %swap3A_568 = arith.constant 16 : index
        %swap3A_569 = tpu.vector_load %swap3A_566[%swap3A_567, %swap3A_568] {strides = array<i32>} : memref<128x128xf32, #tpu.memory_space<vmem>>, vector<1x16xf32>,
        %swap3A_570 = vector.shape_cast %swap3A_569 : vector<1x16xf32> to vector<16xf32>
        %swap3A_571 = vector.shape_cast %mul3A_562 : vector<16xf32> to vector<1x16xf32>
        tpu.vector_store %swap3A_566[%swap3A_567, %swap3A_568], %swap3A_571 {strides = array<i32>} : memref<128x128xf32, #tpu.memory_space<vmem>>, vector<1x16xf32>,
        %get3A_572 = arith.constant 0 : i32
        %get3A_573 = arith.constant 0 : i32
        %get3A_574 = tpu.memref_slice %arg6[%scan3A_267, %get3A_572, %get3A_573] : memref<4x128x128xf32, #tpu.memory_space<vmem>> -> memref<1x128x128xf32, #tpu.memory_space<vmem>>
        %get3A_575 = tpu.memref_squeeze %get3A_574 : memref<1x128x128xf32, #tpu.memory_space<vmem>> -> memref<128x128xf32, #tpu.memory_space<vmem>>
        %get3A_576 = arith.index_cast %add3A_533 : i32 to index
        %get3A_577 = arith.constant 32 : index
        %get3A_578 = tpu.vector_load %get3A_575[%get3A_576, %get3A_577] {strides = array<i32>} : memref<128x128xf32, #tpu.memory_space<vmem>>, vector<1x16xf32>,
        %get3A_579 = vector.shape_cast %get3A_578 : vector<1x16xf32> to vector<16xf32>
        %mul3A_580 = arith.constant 11.3137083 : f32
        %mul3A_581 = vector.broadcast %mul3A_580 : f32 to vector<16xf32>
        %mul3A_582 = arith.mulf %get3A_579, %mul3A_581 : vector<16xf32>
        %swap3A_583 = arith.constant 0 : i32
        %swap3A_584 = arith.constant 0 : i32
        %swap3A_585 = tpu.memref_slice %arg6[%scan3A_267, %swap3A_583, %swap3A_584] : memref<4x128x128xf32, #tpu.memory_space<vmem>> -> memref<1x128x128xf32, #tpu.memory_space<vmem>>
        %swap3A_586 = tpu.memref_squeeze %swap3A_585 : memref<1x128x128xf32, #tpu.memory_space<vmem>> -> memref<128x128xf32, #tpu.memory_space<vmem>>
        %swap3A_587 = arith.index_cast %add3A_533 : i32 to index
        %swap3A_588 = arith.constant 32 : index
        %swap3A_589 = tpu.vector_load %swap3A_586[%swap3A_587, %swap3A_588] {strides = array<i32>} : memref<128x128xf32, #tpu.memory_space<vmem>>, vector<1x16xf32>,
        %swap3A_590 = vector.shape_cast %swap3A_589 : vector<1x16xf32> to vector<16xf32>
        %swap3A_591 = vector.shape_cast %mul3A_582 : vector<16xf32> to vector<1x16xf32>
        tpu.vector_store %swap3A_586[%swap3A_587, %swap3A_588], %swap3A_591 {strides = array<i32>} : memref<128x128xf32, #tpu.memory_space<vmem>>, vector<1x16xf32>,
        %get3A_592 = arith.constant 0 : i32
        %get3A_593 = arith.constant 0 : i32
        %get3A_594 = tpu.memref_slice %arg6[%scan3A_267, %get3A_592, %get3A_593] : memref<4x128x128xf32, #tpu.memory_space<vmem>> -> memref<1x128x128xf32, #tpu.memory_space<vmem>>
        %get3A_595 = tpu.memref_squeeze %get3A_594 : memref<1x128x128xf32, #tpu.memory_space<vmem>> -> memref<128x128xf32, #tpu.memory_space<vmem>>
        %get3A_596 = arith.index_cast %add3A_533 : i32 to index
        %get3A_597 = arith.constant 48 : index
        %get3A_598 = tpu.vector_load %get3A_595[%get3A_596, %get3A_597] {strides = array<i32>} : memref<128x128xf32, #tpu.memory_space<vmem>>, vector<1x16xf32>,
        %get3A_599 = vector.shape_cast %get3A_598 : vector<1x16xf32> to vector<16xf32>
        %mul3A_600 = arith.constant 11.3137083 : f32
        %mul3A_601 = vector.broadcast %mul3A_600 : f32 to vector<16xf32>
        %mul3A_602 = arith.mulf %get3A_599, %mul3A_601 : vector<16xf32>
        %swap3A_603 = arith.constant 0 : i32
        %swap3A_604 = arith.constant 0 : i32
        %swap3A_605 = tpu.memref_slice %arg6[%scan3A_267, %swap3A_603, %swap3A_604] : memref<4x128x128xf32, #tpu.memory_space<vmem>> -> memref<1x128x128xf32, #tpu.memory_space<vmem>>
        %swap3A_606 = tpu.memref_squeeze %swap3A_605 : memref<1x128x128xf32, #tpu.memory_space<vmem>> -> memref<128x128xf32, #tpu.memory_space<vmem>>
        %swap3A_607 = arith.index_cast %add3A_533 : i32 to index
        %swap3A_608 = arith.constant 48 : index
        %swap3A_609 = tpu.vector_load %swap3A_606[%swap3A_607, %swap3A_608] {strides = array<i32>} : memref<128x128xf32, #tpu.memory_space<vmem>>, vector<1x16xf32>,
        %swap3A_610 = vector.shape_cast %swap3A_609 : vector<1x16xf32> to vector<16xf32>
        %swap3A_611 = vector.shape_cast %mul3A_602 : vector<16xf32> to vector<1x16xf32>
        tpu.vector_store %swap3A_606[%swap3A_607, %swap3A_608], %swap3A_611 {strides = array<i32>} : memref<128x128xf32, #tpu.memory_space<vmem>>, vector<1x16xf32>,
        %get3A_612 = arith.constant 0 : i32
        %get3A_613 = arith.constant 0 : i32
        %get3A_614 = tpu.memref_slice %arg6[%scan3A_267, %get3A_612, %get3A_613] : memref<4x128x128xf32, #tpu.memory_space<vmem>> -> memref<1x128x128xf32, #tpu.memory_space<vmem>>
        %get3A_615 = tpu.memref_squeeze %get3A_614 : memref<1x128x128xf32, #tpu.memory_space<vmem>> -> memref<128x128xf32, #tpu.memory_space<vmem>>
        %get3A_616 = arith.index_cast %add3A_533 : i32 to index
        %get3A_617 = arith.constant 64 : index
        %get3A_618 = tpu.vector_load %get3A_615[%get3A_616, %get3A_617] {strides = array<i32>} : memref<128x128xf32, #tpu.memory_space<vmem>>, vector<1x16xf32>,
        %get3A_619 = vector.shape_cast %get3A_618 : vector<1x16xf32> to vector<16xf32>
        %mul3A_620 = arith.constant 11.3137083 : f32
        %mul3A_621 = vector.broadcast %mul3A_620 : f32 to vector<16xf32>
        %mul3A_622 = arith.mulf %get3A_619, %mul3A_621 : vector<16xf32>
        %swap3A_623 = arith.constant 0 : i32
        %swap3A_624 = arith.constant 0 : i32
        %swap3A_625 = tpu.memref_slice %arg6[%scan3A_267, %swap3A_623, %swap3A_624] : memref<4x128x128xf32, #tpu.memory_space<vmem>> -> memref<1x128x128xf32, #tpu.memory_space<vmem>>
        %swap3A_626 = tpu.memref_squeeze %swap3A_625 : memref<1x128x128xf32, #tpu.memory_space<vmem>> -> memref<128x128xf32, #tpu.memory_space<vmem>>
        %swap3A_627 = arith.index_cast %add3A_533 : i32 to index
        %swap3A_628 = arith.constant 64 : index
        %swap3A_629 = tpu.vector_load %swap3A_626[%swap3A_627, %swap3A_628] {strides = array<i32>} : memref<128x128xf32, #tpu.memory_space<vmem>>, vector<1x16xf32>,
        %swap3A_630 = vector.shape_cast %swap3A_629 : vector<1x16xf32> to vector<16xf32>
        %swap3A_631 = vector.shape_cast %mul3A_622 : vector<16xf32> to vector<1x16xf32>
        tpu.vector_store %swap3A_626[%swap3A_627, %swap3A_628], %swap3A_631 {strides = array<i32>} : memref<128x128xf32, #tpu.memory_space<vmem>>, vector<1x16xf32>,
        %get3A_632 = arith.constant 0 : i32
        %get3A_633 = arith.constant 0 : i32
        %get3A_634 = tpu.memref_slice %arg6[%scan3A_267, %get3A_632, %get3A_633] : memref<4x128x128xf32, #tpu.memory_space<vmem>> -> memref<1x128x128xf32, #tpu.memory_space<vmem>>
        %get3A_635 = tpu.memref_squeeze %get3A_634 : memref<1x128x128xf32, #tpu.memory_space<vmem>> -> memref<128x128xf32, #tpu.memory_space<vmem>>
        %get3A_636 = arith.index_cast %add3A_533 : i32 to index
        %get3A_637 = arith.constant 80 : index
        %get3A_638 = tpu.vector_load %get3A_635[%get3A_636, %get3A_637] {strides = array<i32>} : memref<128x128xf32, #tpu.memory_space<vmem>>, vector<1x16xf32>,
        %get3A_639 = vector.shape_cast %get3A_638 : vector<1x16xf32> to vector<16xf32>
        %mul3A_640 = arith.constant 11.3137083 : f32
        %mul3A_641 = vector.broadcast %mul3A_640 : f32 to vector<16xf32>
        %mul3A_642 = arith.mulf %get3A_639, %mul3A_641 : vector<16xf32>
        %swap3A_643 = arith.constant 0 : i32
        %swap3A_644 = arith.constant 0 : i32
        %swap3A_645 = tpu.memref_slice %arg6[%scan3A_267, %swap3A_643, %swap3A_644] : memref<4x128x128xf32, #tpu.memory_space<vmem>> -> memref<1x128x128xf32, #tpu.memory_space<vmem>>
        %swap3A_646 = tpu.memref_squeeze %swap3A_645 : memref<1x128x128xf32, #tpu.memory_space<vmem>> -> memref<128x128xf32, #tpu.memory_space<vmem>>
        %swap3A_647 = arith.index_cast %add3A_533 : i32 to index
        %swap3A_648 = arith.constant 80 : index
        %swap3A_649 = tpu.vector_load %swap3A_646[%swap3A_647, %swap3A_648] {strides = array<i32>} : memref<128x128xf32, #tpu.memory_space<vmem>>, vector<1x16xf32>,
        %swap3A_650 = vector.shape_cast %swap3A_649 : vector<1x16xf32> to vector<16xf32>
        %swap3A_651 = vector.shape_cast %mul3A_642 : vector<16xf32> to vector<1x16xf32>
        tpu.vector_store %swap3A_646[%swap3A_647, %swap3A_648], %swap3A_651 {strides = array<i32>} : memref<128x128xf32, #tpu.memory_space<vmem>>, vector<1x16xf32>,
        %get3A_652 = arith.constant 0 : i32
        %get3A_653 = arith.constant 0 : i32
        %get3A_654 = tpu.memref_slice %arg6[%scan3A_267, %get3A_652, %get3A_653] : memref<4x128x128xf32, #tpu.memory_space<vmem>> -> memref<1x128x128xf32, #tpu.memory_space<vmem>>
        %get3A_655 = tpu.memref_squeeze %get3A_654 : memref<1x128x128xf32, #tpu.memory_space<vmem>> -> memref<128x128xf32, #tpu.memory_space<vmem>>
        %get3A_656 = arith.index_cast %add3A_533 : i32 to index
        %get3A_657 = arith.constant 96 : index
        %get3A_658 = tpu.vector_load %get3A_655[%get3A_656, %get3A_657] {strides = array<i32>} : memref<128x128xf32, #tpu.memory_space<vmem>>, vector<1x16xf32>,
        %get3A_659 = vector.shape_cast %get3A_658 : vector<1x16xf32> to vector<16xf32>
        %mul3A_660 = arith.constant 11.3137083 : f32
        %mul3A_661 = vector.broadcast %mul3A_660 : f32 to vector<16xf32>
        %mul3A_662 = arith.mulf %get3A_659, %mul3A_661 : vector<16xf32>
        %swap3A_663 = arith.constant 0 : i32
        %swap3A_664 = arith.constant 0 : i32
        %swap3A_665 = tpu.memref_slice %arg6[%scan3A_267, %swap3A_663, %swap3A_664] : memref<4x128x128xf32, #tpu.memory_space<vmem>> -> memref<1x128x128xf32, #tpu.memory_space<vmem>>
        %swap3A_666 = tpu.memref_squeeze %swap3A_665 : memref<1x128x128xf32, #tpu.memory_space<vmem>> -> memref<128x128xf32, #tpu.memory_space<vmem>>
        %swap3A_667 = arith.index_cast %add3A_533 : i32 to index
        %swap3A_668 = arith.constant 96 : index
        %swap3A_669 = tpu.vector_load %swap3A_666[%swap3A_667, %swap3A_668] {strides = array<i32>} : memref<128x128xf32, #tpu.memory_space<vmem>>, vector<1x16xf32>,
        %swap3A_670 = vector.shape_cast %swap3A_669 : vector<1x16xf32> to vector<16xf32>
        %swap3A_671 = vector.shape_cast %mul3A_662 : vector<16xf32> to vector<1x16xf32>
        tpu.vector_store %swap3A_666[%swap3A_667, %swap3A_668], %swap3A_671 {strides = array<i32>} : memref<128x128xf32, #tpu.memory_space<vmem>>, vector<1x16xf32>,
        %get3A_672 = arith.constant 0 : i32
        %get3A_673 = arith.constant 0 : i32
        %get3A_674 = tpu.memref_slice %arg6[%scan3A_267, %get3A_672, %get3A_673] : memref<4x128x128xf32, #tpu.memory_space<vmem>> -> memref<1x128x128xf32, #tpu.memory_space<vmem>>
        %get3A_675 = tpu.memref_squeeze %get3A_674 : memref<1x128x128xf32, #tpu.memory_space<vmem>> -> memref<128x128xf32, #tpu.memory_space<vmem>>
        %get3A_676 = arith.index_cast %add3A_533 : i32 to index
        %get3A_677 = arith.constant 112 : index
        %get3A_678 = tpu.vector_load %get3A_675[%get3A_676, %get3A_677] {strides = array<i32>} : memref<128x128xf32, #tpu.memory_space<vmem>>, vector<1x16xf32>,
        %get3A_679 = vector.shape_cast %get3A_678 : vector<1x16xf32> to vector<16xf32>
        %mul3A_680 = arith.constant 11.3137083 : f32
        %mul3A_681 = vector.broadcast %mul3A_680 : f32 to vector<16xf32>
        %mul3A_682 = arith.mulf %get3A_679, %mul3A_681 : vector<16xf32>
        %swap3A_683 = arith.constant 0 : i32
        %swap3A_684 = arith.constant 0 : i32
        %swap3A_685 = tpu.memref_slice %arg6[%scan3A_267, %swap3A_683, %swap3A_684] : memref<4x128x128xf32, #tpu.memory_space<vmem>> -> memref<1x128x128xf32, #tpu.memory_space<vmem>>
        %swap3A_686 = tpu.memref_squeeze %swap3A_685 : memref<1x128x128xf32, #tpu.memory_space<vmem>> -> memref<128x128xf32, #tpu.memory_space<vmem>>
        %swap3A_687 = arith.index_cast %add3A_533 : i32 to index
        %swap3A_688 = arith.constant 112 : index
        %swap3A_689 = tpu.vector_load %swap3A_686[%swap3A_687, %swap3A_688] {strides = array<i32>} : memref<128x128xf32, #tpu.memory_space<vmem>>, vector<1x16xf32>,
        %swap3A_690 = vector.shape_cast %swap3A_689 : vector<1x16xf32> to vector<16xf32>
        %swap3A_691 = vector.shape_cast %mul3A_682 : vector<16xf32> to vector<1x16xf32>
        tpu.vector_store %swap3A_686[%swap3A_687, %swap3A_688], %swap3A_691 {strides = array<i32>} : memref<128x128xf32, #tpu.memory_space<vmem>>, vector<1x16xf32>,
      }
      %scan3A_272 = arith.constant 128 : i32
      %mul3A_273 = arith.constant 128 : i32
      %mul3A_274 = arith.muli %add3A_255, %mul3A_273 : i32
      %add3A_275 = arith.addi %mul3A_2, %mul3A_274 : i32
      %dma_start3A_276 = arith.constant 2 : i32
      %dma_start3A_277 = arith.constant 0 : i32
      %dma_start3A_278 = arith.constant 0 : i32
      %dma_start3A_279 = tpu.memref_slice %arg6[%dma_start3A_276, %dma_start3A_277, %dma_start3A_278] : memref<4x128x128xf32, #tpu.memory_space<vmem>> -> memref<1x128x128xf32, #tpu.memory_space<vmem>>
      %dma_start3A_280 = tpu.memref_squeeze %dma_start3A_279 : memref<1x128x128xf32, #tpu.memory_space<vmem>> -> memref<128x128xf32, #tpu.memory_space<vmem>>
      %dma_start3A_281 = arith.constant 0 : i32
      %dma_start3A_282 = tpu.memref_slice %arg4[%add3A_275, %dma_start3A_281] : memref<819200x128xf32, #tpu.memory_space<hbm>> -> memref<128x128xf32, #tpu.memory_space<hbm>>
      %dma_start3A_283 = arith.constant 0 : i32
      %dma_start3A_284 = tpu.memref_slice %arg4[%add3A_275, %dma_start3A_283] : memref<819200x128xf32, #tpu.memory_space<hbm>> -> memref<128x128xf32, #tpu.memory_space<hbm>>
      %dma_start3A_285 = arith.constant 0 : i32
      %dma_start3A_286 = arith.constant 0 : i32
      %dma_start3A_287 = tpu.memref_slice %arg6[%dma_start3A_276, %dma_start3A_285, %dma_start3A_286] : memref<4x128x128xf32, #tpu.memory_space<vmem>> -> memref<1x128x128xf32, #tpu.memory_space<vmem>>
      %dma_start3A_288 = tpu.memref_squeeze %dma_start3A_287 : memref<1x128x128xf32, #tpu.memory_space<vmem>> -> memref<128x128xf32, #tpu.memory_space<vmem>>
      tpu.enqueue_dma source(%dma_start3A_288 : memref<128x128xf32, #tpu.memory_space<vmem>>) target(%dma_start3A_284 : memref<128x128xf32, #tpu.memory_space<hbm>>) target_semaphore(%arg13 : memref<!tpu.dma_semaphore, #tpu.memory_space<semaphore_mem>>)
      %sub3A = arith.constant 2 : i32
      %sub3A_289 = arith.subi %add3A_255, %sub3A : i32
      %mul3A_290 = arith.constant 128 : i32
      %mul3A_291 = arith.muli %sub3A_289, %mul3A_290 : i32
      %add3A_292 = arith.addi %mul3A_2, %mul3A_291 : i32
      %dma_wait3A_293 = arith.constant 0 : i32
      %dma_wait3A_294 = arith.constant 0 : i32
      %dma_wait3A_295 = arith.constant 0 : i32
      %dma_wait3A_296 = tpu.memref_slice %arg6[%dma_wait3A_293, %dma_wait3A_294, %dma_wait3A_295] : memref<4x128x128xf32, #tpu.memory_space<vmem>> -> memref<1x128x128xf32, #tpu.memory_space<vmem>>
      %dma_wait3A_297 = tpu.memref_squeeze %dma_wait3A_296 : memref<1x128x128xf32, #tpu.memory_space<vmem>> -> memref<128x128xf32, #tpu.memory_space<vmem>>
      %dma_wait3A_298 = arith.constant 0 : i32
      %dma_wait3A_299 = tpu.memref_slice %arg4[%add3A_292, %dma_wait3A_298] : memref<819200x128xf32, #tpu.memory_space<hbm>> -> memref<128x128xf32, #tpu.memory_space<hbm>>
      %dma_wait3A_300 = arith.constant 0 : i32
      %dma_wait3A_301 = tpu.memref_slice %arg4[%add3A_292, %dma_wait3A_300] : memref<819200x128xf32, #tpu.memory_space<hbm>> -> memref<128x128xf32, #tpu.memory_space<hbm>>
      %dma_wait3A_302 = arith.constant 0 : i32
      %dma_wait3A_303 = arith.constant 0 : i32
      %dma_wait3A_304 = tpu.memref_slice %arg6[%dma_wait3A_293, %dma_wait3A_302, %dma_wait3A_303] : memref<4x128x128xf32, #tpu.memory_space<vmem>> -> memref<1x128x128xf32, #tpu.memory_space<vmem>>
      %dma_wait3A_305 = tpu.memref_squeeze %dma_wait3A_304 : memref<1x128x128xf32, #tpu.memory_space<vmem>> -> memref<128x128xf32, #tpu.memory_space<vmem>>
      tpu.wait_dma2 semaphore(%arg11 : memref<!tpu.dma_semaphore, #tpu.memory_space<semaphore_mem>>) src(%dma_wait3A_305 : memref<128x128xf32, #tpu.memory_space<vmem>>) dst(%dma_wait3A_301 : memref<128x128xf32, #tpu.memory_space<hbm>>)
      %add3A_306 = arith.constant 2 : i32
      %add3A_307 = arith.addi %add3A_255, %add3A_306 : i32
      %dma_start3A_308 = arith.constant 0 : i32
      %dma_start3A_309 = arith.constant 0 : i32
      %dma_start3A_310 = arith.constant 0 : i32
      %dma_start3A_311 = tpu.memref_slice %arg6[%dma_start3A_308, %dma_start3A_309, %dma_start3A_310] : memref<4x128x128xf32, #tpu.memory_space<vmem>> -> memref<1x128x128xf32, #tpu.memory_space<vmem>>
      %dma_start3A_312 = tpu.memref_squeeze %dma_start3A_311 : memref<1x128x128xf32, #tpu.memory_space<vmem>> -> memref<128x128xf32, #tpu.memory_space<vmem>>
      %dma_start3A_313 = arith.constant 0 : i32
      %dma_start3A_314 = tpu.memref_slice %arg5[%add3A_307, %dma_start3A_313] : memref<200x128xi32, #tpu.memory_space<vmem>> -> memref<1x128xi32, #tpu.memory_space<vmem>>
      %dma_start3A_315 = tpu.memref_squeeze %dma_start3A_314 : memref<1x128xi32, #tpu.memory_space<vmem>> -> memref<128xi32, #tpu.memory_space<vmem>>
      %dma_start3A_316 = arith.constant 0 : i32
      %dma_start3A_317 = arith.constant 0 : i32
      %dma_start3A_318 = tpu.memref_slice %arg2[%dma_start3A_316, %dma_start3A_317] : memref<100000x128xf32, #tpu.memory_space<hbm>> -> memref<100000x128xf32, #tpu.memory_space<hbm>>
      tpu.enqueue_indirect_dma source(%dma_start3A_318 : memref<100000x128xf32, #tpu.memory_space<hbm>>) target(%dma_start3A_312 : memref<128x128xf32, #tpu.memory_space<vmem>>) offsets(%dma_start3A_315 : memref<128xi32, #tpu.memory_space<vmem>>) semaphore(%arg7 : memref<!tpu.dma_semaphore, #tpu.memory_space<semaphore_mem>>)
      %mul3A_319 = arith.constant 4 : i32
      %mul3A_320 = arith.muli %mul3A_319, %add3A_249 : i32
      %add3A_321 = arith.constant 2 : i32
      %add3A_322 = arith.addi %mul3A_320, %add3A_321 : i32
      %add3A_323 = arith.constant 1 : i32
      %add3A_324 = arith.addi %add3A_322, %add3A_323 : i32
      %dma_wait3A_325 = arith.constant 3 : i32
      %dma_wait3A_326 = arith.constant 0 : i32
      %dma_wait3A_327 = arith.constant 0 : i32
      %dma_wait3A_328 = tpu.memref_slice %arg6[%dma_wait3A_325, %dma_wait3A_326, %dma_wait3A_327] : memref<4x128x128xf32, #tpu.memory_space<vmem>> -> memref<1x128x128xf32, #tpu.memory_space<vmem>>
      %dma_wait3A_329 = tpu.memref_squeeze %dma_wait3A_328 : memref<1x128x128xf32, #tpu.memory_space<vmem>> -> memref<128x128xf32, #tpu.memory_space<vmem>>
      %dma_wait3A_330 = arith.constant 0 : i32
      %dma_wait3A_331 = tpu.memref_slice %arg5[%add3A_324, %dma_wait3A_330] : memref<200x128xi32, #tpu.memory_space<vmem>> -> memref<1x128xi32, #tpu.memory_space<vmem>>
      %dma_wait3A_332 = tpu.memref_squeeze %dma_wait3A_331 : memref<1x128xi32, #tpu.memory_space<vmem>> -> memref<128xi32, #tpu.memory_space<vmem>>
      %dma_wait3A_333 = arith.constant 0 : i32
      %dma_wait3A_334 = arith.constant 0 : i32
      %dma_wait3A_335 = tpu.memref_slice %arg2[%dma_wait3A_333, %dma_wait3A_334] : memref<100000x128xf32, #tpu.memory_space<hbm>> -> memref<100000x128xf32, #tpu.memory_space<hbm>>
      tpu.wait_indirect_dma semaphore(%arg10 : memref<!tpu.dma_semaphore, #tpu.memory_space<semaphore_mem>>) src(%dma_wait3A_335 : memref<100000x128xf32, #tpu.memory_space<hbm>>) dst(%dma_wait3A_329 : memref<128x128xf32, #tpu.memory_space<vmem>>)
      %scan3A_336 = arith.constant 3 : i32
      %scan3A_337 = arith.constant 0 : i32
      %scan3A_338 = arith.constant 128 : i32
      %scan3A_339 = arith.addi %scan3A_337, %scan3A_338 : i32
      %scan3A_340 = arith.constant 1 : i32
      scf.for %scan3A_529 = %scan3A_337 to %scan3A_339 step %scan3A_340  : i32 {
        %mul3A_530 = arith.constant 1 : i32
        %mul3A_531 = arith.muli %scan3A_529, %mul3A_530 : i32
        %add3A_532 = arith.constant 0 : i32
        %add3A_533 = arith.addi %add3A_532, %mul3A_531 : i32
        %get3A = arith.constant 0 : i32
        %get3A_534 = arith.constant 0 : i32
        %get3A_535 = tpu.memref_slice %arg6[%scan3A_336, %get3A, %get3A_534] : memref<4x128x128xf32, #tpu.memory_space<vmem>> -> memref<1x128x128xf32, #tpu.memory_space<vmem>>
        %get3A_536 = tpu.memref_squeeze %get3A_535 : memref<1x128x128xf32, #tpu.memory_space<vmem>> -> memref<128x128xf32, #tpu.memory_space<vmem>>
        %get3A_537 = arith.index_cast %add3A_533 : i32 to index
        %get3A_538 = arith.constant 0 : index
        %get3A_539 = tpu.vector_load %get3A_536[%get3A_537, %get3A_538] {strides = array<i32>} : memref<128x128xf32, #tpu.memory_space<vmem>>, vector<1x16xf32>,
        %get3A_540 = vector.shape_cast %get3A_539 : vector<1x16xf32> to vector<16xf32>
        %mul3A_541 = arith.constant 11.3137083 : f32
        %mul3A_542 = vector.broadcast %mul3A_541 : f32 to vector<16xf32>
        %mul3A_543 = arith.mulf %get3A_540, %mul3A_542 : vector<16xf32>
        %swap3A = arith.constant 0 : i32
        %swap3A_544 = arith.constant 0 : i32
        %swap3A_545 = tpu.memref_slice %arg6[%scan3A_336, %swap3A, %swap3A_544] : memref<4x128x128xf32, #tpu.memory_space<vmem>> -> memref<1x128x128xf32, #tpu.memory_space<vmem>>
        %swap3A_546 = tpu.memref_squeeze %swap3A_545 : memref<1x128x128xf32, #tpu.memory_space<vmem>> -> memref<128x128xf32, #tpu.memory_space<vmem>>
        %swap3A_547 = arith.index_cast %add3A_533 : i32 to index
        %swap3A_548 = arith.constant 0 : index
        %swap3A_549 = tpu.vector_load %swap3A_546[%swap3A_547, %swap3A_548] {strides = array<i32>} : memref<128x128xf32, #tpu.memory_space<vmem>>, vector<1x16xf32>,
        %swap3A_550 = vector.shape_cast %swap3A_549 : vector<1x16xf32> to vector<16xf32>
        %swap3A_551 = vector.shape_cast %mul3A_543 : vector<16xf32> to vector<1x16xf32>
        tpu.vector_store %swap3A_546[%swap3A_547, %swap3A_548], %swap3A_551 {strides = array<i32>} : memref<128x128xf32, #tpu.memory_space<vmem>>, vector<1x16xf32>,
        %get3A_552 = arith.constant 0 : i32
        %get3A_553 = arith.constant 0 : i32
        %get3A_554 = tpu.memref_slice %arg6[%scan3A_336, %get3A_552, %get3A_553] : memref<4x128x128xf32, #tpu.memory_space<vmem>> -> memref<1x128x128xf32, #tpu.memory_space<vmem>>
        %get3A_555 = tpu.memref_squeeze %get3A_554 : memref<1x128x128xf32, #tpu.memory_space<vmem>> -> memref<128x128xf32, #tpu.memory_space<vmem>>
        %get3A_556 = arith.index_cast %add3A_533 : i32 to index
        %get3A_557 = arith.constant 16 : index
        %get3A_558 = tpu.vector_load %get3A_555[%get3A_556, %get3A_557] {strides = array<i32>} : memref<128x128xf32, #tpu.memory_space<vmem>>, vector<1x16xf32>,
        %get3A_559 = vector.shape_cast %get3A_558 : vector<1x16xf32> to vector<16xf32>
        %mul3A_560 = arith.constant 11.3137083 : f32
        %mul3A_561 = vector.broadcast %mul3A_560 : f32 to vector<16xf32>
        %mul3A_562 = arith.mulf %get3A_559, %mul3A_561 : vector<16xf32>
        %swap3A_563 = arith.constant 0 : i32
        %swap3A_564 = arith.constant 0 : i32
        %swap3A_565 = tpu.memref_slice %arg6[%scan3A_336, %swap3A_563, %swap3A_564] : memref<4x128x128xf32, #tpu.memory_space<vmem>> -> memref<1x128x128xf32, #tpu.memory_space<vmem>>
        %swap3A_566 = tpu.memref_squeeze %swap3A_565 : memref<1x128x128xf32, #tpu.memory_space<vmem>> -> memref<128x128xf32, #tpu.memory_space<vmem>>
        %swap3A_567 = arith.index_cast %add3A_533 : i32 to index
        %swap3A_568 = arith.constant 16 : index
        %swap3A_569 = tpu.vector_load %swap3A_566[%swap3A_567, %swap3A_568] {strides = array<i32>} : memref<128x128xf32, #tpu.memory_space<vmem>>, vector<1x16xf32>,
        %swap3A_570 = vector.shape_cast %swap3A_569 : vector<1x16xf32> to vector<16xf32>
        %swap3A_571 = vector.shape_cast %mul3A_562 : vector<16xf32> to vector<1x16xf32>
        tpu.vector_store %swap3A_566[%swap3A_567, %swap3A_568], %swap3A_571 {strides = array<i32>} : memref<128x128xf32, #tpu.memory_space<vmem>>, vector<1x16xf32>,
        %get3A_572 = arith.constant 0 : i32
        %get3A_573 = arith.constant 0 : i32
        %get3A_574 = tpu.memref_slice %arg6[%scan3A_336, %get3A_572, %get3A_573] : memref<4x128x128xf32, #tpu.memory_space<vmem>> -> memref<1x128x128xf32, #tpu.memory_space<vmem>>
        %get3A_575 = tpu.memref_squeeze %get3A_574 : memref<1x128x128xf32, #tpu.memory_space<vmem>> -> memref<128x128xf32, #tpu.memory_space<vmem>>
        %get3A_576 = arith.index_cast %add3A_533 : i32 to index
        %get3A_577 = arith.constant 32 : index
        %get3A_578 = tpu.vector_load %get3A_575[%get3A_576, %get3A_577] {strides = array<i32>} : memref<128x128xf32, #tpu.memory_space<vmem>>, vector<1x16xf32>,
        %get3A_579 = vector.shape_cast %get3A_578 : vector<1x16xf32> to vector<16xf32>
        %mul3A_580 = arith.constant 11.3137083 : f32
        %mul3A_581 = vector.broadcast %mul3A_580 : f32 to vector<16xf32>
        %mul3A_582 = arith.mulf %get3A_579, %mul3A_581 : vector<16xf32>
        %swap3A_583 = arith.constant 0 : i32
        %swap3A_584 = arith.constant 0 : i32
        %swap3A_585 = tpu.memref_slice %arg6[%scan3A_336, %swap3A_583, %swap3A_584] : memref<4x128x128xf32, #tpu.memory_space<vmem>> -> memref<1x128x128xf32, #tpu.memory_space<vmem>>
        %swap3A_586 = tpu.memref_squeeze %swap3A_585 : memref<1x128x128xf32, #tpu.memory_space<vmem>> -> memref<128x128xf32, #tpu.memory_space<vmem>>
        %swap3A_587 = arith.index_cast %add3A_533 : i32 to index
        %swap3A_588 = arith.constant 32 : index
        %swap3A_589 = tpu.vector_load %swap3A_586[%swap3A_587, %swap3A_588] {strides = array<i32>} : memref<128x128xf32, #tpu.memory_space<vmem>>, vector<1x16xf32>,
        %swap3A_590 = vector.shape_cast %swap3A_589 : vector<1x16xf32> to vector<16xf32>
        %swap3A_591 = vector.shape_cast %mul3A_582 : vector<16xf32> to vector<1x16xf32>
        tpu.vector_store %swap3A_586[%swap3A_587, %swap3A_588], %swap3A_591 {strides = array<i32>} : memref<128x128xf32, #tpu.memory_space<vmem>>, vector<1x16xf32>,
        %get3A_592 = arith.constant 0 : i32
        %get3A_593 = arith.constant 0 : i32
        %get3A_594 = tpu.memref_slice %arg6[%scan3A_336, %get3A_592, %get3A_593] : memref<4x128x128xf32, #tpu.memory_space<vmem>> -> memref<1x128x128xf32, #tpu.memory_space<vmem>>
        %get3A_595 = tpu.memref_squeeze %get3A_594 : memref<1x128x128xf32, #tpu.memory_space<vmem>> -> memref<128x128xf32, #tpu.memory_space<vmem>>
        %get3A_596 = arith.index_cast %add3A_533 : i32 to index
        %get3A_597 = arith.constant 48 : index
        %get3A_598 = tpu.vector_load %get3A_595[%get3A_596, %get3A_597] {strides = array<i32>} : memref<128x128xf32, #tpu.memory_space<vmem>>, vector<1x16xf32>,
        %get3A_599 = vector.shape_cast %get3A_598 : vector<1x16xf32> to vector<16xf32>
        %mul3A_600 = arith.constant 11.3137083 : f32
        %mul3A_601 = vector.broadcast %mul3A_600 : f32 to vector<16xf32>
        %mul3A_602 = arith.mulf %get3A_599, %mul3A_601 : vector<16xf32>
        %swap3A_603 = arith.constant 0 : i32
        %swap3A_604 = arith.constant 0 : i32
        %swap3A_605 = tpu.memref_slice %arg6[%scan3A_336, %swap3A_603, %swap3A_604] : memref<4x128x128xf32, #tpu.memory_space<vmem>> -> memref<1x128x128xf32, #tpu.memory_space<vmem>>
        %swap3A_606 = tpu.memref_squeeze %swap3A_605 : memref<1x128x128xf32, #tpu.memory_space<vmem>> -> memref<128x128xf32, #tpu.memory_space<vmem>>
        %swap3A_607 = arith.index_cast %add3A_533 : i32 to index
        %swap3A_608 = arith.constant 48 : index
        %swap3A_609 = tpu.vector_load %swap3A_606[%swap3A_607, %swap3A_608] {strides = array<i32>} : memref<128x128xf32, #tpu.memory_space<vmem>>, vector<1x16xf32>,
        %swap3A_610 = vector.shape_cast %swap3A_609 : vector<1x16xf32> to vector<16xf32>
        %swap3A_611 = vector.shape_cast %mul3A_602 : vector<16xf32> to vector<1x16xf32>
        tpu.vector_store %swap3A_606[%swap3A_607, %swap3A_608], %swap3A_611 {strides = array<i32>} : memref<128x128xf32, #tpu.memory_space<vmem>>, vector<1x16xf32>,
        %get3A_612 = arith.constant 0 : i32
        %get3A_613 = arith.constant 0 : i32
        %get3A_614 = tpu.memref_slice %arg6[%scan3A_336, %get3A_612, %get3A_613] : memref<4x128x128xf32, #tpu.memory_space<vmem>> -> memref<1x128x128xf32, #tpu.memory_space<vmem>>
        %get3A_615 = tpu.memref_squeeze %get3A_614 : memref<1x128x128xf32, #tpu.memory_space<vmem>> -> memref<128x128xf32, #tpu.memory_space<vmem>>
        %get3A_616 = arith.index_cast %add3A_533 : i32 to index
        %get3A_617 = arith.constant 64 : index
        %get3A_618 = tpu.vector_load %get3A_615[%get3A_616, %get3A_617] {strides = array<i32>} : memref<128x128xf32, #tpu.memory_space<vmem>>, vector<1x16xf32>,
        %get3A_619 = vector.shape_cast %get3A_618 : vector<1x16xf32> to vector<16xf32>
        %mul3A_620 = arith.constant 11.3137083 : f32
        %mul3A_621 = vector.broadcast %mul3A_620 : f32 to vector<16xf32>
        %mul3A_622 = arith.mulf %get3A_619, %mul3A_621 : vector<16xf32>
        %swap3A_623 = arith.constant 0 : i32
        %swap3A_624 = arith.constant 0 : i32
        %swap3A_625 = tpu.memref_slice %arg6[%scan3A_336, %swap3A_623, %swap3A_624] : memref<4x128x128xf32, #tpu.memory_space<vmem>> -> memref<1x128x128xf32, #tpu.memory_space<vmem>>
        %swap3A_626 = tpu.memref_squeeze %swap3A_625 : memref<1x128x128xf32, #tpu.memory_space<vmem>> -> memref<128x128xf32, #tpu.memory_space<vmem>>
        %swap3A_627 = arith.index_cast %add3A_533 : i32 to index
        %swap3A_628 = arith.constant 64 : index
        %swap3A_629 = tpu.vector_load %swap3A_626[%swap3A_627, %swap3A_628] {strides = array<i32>} : memref<128x128xf32, #tpu.memory_space<vmem>>, vector<1x16xf32>,
        %swap3A_630 = vector.shape_cast %swap3A_629 : vector<1x16xf32> to vector<16xf32>
        %swap3A_631 = vector.shape_cast %mul3A_622 : vector<16xf32> to vector<1x16xf32>
        tpu.vector_store %swap3A_626[%swap3A_627, %swap3A_628], %swap3A_631 {strides = array<i32>} : memref<128x128xf32, #tpu.memory_space<vmem>>, vector<1x16xf32>,
        %get3A_632 = arith.constant 0 : i32
        %get3A_633 = arith.constant 0 : i32
        %get3A_634 = tpu.memref_slice %arg6[%scan3A_336, %get3A_632, %get3A_633] : memref<4x128x128xf32, #tpu.memory_space<vmem>> -> memref<1x128x128xf32, #tpu.memory_space<vmem>>
        %get3A_635 = tpu.memref_squeeze %get3A_634 : memref<1x128x128xf32, #tpu.memory_space<vmem>> -> memref<128x128xf32, #tpu.memory_space<vmem>>
        %get3A_636 = arith.index_cast %add3A_533 : i32 to index
        %get3A_637 = arith.constant 80 : index
        %get3A_638 = tpu.vector_load %get3A_635[%get3A_636, %get3A_637] {strides = array<i32>} : memref<128x128xf32, #tpu.memory_space<vmem>>, vector<1x16xf32>,
        %get3A_639 = vector.shape_cast %get3A_638 : vector<1x16xf32> to vector<16xf32>
        %mul3A_640 = arith.constant 11.3137083 : f32
        %mul3A_641 = vector.broadcast %mul3A_640 : f32 to vector<16xf32>
        %mul3A_642 = arith.mulf %get3A_639, %mul3A_641 : vector<16xf32>
        %swap3A_643 = arith.constant 0 : i32
        %swap3A_644 = arith.constant 0 : i32
        %swap3A_645 = tpu.memref_slice %arg6[%scan3A_336, %swap3A_643, %swap3A_644] : memref<4x128x128xf32, #tpu.memory_space<vmem>> -> memref<1x128x128xf32, #tpu.memory_space<vmem>>
        %swap3A_646 = tpu.memref_squeeze %swap3A_645 : memref<1x128x128xf32, #tpu.memory_space<vmem>> -> memref<128x128xf32, #tpu.memory_space<vmem>>
        %swap3A_647 = arith.index_cast %add3A_533 : i32 to index
        %swap3A_648 = arith.constant 80 : index
        %swap3A_649 = tpu.vector_load %swap3A_646[%swap3A_647, %swap3A_648] {strides = array<i32>} : memref<128x128xf32, #tpu.memory_space<vmem>>, vector<1x16xf32>,
        %swap3A_650 = vector.shape_cast %swap3A_649 : vector<1x16xf32> to vector<16xf32>
        %swap3A_651 = vector.shape_cast %mul3A_642 : vector<16xf32> to vector<1x16xf32>
        tpu.vector_store %swap3A_646[%swap3A_647, %swap3A_648], %swap3A_651 {strides = array<i32>} : memref<128x128xf32, #tpu.memory_space<vmem>>, vector<1x16xf32>,
        %get3A_652 = arith.constant 0 : i32
        %get3A_653 = arith.constant 0 : i32
        %get3A_654 = tpu.memref_slice %arg6[%scan3A_336, %get3A_652, %get3A_653] : memref<4x128x128xf32, #tpu.memory_space<vmem>> -> memref<1x128x128xf32, #tpu.memory_space<vmem>>
        %get3A_655 = tpu.memref_squeeze %get3A_654 : memref<1x128x128xf32, #tpu.memory_space<vmem>> -> memref<128x128xf32, #tpu.memory_space<vmem>>
        %get3A_656 = arith.index_cast %add3A_533 : i32 to index
        %get3A_657 = arith.constant 96 : index
        %get3A_658 = tpu.vector_load %get3A_655[%get3A_656, %get3A_657] {strides = array<i32>} : memref<128x128xf32, #tpu.memory_space<vmem>>, vector<1x16xf32>,
        %get3A_659 = vector.shape_cast %get3A_658 : vector<1x16xf32> to vector<16xf32>
        %mul3A_660 = arith.constant 11.3137083 : f32
        %mul3A_661 = vector.broadcast %mul3A_660 : f32 to vector<16xf32>
        %mul3A_662 = arith.mulf %get3A_659, %mul3A_661 : vector<16xf32>
        %swap3A_663 = arith.constant 0 : i32
        %swap3A_664 = arith.constant 0 : i32
        %swap3A_665 = tpu.memref_slice %arg6[%scan3A_336, %swap3A_663, %swap3A_664] : memref<4x128x128xf32, #tpu.memory_space<vmem>> -> memref<1x128x128xf32, #tpu.memory_space<vmem>>
        %swap3A_666 = tpu.memref_squeeze %swap3A_665 : memref<1x128x128xf32, #tpu.memory_space<vmem>> -> memref<128x128xf32, #tpu.memory_space<vmem>>
        %swap3A_667 = arith.index_cast %add3A_533 : i32 to index
        %swap3A_668 = arith.constant 96 : index
        %swap3A_669 = tpu.vector_load %swap3A_666[%swap3A_667, %swap3A_668] {strides = array<i32>} : memref<128x128xf32, #tpu.memory_space<vmem>>, vector<1x16xf32>,
        %swap3A_670 = vector.shape_cast %swap3A_669 : vector<1x16xf32> to vector<16xf32>
        %swap3A_671 = vector.shape_cast %mul3A_662 : vector<16xf32> to vector<1x16xf32>
        tpu.vector_store %swap3A_666[%swap3A_667, %swap3A_668], %swap3A_671 {strides = array<i32>} : memref<128x128xf32, #tpu.memory_space<vmem>>, vector<1x16xf32>,
        %get3A_672 = arith.constant 0 : i32
        %get3A_673 = arith.constant 0 : i32
        %get3A_674 = tpu.memref_slice %arg6[%scan3A_336, %get3A_672, %get3A_673] : memref<4x128x128xf32, #tpu.memory_space<vmem>> -> memref<1x128x128xf32, #tpu.memory_space<vmem>>
        %get3A_675 = tpu.memref_squeeze %get3A_674 : memref<1x128x128xf32, #tpu.memory_space<vmem>> -> memref<128x128xf32, #tpu.memory_space<vmem>>
        %get3A_676 = arith.index_cast %add3A_533 : i32 to index
        %get3A_677 = arith.constant 112 : index
        %get3A_678 = tpu.vector_load %get3A_675[%get3A_676, %get3A_677] {strides = array<i32>} : memref<128x128xf32, #tpu.memory_space<vmem>>, vector<1x16xf32>,
        %get3A_679 = vector.shape_cast %get3A_678 : vector<1x16xf32> to vector<16xf32>
        %mul3A_680 = arith.constant 11.3137083 : f32
        %mul3A_681 = vector.broadcast %mul3A_680 : f32 to vector<16xf32>
        %mul3A_682 = arith.mulf %get3A_679, %mul3A_681 : vector<16xf32>
        %swap3A_683 = arith.constant 0 : i32
        %swap3A_684 = arith.constant 0 : i32
        %swap3A_685 = tpu.memref_slice %arg6[%scan3A_336, %swap3A_683, %swap3A_684] : memref<4x128x128xf32, #tpu.memory_space<vmem>> -> memref<1x128x128xf32, #tpu.memory_space<vmem>>
        %swap3A_686 = tpu.memref_squeeze %swap3A_685 : memref<1x128x128xf32, #tpu.memory_space<vmem>> -> memref<128x128xf32, #tpu.memory_space<vmem>>
        %swap3A_687 = arith.index_cast %add3A_533 : i32 to index
        %swap3A_688 = arith.constant 112 : index
        %swap3A_689 = tpu.vector_load %swap3A_686[%swap3A_687, %swap3A_688] {strides = array<i32>} : memref<128x128xf32, #tpu.memory_space<vmem>>, vector<1x16xf32>,
        %swap3A_690 = vector.shape_cast %swap3A_689 : vector<1x16xf32> to vector<16xf32>
        %swap3A_691 = vector.shape_cast %mul3A_682 : vector<16xf32> to vector<1x16xf32>
        tpu.vector_store %swap3A_686[%swap3A_687, %swap3A_688], %swap3A_691 {strides = array<i32>} : memref<128x128xf32, #tpu.memory_space<vmem>>, vector<1x16xf32>,
      }
      %scan3A_341 = arith.constant 128 : i32
      %mul3A_342 = arith.constant 128 : i32
      %mul3A_343 = arith.muli %add3A_324, %mul3A_342 : i32
      %add3A_344 = arith.addi %mul3A_2, %mul3A_343 : i32
      %dma_start3A_345 = arith.constant 3 : i32
      %dma_start3A_346 = arith.constant 0 : i32
      %dma_start3A_347 = arith.constant 0 : i32
      %dma_start3A_348 = tpu.memref_slice %arg6[%dma_start3A_345, %dma_start3A_346, %dma_start3A_347] : memref<4x128x128xf32, #tpu.memory_space<vmem>> -> memref<1x128x128xf32, #tpu.memory_space<vmem>>
      %dma_start3A_349 = tpu.memref_squeeze %dma_start3A_348 : memref<1x128x128xf32, #tpu.memory_space<vmem>> -> memref<128x128xf32, #tpu.memory_space<vmem>>
      %dma_start3A_350 = arith.constant 0 : i32
      %dma_start3A_351 = tpu.memref_slice %arg4[%add3A_344, %dma_start3A_350] : memref<819200x128xf32, #tpu.memory_space<hbm>> -> memref<128x128xf32, #tpu.memory_space<hbm>>
      %dma_start3A_352 = arith.constant 0 : i32
      %dma_start3A_353 = tpu.memref_slice %arg4[%add3A_344, %dma_start3A_352] : memref<819200x128xf32, #tpu.memory_space<hbm>> -> memref<128x128xf32, #tpu.memory_space<hbm>>
      %dma_start3A_354 = arith.constant 0 : i32
      %dma_start3A_355 = arith.constant 0 : i32
      %dma_start3A_356 = tpu.memref_slice %arg6[%dma_start3A_345, %dma_start3A_354, %dma_start3A_355] : memref<4x128x128xf32, #tpu.memory_space<vmem>> -> memref<1x128x128xf32, #tpu.memory_space<vmem>>
      %dma_start3A_357 = tpu.memref_squeeze %dma_start3A_356 : memref<1x128x128xf32, #tpu.memory_space<vmem>> -> memref<128x128xf32, #tpu.memory_space<vmem>>
      tpu.enqueue_dma source(%dma_start3A_357 : memref<128x128xf32, #tpu.memory_space<vmem>>) target(%dma_start3A_353 : memref<128x128xf32, #tpu.memory_space<hbm>>) target_semaphore(%arg14 : memref<!tpu.dma_semaphore, #tpu.memory_space<semaphore_mem>>)
      %sub3A_358 = arith.constant 2 : i32
      %sub3A_359 = arith.subi %add3A_324, %sub3A_358 : i32
      %mul3A_360 = arith.constant 128 : i32
      %mul3A_361 = arith.muli %sub3A_359, %mul3A_360 : i32
      %add3A_362 = arith.addi %mul3A_2, %mul3A_361 : i32
      %dma_wait3A_363 = arith.constant 1 : i32
      %dma_wait3A_364 = arith.constant 0 : i32
      %dma_wait3A_365 = arith.constant 0 : i32
      %dma_wait3A_366 = tpu.memref_slice %arg6[%dma_wait3A_363, %dma_wait3A_364, %dma_wait3A_365] : memref<4x128x128xf32, #tpu.memory_space<vmem>> -> memref<1x128x128xf32, #tpu.memory_space<vmem>>
      %dma_wait3A_367 = tpu.memref_squeeze %dma_wait3A_366 : memref<1x128x128xf32, #tpu.memory_space<vmem>> -> memref<128x128xf32, #tpu.memory_space<vmem>>
      %dma_wait3A_368 = arith.constant 0 : i32
      %dma_wait3A_369 = tpu.memref_slice %arg4[%add3A_362, %dma_wait3A_368] : memref<819200x128xf32, #tpu.memory_space<hbm>> -> memref<128x128xf32, #tpu.memory_space<hbm>>
      %dma_wait3A_370 = arith.constant 0 : i32
      %dma_wait3A_371 = tpu.memref_slice %arg4[%add3A_362, %dma_wait3A_370] : memref<819200x128xf32, #tpu.memory_space<hbm>> -> memref<128x128xf32, #tpu.memory_space<hbm>>
      %dma_wait3A_372 = arith.constant 0 : i32
      %dma_wait3A_373 = arith.constant 0 : i32
      %dma_wait3A_374 = tpu.memref_slice %arg6[%dma_wait3A_363, %dma_wait3A_372, %dma_wait3A_373] : memref<4x128x128xf32, #tpu.memory_space<vmem>> -> memref<1x128x128xf32, #tpu.memory_space<vmem>>
      %dma_wait3A_375 = tpu.memref_squeeze %dma_wait3A_374 : memref<1x128x128xf32, #tpu.memory_space<vmem>> -> memref<128x128xf32, #tpu.memory_space<vmem>>
      tpu.wait_dma2 semaphore(%arg12 : memref<!tpu.dma_semaphore, #tpu.memory_space<semaphore_mem>>) src(%dma_wait3A_375 : memref<128x128xf32, #tpu.memory_space<vmem>>) dst(%dma_wait3A_371 : memref<128x128xf32, #tpu.memory_space<hbm>>)
      %add3A_376 = arith.constant 2 : i32
      %add3A_377 = arith.addi %add3A_324, %add3A_376 : i32
      %dma_start3A_378 = arith.constant 1 : i32
      %dma_start3A_379 = arith.constant 0 : i32
      %dma_start3A_380 = arith.constant 0 : i32
      %dma_start3A_381 = tpu.memref_slice %arg6[%dma_start3A_378, %dma_start3A_379, %dma_start3A_380] : memref<4x128x128xf32, #tpu.memory_space<vmem>> -> memref<1x128x128xf32, #tpu.memory_space<vmem>>
      %dma_start3A_382 = tpu.memref_squeeze %dma_start3A_381 : memref<1x128x128xf32, #tpu.memory_space<vmem>> -> memref<128x128xf32, #tpu.memory_space<vmem>>
      %dma_start3A_383 = arith.constant 0 : i32
      %dma_start3A_384 = tpu.memref_slice %arg5[%add3A_377, %dma_start3A_383] : memref<200x128xi32, #tpu.memory_space<vmem>> -> memref<1x128xi32, #tpu.memory_space<vmem>>
      %dma_start3A_385 = tpu.memref_squeeze %dma_start3A_384 : memref<1x128xi32, #tpu.memory_space<vmem>> -> memref<128xi32, #tpu.memory_space<vmem>>
      %dma_start3A_386 = arith.constant 0 : i32
      %dma_start3A_387 = arith.constant 0 : i32
      %dma_start3A_388 = tpu.memref_slice %arg2[%dma_start3A_386, %dma_start3A_387] : memref<100000x128xf32, #tpu.memory_space<hbm>> -> memref<100000x128xf32, #tpu.memory_space<hbm>>
      tpu.enqueue_indirect_dma source(%dma_start3A_388 : memref<100000x128xf32, #tpu.memory_space<hbm>>) target(%dma_start3A_382 : memref<128x128xf32, #tpu.memory_space<vmem>>) offsets(%dma_start3A_385 : memref<128xi32, #tpu.memory_space<vmem>>) semaphore(%arg8 : memref<!tpu.dma_semaphore, #tpu.memory_space<semaphore_mem>>)
      %mul3A_389 = arith.constant 4 : i32
      %mul3A_390 = arith.muli %mul3A_389, %add3A_249 : i32
      %add3A_391 = arith.constant 2 : i32
      %add3A_392 = arith.addi %mul3A_390, %add3A_391 : i32
      %add3A_393 = arith.constant 2 : i32
      %add3A_394 = arith.addi %add3A_392, %add3A_393 : i32
      %dma_wait3A_395 = arith.constant 0 : i32
      %dma_wait3A_396 = arith.constant 0 : i32
      %dma_wait3A_397 = arith.constant 0 : i32
      %dma_wait3A_398 = tpu.memref_slice %arg6[%dma_wait3A_395, %dma_wait3A_396, %dma_wait3A_397] : memref<4x128x128xf32, #tpu.memory_space<vmem>> -> memref<1x128x128xf32, #tpu.memory_space<vmem>>
      %dma_wait3A_399 = tpu.memref_squeeze %dma_wait3A_398 : memref<1x128x128xf32, #tpu.memory_space<vmem>> -> memref<128x128xf32, #tpu.memory_space<vmem>>
      %dma_wait3A_400 = arith.constant 0 : i32
      %dma_wait3A_401 = tpu.memref_slice %arg5[%add3A_394, %dma_wait3A_400] : memref<200x128xi32, #tpu.memory_space<vmem>> -> memref<1x128xi32, #tpu.memory_space<vmem>>
      %dma_wait3A_402 = tpu.memref_squeeze %dma_wait3A_401 : memref<1x128xi32, #tpu.memory_space<vmem>> -> memref<128xi32, #tpu.memory_space<vmem>>
      %dma_wait3A_403 = arith.constant 0 : i32
      %dma_wait3A_404 = arith.constant 0 : i32
      %dma_wait3A_405 = tpu.memref_slice %arg2[%dma_wait3A_403, %dma_wait3A_404] : memref<100000x128xf32, #tpu.memory_space<hbm>> -> memref<100000x128xf32, #tpu.memory_space<hbm>>
      tpu.wait_indirect_dma semaphore(%arg7 : memref<!tpu.dma_semaphore, #tpu.memory_space<semaphore_mem>>) src(%dma_wait3A_405 : memref<100000x128xf32, #tpu.memory_space<hbm>>) dst(%dma_wait3A_399 : memref<128x128xf32, #tpu.memory_space<vmem>>)
      %scan3A_406 = arith.constant 0 : i32
      %scan3A_407 = arith.constant 0 : i32
      %scan3A_408 = arith.constant 128 : i32
      %scan3A_409 = arith.addi %scan3A_407, %scan3A_408 : i32
      %scan3A_410 = arith.constant 1 : i32
      scf.for %scan3A_529 = %scan3A_407 to %scan3A_409 step %scan3A_410  : i32 {
        %mul3A_530 = arith.constant 1 : i32
        %mul3A_531 = arith.muli %scan3A_529, %mul3A_530 : i32
        %add3A_532 = arith.constant 0 : i32
        %add3A_533 = arith.addi %add3A_532, %mul3A_531 : i32
        %get3A = arith.constant 0 : i32
        %get3A_534 = arith.constant 0 : i32
        %get3A_535 = tpu.memref_slice %arg6[%scan3A_406, %get3A, %get3A_534] : memref<4x128x128xf32, #tpu.memory_space<vmem>> -> memref<1x128x128xf32, #tpu.memory_space<vmem>>
        %get3A_536 = tpu.memref_squeeze %get3A_535 : memref<1x128x128xf32, #tpu.memory_space<vmem>> -> memref<128x128xf32, #tpu.memory_space<vmem>>
        %get3A_537 = arith.index_cast %add3A_533 : i32 to index
        %get3A_538 = arith.constant 0 : index
        %get3A_539 = tpu.vector_load %get3A_536[%get3A_537, %get3A_538] {strides = array<i32>} : memref<128x128xf32, #tpu.memory_space<vmem>>, vector<1x16xf32>,
        %get3A_540 = vector.shape_cast %get3A_539 : vector<1x16xf32> to vector<16xf32>
        %mul3A_541 = arith.constant 11.3137083 : f32
        %mul3A_542 = vector.broadcast %mul3A_541 : f32 to vector<16xf32>
        %mul3A_543 = arith.mulf %get3A_540, %mul3A_542 : vector<16xf32>
        %swap3A = arith.constant 0 : i32
        %swap3A_544 = arith.constant 0 : i32
        %swap3A_545 = tpu.memref_slice %arg6[%scan3A_406, %swap3A, %swap3A_544] : memref<4x128x128xf32, #tpu.memory_space<vmem>> -> memref<1x128x128xf32, #tpu.memory_space<vmem>>
        %swap3A_546 = tpu.memref_squeeze %swap3A_545 : memref<1x128x128xf32, #tpu.memory_space<vmem>> -> memref<128x128xf32, #tpu.memory_space<vmem>>
        %swap3A_547 = arith.index_cast %add3A_533 : i32 to index
        %swap3A_548 = arith.constant 0 : index
        %swap3A_549 = tpu.vector_load %swap3A_546[%swap3A_547, %swap3A_548] {strides = array<i32>} : memref<128x128xf32, #tpu.memory_space<vmem>>, vector<1x16xf32>,
        %swap3A_550 = vector.shape_cast %swap3A_549 : vector<1x16xf32> to vector<16xf32>
        %swap3A_551 = vector.shape_cast %mul3A_543 : vector<16xf32> to vector<1x16xf32>
        tpu.vector_store %swap3A_546[%swap3A_547, %swap3A_548], %swap3A_551 {strides = array<i32>} : memref<128x128xf32, #tpu.memory_space<vmem>>, vector<1x16xf32>,
        %get3A_552 = arith.constant 0 : i32
        %get3A_553 = arith.constant 0 : i32
        %get3A_554 = tpu.memref_slice %arg6[%scan3A_406, %get3A_552, %get3A_553] : memref<4x128x128xf32, #tpu.memory_space<vmem>> -> memref<1x128x128xf32, #tpu.memory_space<vmem>>
        %get3A_555 = tpu.memref_squeeze %get3A_554 : memref<1x128x128xf32, #tpu.memory_space<vmem>> -> memref<128x128xf32, #tpu.memory_space<vmem>>
        %get3A_556 = arith.index_cast %add3A_533 : i32 to index
        %get3A_557 = arith.constant 16 : index
        %get3A_558 = tpu.vector_load %get3A_555[%get3A_556, %get3A_557] {strides = array<i32>} : memref<128x128xf32, #tpu.memory_space<vmem>>, vector<1x16xf32>,
        %get3A_559 = vector.shape_cast %get3A_558 : vector<1x16xf32> to vector<16xf32>
        %mul3A_560 = arith.constant 11.3137083 : f32
        %mul3A_561 = vector.broadcast %mul3A_560 : f32 to vector<16xf32>
        %mul3A_562 = arith.mulf %get3A_559, %mul3A_561 : vector<16xf32>
        %swap3A_563 = arith.constant 0 : i32
        %swap3A_564 = arith.constant 0 : i32
        %swap3A_565 = tpu.memref_slice %arg6[%scan3A_406, %swap3A_563, %swap3A_564] : memref<4x128x128xf32, #tpu.memory_space<vmem>> -> memref<1x128x128xf32, #tpu.memory_space<vmem>>
        %swap3A_566 = tpu.memref_squeeze %swap3A_565 : memref<1x128x128xf32, #tpu.memory_space<vmem>> -> memref<128x128xf32, #tpu.memory_space<vmem>>
        %swap3A_567 = arith.index_cast %add3A_533 : i32 to index
        %swap3A_568 = arith.constant 16 : index
        %swap3A_569 = tpu.vector_load %swap3A_566[%swap3A_567, %swap3A_568] {strides = array<i32>} : memref<128x128xf32, #tpu.memory_space<vmem>>, vector<1x16xf32>,
        %swap3A_570 = vector.shape_cast %swap3A_569 : vector<1x16xf32> to vector<16xf32>
        %swap3A_571 = vector.shape_cast %mul3A_562 : vector<16xf32> to vector<1x16xf32>
        tpu.vector_store %swap3A_566[%swap3A_567, %swap3A_568], %swap3A_571 {strides = array<i32>} : memref<128x128xf32, #tpu.memory_space<vmem>>, vector<1x16xf32>,
        %get3A_572 = arith.constant 0 : i32
        %get3A_573 = arith.constant 0 : i32
        %get3A_574 = tpu.memref_slice %arg6[%scan3A_406, %get3A_572, %get3A_573] : memref<4x128x128xf32, #tpu.memory_space<vmem>> -> memref<1x128x128xf32, #tpu.memory_space<vmem>>
        %get3A_575 = tpu.memref_squeeze %get3A_574 : memref<1x128x128xf32, #tpu.memory_space<vmem>> -> memref<128x128xf32, #tpu.memory_space<vmem>>
        %get3A_576 = arith.index_cast %add3A_533 : i32 to index
        %get3A_577 = arith.constant 32 : index
        %get3A_578 = tpu.vector_load %get3A_575[%get3A_576, %get3A_577] {strides = array<i32>} : memref<128x128xf32, #tpu.memory_space<vmem>>, vector<1x16xf32>,
        %get3A_579 = vector.shape_cast %get3A_578 : vector<1x16xf32> to vector<16xf32>
        %mul3A_580 = arith.constant 11.3137083 : f32
        %mul3A_581 = vector.broadcast %mul3A_580 : f32 to vector<16xf32>
        %mul3A_582 = arith.mulf %get3A_579, %mul3A_581 : vector<16xf32>
        %swap3A_583 = arith.constant 0 : i32
        %swap3A_584 = arith.constant 0 : i32
        %swap3A_585 = tpu.memref_slice %arg6[%scan3A_406, %swap3A_583, %swap3A_584] : memref<4x128x128xf32, #tpu.memory_space<vmem>> -> memref<1x128x128xf32, #tpu.memory_space<vmem>>
        %swap3A_586 = tpu.memref_squeeze %swap3A_585 : memref<1x128x128xf32, #tpu.memory_space<vmem>> -> memref<128x128xf32, #tpu.memory_space<vmem>>
        %swap3A_587 = arith.index_cast %add3A_533 : i32 to index
        %swap3A_588 = arith.constant 32 : index
        %swap3A_589 = tpu.vector_load %swap3A_586[%swap3A_587, %swap3A_588] {strides = array<i32>} : memref<128x128xf32, #tpu.memory_space<vmem>>, vector<1x16xf32>,
        %swap3A_590 = vector.shape_cast %swap3A_589 : vector<1x16xf32> to vector<16xf32>
        %swap3A_591 = vector.shape_cast %mul3A_582 : vector<16xf32> to vector<1x16xf32>
        tpu.vector_store %swap3A_586[%swap3A_587, %swap3A_588], %swap3A_591 {strides = array<i32>} : memref<128x128xf32, #tpu.memory_space<vmem>>, vector<1x16xf32>,
        %get3A_592 = arith.constant 0 : i32
        %get3A_593 = arith.constant 0 : i32
        %get3A_594 = tpu.memref_slice %arg6[%scan3A_406, %get3A_592, %get3A_593] : memref<4x128x128xf32, #tpu.memory_space<vmem>> -> memref<1x128x128xf32, #tpu.memory_space<vmem>>
        %get3A_595 = tpu.memref_squeeze %get3A_594 : memref<1x128x128xf32, #tpu.memory_space<vmem>> -> memref<128x128xf32, #tpu.memory_space<vmem>>
        %get3A_596 = arith.index_cast %add3A_533 : i32 to index
        %get3A_597 = arith.constant 48 : index
        %get3A_598 = tpu.vector_load %get3A_595[%get3A_596, %get3A_597] {strides = array<i32>} : memref<128x128xf32, #tpu.memory_space<vmem>>, vector<1x16xf32>,
        %get3A_599 = vector.shape_cast %get3A_598 : vector<1x16xf32> to vector<16xf32>
        %mul3A_600 = arith.constant 11.3137083 : f32
        %mul3A_601 = vector.broadcast %mul3A_600 : f32 to vector<16xf32>
        %mul3A_602 = arith.mulf %get3A_599, %mul3A_601 : vector<16xf32>
        %swap3A_603 = arith.constant 0 : i32
        %swap3A_604 = arith.constant 0 : i32
        %swap3A_605 = tpu.memref_slice %arg6[%scan3A_406, %swap3A_603, %swap3A_604] : memref<4x128x128xf32, #tpu.memory_space<vmem>> -> memref<1x128x128xf32, #tpu.memory_space<vmem>>
        %swap3A_606 = tpu.memref_squeeze %swap3A_605 : memref<1x128x128xf32, #tpu.memory_space<vmem>> -> memref<128x128xf32, #tpu.memory_space<vmem>>
        %swap3A_607 = arith.index_cast %add3A_533 : i32 to index
        %swap3A_608 = arith.constant 48 : index
        %swap3A_609 = tpu.vector_load %swap3A_606[%swap3A_607, %swap3A_608] {strides = array<i32>} : memref<128x128xf32, #tpu.memory_space<vmem>>, vector<1x16xf32>,
        %swap3A_610 = vector.shape_cast %swap3A_609 : vector<1x16xf32> to vector<16xf32>
        %swap3A_611 = vector.shape_cast %mul3A_602 : vector<16xf32> to vector<1x16xf32>
        tpu.vector_store %swap3A_606[%swap3A_607, %swap3A_608], %swap3A_611 {strides = array<i32>} : memref<128x128xf32, #tpu.memory_space<vmem>>, vector<1x16xf32>,
        %get3A_612 = arith.constant 0 : i32
        %get3A_613 = arith.constant 0 : i32
        %get3A_614 = tpu.memref_slice %arg6[%scan3A_406, %get3A_612, %get3A_613] : memref<4x128x128xf32, #tpu.memory_space<vmem>> -> memref<1x128x128xf32, #tpu.memory_space<vmem>>
        %get3A_615 = tpu.memref_squeeze %get3A_614 : memref<1x128x128xf32, #tpu.memory_space<vmem>> -> memref<128x128xf32, #tpu.memory_space<vmem>>
        %get3A_616 = arith.index_cast %add3A_533 : i32 to index
        %get3A_617 = arith.constant 64 : index
        %get3A_618 = tpu.vector_load %get3A_615[%get3A_616, %get3A_617] {strides = array<i32>} : memref<128x128xf32, #tpu.memory_space<vmem>>, vector<1x16xf32>,
        %get3A_619 = vector.shape_cast %get3A_618 : vector<1x16xf32> to vector<16xf32>
        %mul3A_620 = arith.constant 11.3137083 : f32
        %mul3A_621 = vector.broadcast %mul3A_620 : f32 to vector<16xf32>
        %mul3A_622 = arith.mulf %get3A_619, %mul3A_621 : vector<16xf32>
        %swap3A_623 = arith.constant 0 : i32
        %swap3A_624 = arith.constant 0 : i32
        %swap3A_625 = tpu.memref_slice %arg6[%scan3A_406, %swap3A_623, %swap3A_624] : memref<4x128x128xf32, #tpu.memory_space<vmem>> -> memref<1x128x128xf32, #tpu.memory_space<vmem>>
        %swap3A_626 = tpu.memref_squeeze %swap3A_625 : memref<1x128x128xf32, #tpu.memory_space<vmem>> -> memref<128x128xf32, #tpu.memory_space<vmem>>
        %swap3A_627 = arith.index_cast %add3A_533 : i32 to index
        %swap3A_628 = arith.constant 64 : index
        %swap3A_629 = tpu.vector_load %swap3A_626[%swap3A_627, %swap3A_628] {strides = array<i32>} : memref<128x128xf32, #tpu.memory_space<vmem>>, vector<1x16xf32>,
        %swap3A_630 = vector.shape_cast %swap3A_629 : vector<1x16xf32> to vector<16xf32>
        %swap3A_631 = vector.shape_cast %mul3A_622 : vector<16xf32> to vector<1x16xf32>
        tpu.vector_store %swap3A_626[%swap3A_627, %swap3A_628], %swap3A_631 {strides = array<i32>} : memref<128x128xf32, #tpu.memory_space<vmem>>, vector<1x16xf32>,
        %get3A_632 = arith.constant 0 : i32
        %get3A_633 = arith.constant 0 : i32
        %get3A_634 = tpu.memref_slice %arg6[%scan3A_406, %get3A_632, %get3A_633] : memref<4x128x128xf32, #tpu.memory_space<vmem>> -> memref<1x128x128xf32, #tpu.memory_space<vmem>>
        %get3A_635 = tpu.memref_squeeze %get3A_634 : memref<1x128x128xf32, #tpu.memory_space<vmem>> -> memref<128x128xf32, #tpu.memory_space<vmem>>
        %get3A_636 = arith.index_cast %add3A_533 : i32 to index
        %get3A_637 = arith.constant 80 : index
        %get3A_638 = tpu.vector_load %get3A_635[%get3A_636, %get3A_637] {strides = array<i32>} : memref<128x128xf32, #tpu.memory_space<vmem>>, vector<1x16xf32>,
        %get3A_639 = vector.shape_cast %get3A_638 : vector<1x16xf32> to vector<16xf32>
        %mul3A_640 = arith.constant 11.3137083 : f32
        %mul3A_641 = vector.broadcast %mul3A_640 : f32 to vector<16xf32>
        %mul3A_642 = arith.mulf %get3A_639, %mul3A_641 : vector<16xf32>
        %swap3A_643 = arith.constant 0 : i32
        %swap3A_644 = arith.constant 0 : i32
        %swap3A_645 = tpu.memref_slice %arg6[%scan3A_406, %swap3A_643, %swap3A_644] : memref<4x128x128xf32, #tpu.memory_space<vmem>> -> memref<1x128x128xf32, #tpu.memory_space<vmem>>
        %swap3A_646 = tpu.memref_squeeze %swap3A_645 : memref<1x128x128xf32, #tpu.memory_space<vmem>> -> memref<128x128xf32, #tpu.memory_space<vmem>>
        %swap3A_647 = arith.index_cast %add3A_533 : i32 to index
        %swap3A_648 = arith.constant 80 : index
        %swap3A_649 = tpu.vector_load %swap3A_646[%swap3A_647, %swap3A_648] {strides = array<i32>} : memref<128x128xf32, #tpu.memory_space<vmem>>, vector<1x16xf32>,
        %swap3A_650 = vector.shape_cast %swap3A_649 : vector<1x16xf32> to vector<16xf32>
        %swap3A_651 = vector.shape_cast %mul3A_642 : vector<16xf32> to vector<1x16xf32>
        tpu.vector_store %swap3A_646[%swap3A_647, %swap3A_648], %swap3A_651 {strides = array<i32>} : memref<128x128xf32, #tpu.memory_space<vmem>>, vector<1x16xf32>,
        %get3A_652 = arith.constant 0 : i32
        %get3A_653 = arith.constant 0 : i32
        %get3A_654 = tpu.memref_slice %arg6[%scan3A_406, %get3A_652, %get3A_653] : memref<4x128x128xf32, #tpu.memory_space<vmem>> -> memref<1x128x128xf32, #tpu.memory_space<vmem>>
        %get3A_655 = tpu.memref_squeeze %get3A_654 : memref<1x128x128xf32, #tpu.memory_space<vmem>> -> memref<128x128xf32, #tpu.memory_space<vmem>>
        %get3A_656 = arith.index_cast %add3A_533 : i32 to index
        %get3A_657 = arith.constant 96 : index
        %get3A_658 = tpu.vector_load %get3A_655[%get3A_656, %get3A_657] {strides = array<i32>} : memref<128x128xf32, #tpu.memory_space<vmem>>, vector<1x16xf32>,
        %get3A_659 = vector.shape_cast %get3A_658 : vector<1x16xf32> to vector<16xf32>
        %mul3A_660 = arith.constant 11.3137083 : f32
        %mul3A_661 = vector.broadcast %mul3A_660 : f32 to vector<16xf32>
        %mul3A_662 = arith.mulf %get3A_659, %mul3A_661 : vector<16xf32>
        %swap3A_663 = arith.constant 0 : i32
        %swap3A_664 = arith.constant 0 : i32
        %swap3A_665 = tpu.memref_slice %arg6[%scan3A_406, %swap3A_663, %swap3A_664] : memref<4x128x128xf32, #tpu.memory_space<vmem>> -> memref<1x128x128xf32, #tpu.memory_space<vmem>>
        %swap3A_666 = tpu.memref_squeeze %swap3A_665 : memref<1x128x128xf32, #tpu.memory_space<vmem>> -> memref<128x128xf32, #tpu.memory_space<vmem>>
        %swap3A_667 = arith.index_cast %add3A_533 : i32 to index
        %swap3A_668 = arith.constant 96 : index
        %swap3A_669 = tpu.vector_load %swap3A_666[%swap3A_667, %swap3A_668] {strides = array<i32>} : memref<128x128xf32, #tpu.memory_space<vmem>>, vector<1x16xf32>,
        %swap3A_670 = vector.shape_cast %swap3A_669 : vector<1x16xf32> to vector<16xf32>
        %swap3A_671 = vector.shape_cast %mul3A_662 : vector<16xf32> to vector<1x16xf32>
        tpu.vector_store %swap3A_666[%swap3A_667, %swap3A_668], %swap3A_671 {strides = array<i32>} : memref<128x128xf32, #tpu.memory_space<vmem>>, vector<1x16xf32>,
        %get3A_672 = arith.constant 0 : i32
        %get3A_673 = arith.constant 0 : i32
        %get3A_674 = tpu.memref_slice %arg6[%scan3A_406, %get3A_672, %get3A_673] : memref<4x128x128xf32, #tpu.memory_space<vmem>> -> memref<1x128x128xf32, #tpu.memory_space<vmem>>
        %get3A_675 = tpu.memref_squeeze %get3A_674 : memref<1x128x128xf32, #tpu.memory_space<vmem>> -> memref<128x128xf32, #tpu.memory_space<vmem>>
        %get3A_676 = arith.index_cast %add3A_533 : i32 to index
        %get3A_677 = arith.constant 112 : index
        %get3A_678 = tpu.vector_load %get3A_675[%get3A_676, %get3A_677] {strides = array<i32>} : memref<128x128xf32, #tpu.memory_space<vmem>>, vector<1x16xf32>,
        %get3A_679 = vector.shape_cast %get3A_678 : vector<1x16xf32> to vector<16xf32>
        %mul3A_680 = arith.constant 11.3137083 : f32
        %mul3A_681 = vector.broadcast %mul3A_680 : f32 to vector<16xf32>
        %mul3A_682 = arith.mulf %get3A_679, %mul3A_681 : vector<16xf32>
        %swap3A_683 = arith.constant 0 : i32
        %swap3A_684 = arith.constant 0 : i32
        %swap3A_685 = tpu.memref_slice %arg6[%scan3A_406, %swap3A_683, %swap3A_684] : memref<4x128x128xf32, #tpu.memory_space<vmem>> -> memref<1x128x128xf32, #tpu.memory_space<vmem>>
        %swap3A_686 = tpu.memref_squeeze %swap3A_685 : memref<1x128x128xf32, #tpu.memory_space<vmem>> -> memref<128x128xf32, #tpu.memory_space<vmem>>
        %swap3A_687 = arith.index_cast %add3A_533 : i32 to index
        %swap3A_688 = arith.constant 112 : index
        %swap3A_689 = tpu.vector_load %swap3A_686[%swap3A_687, %swap3A_688] {strides = array<i32>} : memref<128x128xf32, #tpu.memory_space<vmem>>, vector<1x16xf32>,
        %swap3A_690 = vector.shape_cast %swap3A_689 : vector<1x16xf32> to vector<16xf32>
        %swap3A_691 = vector.shape_cast %mul3A_682 : vector<16xf32> to vector<1x16xf32>
        tpu.vector_store %swap3A_686[%swap3A_687, %swap3A_688], %swap3A_691 {strides = array<i32>} : memref<128x128xf32, #tpu.memory_space<vmem>>, vector<1x16xf32>,
      }
      %scan3A_411 = arith.constant 128 : i32
      %mul3A_412 = arith.constant 128 : i32
      %mul3A_413 = arith.muli %add3A_394, %mul3A_412 : i32
      %add3A_414 = arith.addi %mul3A_2, %mul3A_413 : i32
      %dma_start3A_415 = arith.constant 0 : i32
      %dma_start3A_416 = arith.constant 0 : i32
      %dma_start3A_417 = arith.constant 0 : i32
      %dma_start3A_418 = tpu.memref_slice %arg6[%dma_start3A_415, %dma_start3A_416, %dma_start3A_417] : memref<4x128x128xf32, #tpu.memory_space<vmem>> -> memref<1x128x128xf32, #tpu.memory_space<vmem>>
      %dma_start3A_419 = tpu.memref_squeeze %dma_start3A_418 : memref<1x128x128xf32, #tpu.memory_space<vmem>> -> memref<128x128xf32, #tpu.memory_space<vmem>>
      %dma_start3A_420 = arith.constant 0 : i32
      %dma_start3A_421 = tpu.memref_slice %arg4[%add3A_414, %dma_start3A_420] : memref<819200x128xf32, #tpu.memory_space<hbm>> -> memref<128x128xf32, #tpu.memory_space<hbm>>
      %dma_start3A_422 = arith.constant 0 : i32
      %dma_start3A_423 = tpu.memref_slice %arg4[%add3A_414, %dma_start3A_422] : memref<819200x128xf32, #tpu.memory_space<hbm>> -> memref<128x128xf32, #tpu.memory_space<hbm>>
      %dma_start3A_424 = arith.constant 0 : i32
      %dma_start3A_425 = arith.constant 0 : i32
      %dma_start3A_426 = tpu.memref_slice %arg6[%dma_start3A_415, %dma_start3A_424, %dma_start3A_425] : memref<4x128x128xf32, #tpu.memory_space<vmem>> -> memref<1x128x128xf32, #tpu.memory_space<vmem>>
      %dma_start3A_427 = tpu.memref_squeeze %dma_start3A_426 : memref<1x128x128xf32, #tpu.memory_space<vmem>> -> memref<128x128xf32, #tpu.memory_space<vmem>>
      tpu.enqueue_dma source(%dma_start3A_427 : memref<128x128xf32, #tpu.memory_space<vmem>>) target(%dma_start3A_423 : memref<128x128xf32, #tpu.memory_space<hbm>>) target_semaphore(%arg11 : memref<!tpu.dma_semaphore, #tpu.memory_space<semaphore_mem>>)
      %sub3A_428 = arith.constant 2 : i32
      %sub3A_429 = arith.subi %add3A_394, %sub3A_428 : i32
      %mul3A_430 = arith.constant 128 : i32
      %mul3A_431 = arith.muli %sub3A_429, %mul3A_430 : i32
      %add3A_432 = arith.addi %mul3A_2, %mul3A_431 : i32
      %dma_wait3A_433 = arith.constant 2 : i32
      %dma_wait3A_434 = arith.constant 0 : i32
      %dma_wait3A_435 = arith.constant 0 : i32
      %dma_wait3A_436 = tpu.memref_slice %arg6[%dma_wait3A_433, %dma_wait3A_434, %dma_wait3A_435] : memref<4x128x128xf32, #tpu.memory_space<vmem>> -> memref<1x128x128xf32, #tpu.memory_space<vmem>>
      %dma_wait3A_437 = tpu.memref_squeeze %dma_wait3A_436 : memref<1x128x128xf32, #tpu.memory_space<vmem>> -> memref<128x128xf32, #tpu.memory_space<vmem>>
      %dma_wait3A_438 = arith.constant 0 : i32
      %dma_wait3A_439 = tpu.memref_slice %arg4[%add3A_432, %dma_wait3A_438] : memref<819200x128xf32, #tpu.memory_space<hbm>> -> memref<128x128xf32, #tpu.memory_space<hbm>>
      %dma_wait3A_440 = arith.constant 0 : i32
      %dma_wait3A_441 = tpu.memref_slice %arg4[%add3A_432, %dma_wait3A_440] : memref<819200x128xf32, #tpu.memory_space<hbm>> -> memref<128x128xf32, #tpu.memory_space<hbm>>
      %dma_wait3A_442 = arith.constant 0 : i32
      %dma_wait3A_443 = arith.constant 0 : i32
      %dma_wait3A_444 = tpu.memref_slice %arg6[%dma_wait3A_433, %dma_wait3A_442, %dma_wait3A_443] : memref<4x128x128xf32, #tpu.memory_space<vmem>> -> memref<1x128x128xf32, #tpu.memory_space<vmem>>
      %dma_wait3A_445 = tpu.memref_squeeze %dma_wait3A_444 : memref<1x128x128xf32, #tpu.memory_space<vmem>> -> memref<128x128xf32, #tpu.memory_space<vmem>>
      tpu.wait_dma2 semaphore(%arg13 : memref<!tpu.dma_semaphore, #tpu.memory_space<semaphore_mem>>) src(%dma_wait3A_445 : memref<128x128xf32, #tpu.memory_space<vmem>>) dst(%dma_wait3A_441 : memref<128x128xf32, #tpu.memory_space<hbm>>)
      %add3A_446 = arith.constant 2 : i32
      %add3A_447 = arith.addi %add3A_394, %add3A_446 : i32
      %dma_start3A_448 = arith.constant 2 : i32
      %dma_start3A_449 = arith.constant 0 : i32
      %dma_start3A_450 = arith.constant 0 : i32
      %dma_start3A_451 = tpu.memref_slice %arg6[%dma_start3A_448, %dma_start3A_449, %dma_start3A_450] : memref<4x128x128xf32, #tpu.memory_space<vmem>> -> memref<1x128x128xf32, #tpu.memory_space<vmem>>
      %dma_start3A_452 = tpu.memref_squeeze %dma_start3A_451 : memref<1x128x128xf32, #tpu.memory_space<vmem>> -> memref<128x128xf32, #tpu.memory_space<vmem>>
      %dma_start3A_453 = arith.constant 0 : i32
      %dma_start3A_454 = tpu.memref_slice %arg5[%add3A_447, %dma_start3A_453] : memref<200x128xi32, #tpu.memory_space<vmem>> -> memref<1x128xi32, #tpu.memory_space<vmem>>
      %dma_start3A_455 = tpu.memref_squeeze %dma_start3A_454 : memref<1x128xi32, #tpu.memory_space<vmem>> -> memref<128xi32, #tpu.memory_space<vmem>>
      %dma_start3A_456 = arith.constant 0 : i32
      %dma_start3A_457 = arith.constant 0 : i32
      %dma_start3A_458 = tpu.memref_slice %arg2[%dma_start3A_456, %dma_start3A_457] : memref<100000x128xf32, #tpu.memory_space<hbm>> -> memref<100000x128xf32, #tpu.memory_space<hbm>>
      tpu.enqueue_indirect_dma source(%dma_start3A_458 : memref<100000x128xf32, #tpu.memory_space<hbm>>) target(%dma_start3A_452 : memref<128x128xf32, #tpu.memory_space<vmem>>) offsets(%dma_start3A_455 : memref<128xi32, #tpu.memory_space<vmem>>) semaphore(%arg9 : memref<!tpu.dma_semaphore, #tpu.memory_space<semaphore_mem>>)
      %mul3A_459 = arith.constant 4 : i32
      %mul3A_460 = arith.muli %mul3A_459, %add3A_249 : i32
      %add3A_461 = arith.constant 2 : i32
      %add3A_462 = arith.addi %mul3A_460, %add3A_461 : i32
      %add3A_463 = arith.constant 3 : i32
      %add3A_464 = arith.addi %add3A_462, %add3A_463 : i32
      %dma_wait3A_465 = arith.constant 1 : i32
      %dma_wait3A_466 = arith.constant 0 : i32
      %dma_wait3A_467 = arith.constant 0 : i32
      %dma_wait3A_468 = tpu.memref_slice %arg6[%dma_wait3A_465, %dma_wait3A_466, %dma_wait3A_467] : memref<4x128x128xf32, #tpu.memory_space<vmem>> -> memref<1x128x128xf32, #tpu.memory_space<vmem>>
      %dma_wait3A_469 = tpu.memref_squeeze %dma_wait3A_468 : memref<1x128x128xf32, #tpu.memory_space<vmem>> -> memref<128x128xf32, #tpu.memory_space<vmem>>
      %dma_wait3A_470 = arith.constant 0 : i32
      %dma_wait3A_471 = tpu.memref_slice %arg5[%add3A_464, %dma_wait3A_470] : memref<200x128xi32, #tpu.memory_space<vmem>> -> memref<1x128xi32, #tpu.memory_space<vmem>>
      %dma_wait3A_472 = tpu.memref_squeeze %dma_wait3A_471 : memref<1x128xi32, #tpu.memory_space<vmem>> -> memref<128xi32, #tpu.memory_space<vmem>>
      %dma_wait3A_473 = arith.constant 0 : i32
      %dma_wait3A_474 = arith.constant 0 : i32
      %dma_wait3A_475 = tpu.memref_slice %arg2[%dma_wait3A_473, %dma_wait3A_474] : memref<100000x128xf32, #tpu.memory_space<hbm>> -> memref<100000x128xf32, #tpu.memory_space<hbm>>
      tpu.wait_indirect_dma semaphore(%arg8 : memref<!tpu.dma_semaphore, #tpu.memory_space<semaphore_mem>>) src(%dma_wait3A_475 : memref<100000x128xf32, #tpu.memory_space<hbm>>) dst(%dma_wait3A_469 : memref<128x128xf32, #tpu.memory_space<vmem>>)
      %scan3A_476 = arith.constant 1 : i32
      %scan3A_477 = arith.constant 0 : i32
      %scan3A_478 = arith.constant 128 : i32
      %scan3A_479 = arith.addi %scan3A_477, %scan3A_478 : i32
      %scan3A_480 = arith.constant 1 : i32
      scf.for %scan3A_529 = %scan3A_477 to %scan3A_479 step %scan3A_480  : i32 {
        %mul3A_530 = arith.constant 1 : i32
        %mul3A_531 = arith.muli %scan3A_529, %mul3A_530 : i32
        %add3A_532 = arith.constant 0 : i32
        %add3A_533 = arith.addi %add3A_532, %mul3A_531 : i32
        %get3A = arith.constant 0 : i32
        %get3A_534 = arith.constant 0 : i32
        %get3A_535 = tpu.memref_slice %arg6[%scan3A_476, %get3A, %get3A_534] : memref<4x128x128xf32, #tpu.memory_space<vmem>> -> memref<1x128x128xf32, #tpu.memory_space<vmem>>
        %get3A_536 = tpu.memref_squeeze %get3A_535 : memref<1x128x128xf32, #tpu.memory_space<vmem>> -> memref<128x128xf32, #tpu.memory_space<vmem>>
        %get3A_537 = arith.index_cast %add3A_533 : i32 to index
        %get3A_538 = arith.constant 0 : index
        %get3A_539 = tpu.vector_load %get3A_536[%get3A_537, %get3A_538] {strides = array<i32>} : memref<128x128xf32, #tpu.memory_space<vmem>>, vector<1x16xf32>,
        %get3A_540 = vector.shape_cast %get3A_539 : vector<1x16xf32> to vector<16xf32>
        %mul3A_541 = arith.constant 11.3137083 : f32
        %mul3A_542 = vector.broadcast %mul3A_541 : f32 to vector<16xf32>
        %mul3A_543 = arith.mulf %get3A_540, %mul3A_542 : vector<16xf32>
        %swap3A = arith.constant 0 : i32
        %swap3A_544 = arith.constant 0 : i32
        %swap3A_545 = tpu.memref_slice %arg6[%scan3A_476, %swap3A, %swap3A_544] : memref<4x128x128xf32, #tpu.memory_space<vmem>> -> memref<1x128x128xf32, #tpu.memory_space<vmem>>
        %swap3A_546 = tpu.memref_squeeze %swap3A_545 : memref<1x128x128xf32, #tpu.memory_space<vmem>> -> memref<128x128xf32, #tpu.memory_space<vmem>>
        %swap3A_547 = arith.index_cast %add3A_533 : i32 to index
        %swap3A_548 = arith.constant 0 : index
        %swap3A_549 = tpu.vector_load %swap3A_546[%swap3A_547, %swap3A_548] {strides = array<i32>} : memref<128x128xf32, #tpu.memory_space<vmem>>, vector<1x16xf32>,
        %swap3A_550 = vector.shape_cast %swap3A_549 : vector<1x16xf32> to vector<16xf32>
        %swap3A_551 = vector.shape_cast %mul3A_543 : vector<16xf32> to vector<1x16xf32>
        tpu.vector_store %swap3A_546[%swap3A_547, %swap3A_548], %swap3A_551 {strides = array<i32>} : memref<128x128xf32, #tpu.memory_space<vmem>>, vector<1x16xf32>,
        %get3A_552 = arith.constant 0 : i32
        %get3A_553 = arith.constant 0 : i32
        %get3A_554 = tpu.memref_slice %arg6[%scan3A_476, %get3A_552, %get3A_553] : memref<4x128x128xf32, #tpu.memory_space<vmem>> -> memref<1x128x128xf32, #tpu.memory_space<vmem>>
        %get3A_555 = tpu.memref_squeeze %get3A_554 : memref<1x128x128xf32, #tpu.memory_space<vmem>> -> memref<128x128xf32, #tpu.memory_space<vmem>>
        %get3A_556 = arith.index_cast %add3A_533 : i32 to index
        %get3A_557 = arith.constant 16 : index
        %get3A_558 = tpu.vector_load %get3A_555[%get3A_556, %get3A_557] {strides = array<i32>} : memref<128x128xf32, #tpu.memory_space<vmem>>, vector<1x16xf32>,
        %get3A_559 = vector.shape_cast %get3A_558 : vector<1x16xf32> to vector<16xf32>
        %mul3A_560 = arith.constant 11.3137083 : f32
        %mul3A_561 = vector.broadcast %mul3A_560 : f32 to vector<16xf32>
        %mul3A_562 = arith.mulf %get3A_559, %mul3A_561 : vector<16xf32>
        %swap3A_563 = arith.constant 0 : i32
        %swap3A_564 = arith.constant 0 : i32
        %swap3A_565 = tpu.memref_slice %arg6[%scan3A_476, %swap3A_563, %swap3A_564] : memref<4x128x128xf32, #tpu.memory_space<vmem>> -> memref<1x128x128xf32, #tpu.memory_space<vmem>>
        %swap3A_566 = tpu.memref_squeeze %swap3A_565 : memref<1x128x128xf32, #tpu.memory_space<vmem>> -> memref<128x128xf32, #tpu.memory_space<vmem>>
        %swap3A_567 = arith.index_cast %add3A_533 : i32 to index
        %swap3A_568 = arith.constant 16 : index
        %swap3A_569 = tpu.vector_load %swap3A_566[%swap3A_567, %swap3A_568] {strides = array<i32>} : memref<128x128xf32, #tpu.memory_space<vmem>>, vector<1x16xf32>,
        %swap3A_570 = vector.shape_cast %swap3A_569 : vector<1x16xf32> to vector<16xf32>
        %swap3A_571 = vector.shape_cast %mul3A_562 : vector<16xf32> to vector<1x16xf32>
        tpu.vector_store %swap3A_566[%swap3A_567, %swap3A_568], %swap3A_571 {strides = array<i32>} : memref<128x128xf32, #tpu.memory_space<vmem>>, vector<1x16xf32>,
        %get3A_572 = arith.constant 0 : i32
        %get3A_573 = arith.constant 0 : i32
        %get3A_574 = tpu.memref_slice %arg6[%scan3A_476, %get3A_572, %get3A_573] : memref<4x128x128xf32, #tpu.memory_space<vmem>> -> memref<1x128x128xf32, #tpu.memory_space<vmem>>
        %get3A_575 = tpu.memref_squeeze %get3A_574 : memref<1x128x128xf32, #tpu.memory_space<vmem>> -> memref<128x128xf32, #tpu.memory_space<vmem>>
        %get3A_576 = arith.index_cast %add3A_533 : i32 to index
        %get3A_577 = arith.constant 32 : index
        %get3A_578 = tpu.vector_load %get3A_575[%get3A_576, %get3A_577] {strides = array<i32>} : memref<128x128xf32, #tpu.memory_space<vmem>>, vector<1x16xf32>,
        %get3A_579 = vector.shape_cast %get3A_578 : vector<1x16xf32> to vector<16xf32>
        %mul3A_580 = arith.constant 11.3137083 : f32
        %mul3A_581 = vector.broadcast %mul3A_580 : f32 to vector<16xf32>
        %mul3A_582 = arith.mulf %get3A_579, %mul3A_581 : vector<16xf32>
        %swap3A_583 = arith.constant 0 : i32
        %swap3A_584 = arith.constant 0 : i32
        %swap3A_585 = tpu.memref_slice %arg6[%scan3A_476, %swap3A_583, %swap3A_584] : memref<4x128x128xf32, #tpu.memory_space<vmem>> -> memref<1x128x128xf32, #tpu.memory_space<vmem>>
        %swap3A_586 = tpu.memref_squeeze %swap3A_585 : memref<1x128x128xf32, #tpu.memory_space<vmem>> -> memref<128x128xf32, #tpu.memory_space<vmem>>
        %swap3A_587 = arith.index_cast %add3A_533 : i32 to index
        %swap3A_588 = arith.constant 32 : index
        %swap3A_589 = tpu.vector_load %swap3A_586[%swap3A_587, %swap3A_588] {strides = array<i32>} : memref<128x128xf32, #tpu.memory_space<vmem>>, vector<1x16xf32>,
        %swap3A_590 = vector.shape_cast %swap3A_589 : vector<1x16xf32> to vector<16xf32>
        %swap3A_591 = vector.shape_cast %mul3A_582 : vector<16xf32> to vector<1x16xf32>
        tpu.vector_store %swap3A_586[%swap3A_587, %swap3A_588], %swap3A_591 {strides = array<i32>} : memref<128x128xf32, #tpu.memory_space<vmem>>, vector<1x16xf32>,
        %get3A_592 = arith.constant 0 : i32
        %get3A_593 = arith.constant 0 : i32
        %get3A_594 = tpu.memref_slice %arg6[%scan3A_476, %get3A_592, %get3A_593] : memref<4x128x128xf32, #tpu.memory_space<vmem>> -> memref<1x128x128xf32, #tpu.memory_space<vmem>>
        %get3A_595 = tpu.memref_squeeze %get3A_594 : memref<1x128x128xf32, #tpu.memory_space<vmem>> -> memref<128x128xf32, #tpu.memory_space<vmem>>
        %get3A_596 = arith.index_cast %add3A_533 : i32 to index
        %get3A_597 = arith.constant 48 : index
        %get3A_598 = tpu.vector_load %get3A_595[%get3A_596, %get3A_597] {strides = array<i32>} : memref<128x128xf32, #tpu.memory_space<vmem>>, vector<1x16xf32>,
        %get3A_599 = vector.shape_cast %get3A_598 : vector<1x16xf32> to vector<16xf32>
        %mul3A_600 = arith.constant 11.3137083 : f32
        %mul3A_601 = vector.broadcast %mul3A_600 : f32 to vector<16xf32>
        %mul3A_602 = arith.mulf %get3A_599, %mul3A_601 : vector<16xf32>
        %swap3A_603 = arith.constant 0 : i32
        %swap3A_604 = arith.constant 0 : i32
        %swap3A_605 = tpu.memref_slice %arg6[%scan3A_476, %swap3A_603, %swap3A_604] : memref<4x128x128xf32, #tpu.memory_space<vmem>> -> memref<1x128x128xf32, #tpu.memory_space<vmem>>
        %swap3A_606 = tpu.memref_squeeze %swap3A_605 : memref<1x128x128xf32, #tpu.memory_space<vmem>> -> memref<128x128xf32, #tpu.memory_space<vmem>>
        %swap3A_607 = arith.index_cast %add3A_533 : i32 to index
        %swap3A_608 = arith.constant 48 : index
        %swap3A_609 = tpu.vector_load %swap3A_606[%swap3A_607, %swap3A_608] {strides = array<i32>} : memref<128x128xf32, #tpu.memory_space<vmem>>, vector<1x16xf32>,
        %swap3A_610 = vector.shape_cast %swap3A_609 : vector<1x16xf32> to vector<16xf32>
        %swap3A_611 = vector.shape_cast %mul3A_602 : vector<16xf32> to vector<1x16xf32>
        tpu.vector_store %swap3A_606[%swap3A_607, %swap3A_608], %swap3A_611 {strides = array<i32>} : memref<128x128xf32, #tpu.memory_space<vmem>>, vector<1x16xf32>,
        %get3A_612 = arith.constant 0 : i32
        %get3A_613 = arith.constant 0 : i32
        %get3A_614 = tpu.memref_slice %arg6[%scan3A_476, %get3A_612, %get3A_613] : memref<4x128x128xf32, #tpu.memory_space<vmem>> -> memref<1x128x128xf32, #tpu.memory_space<vmem>>
        %get3A_615 = tpu.memref_squeeze %get3A_614 : memref<1x128x128xf32, #tpu.memory_space<vmem>> -> memref<128x128xf32, #tpu.memory_space<vmem>>
        %get3A_616 = arith.index_cast %add3A_533 : i32 to index
        %get3A_617 = arith.constant 64 : index
        %get3A_618 = tpu.vector_load %get3A_615[%get3A_616, %get3A_617] {strides = array<i32>} : memref<128x128xf32, #tpu.memory_space<vmem>>, vector<1x16xf32>,
        %get3A_619 = vector.shape_cast %get3A_618 : vector<1x16xf32> to vector<16xf32>
        %mul3A_620 = arith.constant 11.3137083 : f32
        %mul3A_621 = vector.broadcast %mul3A_620 : f32 to vector<16xf32>
        %mul3A_622 = arith.mulf %get3A_619, %mul3A_621 : vector<16xf32>
        %swap3A_623 = arith.constant 0 : i32
        %swap3A_624 = arith.constant 0 : i32
        %swap3A_625 = tpu.memref_slice %arg6[%scan3A_476, %swap3A_623, %swap3A_624] : memref<4x128x128xf32, #tpu.memory_space<vmem>> -> memref<1x128x128xf32, #tpu.memory_space<vmem>>
        %swap3A_626 = tpu.memref_squeeze %swap3A_625 : memref<1x128x128xf32, #tpu.memory_space<vmem>> -> memref<128x128xf32, #tpu.memory_space<vmem>>
        %swap3A_627 = arith.index_cast %add3A_533 : i32 to index
        %swap3A_628 = arith.constant 64 : index
        %swap3A_629 = tpu.vector_load %swap3A_626[%swap3A_627, %swap3A_628] {strides = array<i32>} : memref<128x128xf32, #tpu.memory_space<vmem>>, vector<1x16xf32>,
        %swap3A_630 = vector.shape_cast %swap3A_629 : vector<1x16xf32> to vector<16xf32>
        %swap3A_631 = vector.shape_cast %mul3A_622 : vector<16xf32> to vector<1x16xf32>
        tpu.vector_store %swap3A_626[%swap3A_627, %swap3A_628], %swap3A_631 {strides = array<i32>} : memref<128x128xf32, #tpu.memory_space<vmem>>, vector<1x16xf32>,
        %get3A_632 = arith.constant 0 : i32
        %get3A_633 = arith.constant 0 : i32
        %get3A_634 = tpu.memref_slice %arg6[%scan3A_476, %get3A_632, %get3A_633] : memref<4x128x128xf32, #tpu.memory_space<vmem>> -> memref<1x128x128xf32, #tpu.memory_space<vmem>>
        %get3A_635 = tpu.memref_squeeze %get3A_634 : memref<1x128x128xf32, #tpu.memory_space<vmem>> -> memref<128x128xf32, #tpu.memory_space<vmem>>
        %get3A_636 = arith.index_cast %add3A_533 : i32 to index
        %get3A_637 = arith.constant 80 : index
        %get3A_638 = tpu.vector_load %get3A_635[%get3A_636, %get3A_637] {strides = array<i32>} : memref<128x128xf32, #tpu.memory_space<vmem>>, vector<1x16xf32>,
        %get3A_639 = vector.shape_cast %get3A_638 : vector<1x16xf32> to vector<16xf32>
        %mul3A_640 = arith.constant 11.3137083 : f32
        %mul3A_641 = vector.broadcast %mul3A_640 : f32 to vector<16xf32>
        %mul3A_642 = arith.mulf %get3A_639, %mul3A_641 : vector<16xf32>
        %swap3A_643 = arith.constant 0 : i32
        %swap3A_644 = arith.constant 0 : i32
        %swap3A_645 = tpu.memref_slice %arg6[%scan3A_476, %swap3A_643, %swap3A_644] : memref<4x128x128xf32, #tpu.memory_space<vmem>> -> memref<1x128x128xf32, #tpu.memory_space<vmem>>
        %swap3A_646 = tpu.memref_squeeze %swap3A_645 : memref<1x128x128xf32, #tpu.memory_space<vmem>> -> memref<128x128xf32, #tpu.memory_space<vmem>>
        %swap3A_647 = arith.index_cast %add3A_533 : i32 to index
        %swap3A_648 = arith.constant 80 : index
        %swap3A_649 = tpu.vector_load %swap3A_646[%swap3A_647, %swap3A_648] {strides = array<i32>} : memref<128x128xf32, #tpu.memory_space<vmem>>, vector<1x16xf32>,
        %swap3A_650 = vector.shape_cast %swap3A_649 : vector<1x16xf32> to vector<16xf32>
        %swap3A_651 = vector.shape_cast %mul3A_642 : vector<16xf32> to vector<1x16xf32>
        tpu.vector_store %swap3A_646[%swap3A_647, %swap3A_648], %swap3A_651 {strides = array<i32>} : memref<128x128xf32, #tpu.memory_space<vmem>>, vector<1x16xf32>,
        %get3A_652 = arith.constant 0 : i32
        %get3A_653 = arith.constant 0 : i32
        %get3A_654 = tpu.memref_slice %arg6[%scan3A_476, %get3A_652, %get3A_653] : memref<4x128x128xf32, #tpu.memory_space<vmem>> -> memref<1x128x128xf32, #tpu.memory_space<vmem>>
        %get3A_655 = tpu.memref_squeeze %get3A_654 : memref<1x128x128xf32, #tpu.memory_space<vmem>> -> memref<128x128xf32, #tpu.memory_space<vmem>>
        %get3A_656 = arith.index_cast %add3A_533 : i32 to index
        %get3A_657 = arith.constant 96 : index
        %get3A_658 = tpu.vector_load %get3A_655[%get3A_656, %get3A_657] {strides = array<i32>} : memref<128x128xf32, #tpu.memory_space<vmem>>, vector<1x16xf32>,
        %get3A_659 = vector.shape_cast %get3A_658 : vector<1x16xf32> to vector<16xf32>
        %mul3A_660 = arith.constant 11.3137083 : f32
        %mul3A_661 = vector.broadcast %mul3A_660 : f32 to vector<16xf32>
        %mul3A_662 = arith.mulf %get3A_659, %mul3A_661 : vector<16xf32>
        %swap3A_663 = arith.constant 0 : i32
        %swap3A_664 = arith.constant 0 : i32
        %swap3A_665 = tpu.memref_slice %arg6[%scan3A_476, %swap3A_663, %swap3A_664] : memref<4x128x128xf32, #tpu.memory_space<vmem>> -> memref<1x128x128xf32, #tpu.memory_space<vmem>>
        %swap3A_666 = tpu.memref_squeeze %swap3A_665 : memref<1x128x128xf32, #tpu.memory_space<vmem>> -> memref<128x128xf32, #tpu.memory_space<vmem>>
        %swap3A_667 = arith.index_cast %add3A_533 : i32 to index
        %swap3A_668 = arith.constant 96 : index
        %swap3A_669 = tpu.vector_load %swap3A_666[%swap3A_667, %swap3A_668] {strides = array<i32>} : memref<128x128xf32, #tpu.memory_space<vmem>>, vector<1x16xf32>,
        %swap3A_670 = vector.shape_cast %swap3A_669 : vector<1x16xf32> to vector<16xf32>
        %swap3A_671 = vector.shape_cast %mul3A_662 : vector<16xf32> to vector<1x16xf32>
        tpu.vector_store %swap3A_666[%swap3A_667, %swap3A_668], %swap3A_671 {strides = array<i32>} : memref<128x128xf32, #tpu.memory_space<vmem>>, vector<1x16xf32>,
        %get3A_672 = arith.constant 0 : i32
        %get3A_673 = arith.constant 0 : i32
        %get3A_674 = tpu.memref_slice %arg6[%scan3A_476, %get3A_672, %get3A_673] : memref<4x128x128xf32, #tpu.memory_space<vmem>> -> memref<1x128x128xf32, #tpu.memory_space<vmem>>
        %get3A_675 = tpu.memref_squeeze %get3A_674 : memref<1x128x128xf32, #tpu.memory_space<vmem>> -> memref<128x128xf32, #tpu.memory_space<vmem>>
        %get3A_676 = arith.index_cast %add3A_533 : i32 to index
        %get3A_677 = arith.constant 112 : index
        %get3A_678 = tpu.vector_load %get3A_675[%get3A_676, %get3A_677] {strides = array<i32>} : memref<128x128xf32, #tpu.memory_space<vmem>>, vector<1x16xf32>,
        %get3A_679 = vector.shape_cast %get3A_678 : vector<1x16xf32> to vector<16xf32>
        %mul3A_680 = arith.constant 11.3137083 : f32
        %mul3A_681 = vector.broadcast %mul3A_680 : f32 to vector<16xf32>
        %mul3A_682 = arith.mulf %get3A_679, %mul3A_681 : vector<16xf32>
        %swap3A_683 = arith.constant 0 : i32
        %swap3A_684 = arith.constant 0 : i32
        %swap3A_685 = tpu.memref_slice %arg6[%scan3A_476, %swap3A_683, %swap3A_684] : memref<4x128x128xf32, #tpu.memory_space<vmem>> -> memref<1x128x128xf32, #tpu.memory_space<vmem>>
        %swap3A_686 = tpu.memref_squeeze %swap3A_685 : memref<1x128x128xf32, #tpu.memory_space<vmem>> -> memref<128x128xf32, #tpu.memory_space<vmem>>
        %swap3A_687 = arith.index_cast %add3A_533 : i32 to index
        %swap3A_688 = arith.constant 112 : index
        %swap3A_689 = tpu.vector_load %swap3A_686[%swap3A_687, %swap3A_688] {strides = array<i32>} : memref<128x128xf32, #tpu.memory_space<vmem>>, vector<1x16xf32>,
        %swap3A_690 = vector.shape_cast %swap3A_689 : vector<1x16xf32> to vector<16xf32>
        %swap3A_691 = vector.shape_cast %mul3A_682 : vector<16xf32> to vector<1x16xf32>
        tpu.vector_store %swap3A_686[%swap3A_687, %swap3A_688], %swap3A_691 {strides = array<i32>} : memref<128x128xf32, #tpu.memory_space<vmem>>, vector<1x16xf32>,
      }
      %scan3A_481 = arith.constant 128 : i32
      %mul3A_482 = arith.constant 128 : i32
      %mul3A_483 = arith.muli %add3A_464, %mul3A_482 : i32
      %add3A_484 = arith.addi %mul3A_2, %mul3A_483 : i32
      %dma_start3A_485 = arith.constant 1 : i32
      %dma_start3A_486 = arith.constant 0 : i32
      %dma_start3A_487 = arith.constant 0 : i32
      %dma_start3A_488 = tpu.memref_slice %arg6[%dma_start3A_485, %dma_start3A_486, %dma_start3A_487] : memref<4x128x128xf32, #tpu.memory_space<vmem>> -> memref<1x128x128xf32, #tpu.memory_space<vmem>>
      %dma_start3A_489 = tpu.memref_squeeze %dma_start3A_488 : memref<1x128x128xf32, #tpu.memory_space<vmem>> -> memref<128x128xf32, #tpu.memory_space<vmem>>
      %dma_start3A_490 = arith.constant 0 : i32
      %dma_start3A_491 = tpu.memref_slice %arg4[%add3A_484, %dma_start3A_490] : memref<819200x128xf32, #tpu.memory_space<hbm>> -> memref<128x128xf32, #tpu.memory_space<hbm>>
      %dma_start3A_492 = arith.constant 0 : i32
      %dma_start3A_493 = tpu.memref_slice %arg4[%add3A_484, %dma_start3A_492] : memref<819200x128xf32, #tpu.memory_space<hbm>> -> memref<128x128xf32, #tpu.memory_space<hbm>>
      %dma_start3A_494 = arith.constant 0 : i32
      %dma_start3A_495 = arith.constant 0 : i32
      %dma_start3A_496 = tpu.memref_slice %arg6[%dma_start3A_485, %dma_start3A_494, %dma_start3A_495] : memref<4x128x128xf32, #tpu.memory_space<vmem>> -> memref<1x128x128xf32, #tpu.memory_space<vmem>>
      %dma_start3A_497 = tpu.memref_squeeze %dma_start3A_496 : memref<1x128x128xf32, #tpu.memory_space<vmem>> -> memref<128x128xf32, #tpu.memory_space<vmem>>
      tpu.enqueue_dma source(%dma_start3A_497 : memref<128x128xf32, #tpu.memory_space<vmem>>) target(%dma_start3A_493 : memref<128x128xf32, #tpu.memory_space<hbm>>) target_semaphore(%arg12 : memref<!tpu.dma_semaphore, #tpu.memory_space<semaphore_mem>>)
      %sub3A_498 = arith.constant 2 : i32
      %sub3A_499 = arith.subi %add3A_464, %sub3A_498 : i32
      %mul3A_500 = arith.constant 128 : i32
      %mul3A_501 = arith.muli %sub3A_499, %mul3A_500 : i32
      %add3A_502 = arith.addi %mul3A_2, %mul3A_501 : i32
      %dma_wait3A_503 = arith.constant 3 : i32
      %dma_wait3A_504 = arith.constant 0 : i32
      %dma_wait3A_505 = arith.constant 0 : i32
      %dma_wait3A_506 = tpu.memref_slice %arg6[%dma_wait3A_503, %dma_wait3A_504, %dma_wait3A_505] : memref<4x128x128xf32, #tpu.memory_space<vmem>> -> memref<1x128x128xf32, #tpu.memory_space<vmem>>
      %dma_wait3A_507 = tpu.memref_squeeze %dma_wait3A_506 : memref<1x128x128xf32, #tpu.memory_space<vmem>> -> memref<128x128xf32, #tpu.memory_space<vmem>>
      %dma_wait3A_508 = arith.constant 0 : i32
      %dma_wait3A_509 = tpu.memref_slice %arg4[%add3A_502, %dma_wait3A_508] : memref<819200x128xf32, #tpu.memory_space<hbm>> -> memref<128x128xf32, #tpu.memory_space<hbm>>
      %dma_wait3A_510 = arith.constant 0 : i32
      %dma_wait3A_511 = tpu.memref_slice %arg4[%add3A_502, %dma_wait3A_510] : memref<819200x128xf32, #tpu.memory_space<hbm>> -> memref<128x128xf32, #tpu.memory_space<hbm>>
      %dma_wait3A_512 = arith.constant 0 : i32
      %dma_wait3A_513 = arith.constant 0 : i32
      %dma_wait3A_514 = tpu.memref_slice %arg6[%dma_wait3A_503, %dma_wait3A_512, %dma_wait3A_513] : memref<4x128x128xf32, #tpu.memory_space<vmem>> -> memref<1x128x128xf32, #tpu.memory_space<vmem>>
      %dma_wait3A_515 = tpu.memref_squeeze %dma_wait3A_514 : memref<1x128x128xf32, #tpu.memory_space<vmem>> -> memref<128x128xf32, #tpu.memory_space<vmem>>
      tpu.wait_dma2 semaphore(%arg14 : memref<!tpu.dma_semaphore, #tpu.memory_space<semaphore_mem>>) src(%dma_wait3A_515 : memref<128x128xf32, #tpu.memory_space<vmem>>) dst(%dma_wait3A_511 : memref<128x128xf32, #tpu.memory_space<hbm>>)
      %add3A_516 = arith.constant 2 : i32
      %add3A_517 = arith.addi %add3A_464, %add3A_516 : i32
      %dma_start3A_518 = arith.constant 3 : i32
      %dma_start3A_519 = arith.constant 0 : i32
      %dma_start3A_520 = arith.constant 0 : i32
      %dma_start3A_521 = tpu.memref_slice %arg6[%dma_start3A_518, %dma_start3A_519, %dma_start3A_520] : memref<4x128x128xf32, #tpu.memory_space<vmem>> -> memref<1x128x128xf32, #tpu.memory_space<vmem>>
      %dma_start3A_522 = tpu.memref_squeeze %dma_start3A_521 : memref<1x128x128xf32, #tpu.memory_space<vmem>> -> memref<128x128xf32, #tpu.memory_space<vmem>>
      %dma_start3A_523 = arith.constant 0 : i32
      %dma_start3A_524 = tpu.memref_slice %arg5[%add3A_517, %dma_start3A_523] : memref<200x128xi32, #tpu.memory_space<vmem>> -> memref<1x128xi32, #tpu.memory_space<vmem>>
      %dma_start3A_525 = tpu.memref_squeeze %dma_start3A_524 : memref<1x128xi32, #tpu.memory_space<vmem>> -> memref<128xi32, #tpu.memory_space<vmem>>
      %dma_start3A_526 = arith.constant 0 : i32
      %dma_start3A_527 = arith.constant 0 : i32
      %dma_start3A_528 = tpu.memref_slice %arg2[%dma_start3A_526, %dma_start3A_527] : memref<100000x128xf32, #tpu.memory_space<hbm>> -> memref<100000x128xf32, #tpu.memory_space<hbm>>
      tpu.enqueue_indirect_dma source(%dma_start3A_528 : memref<100000x128xf32, #tpu.memory_space<hbm>>) target(%dma_start3A_522 : memref<128x128xf32, #tpu.memory_space<vmem>>) offsets(%dma_start3A_525 : memref<128xi32, #tpu.memory_space<vmem>>) semaphore(%arg10 : memref<!tpu.dma_semaphore, #tpu.memory_space<semaphore_mem>>)
    }
    %scan3A_118 = arith.constant 49 : i32
    %dma_wait3A_119 = arith.constant 198 : i32
    %dma_wait3A_120 = arith.constant 2 : i32
    %dma_wait3A_121 = arith.constant 0 : i32
    %dma_wait3A_122 = arith.constant 0 : i32
    %dma_wait3A_123 = tpu.memref_slice %arg6[%dma_wait3A_120, %dma_wait3A_121, %dma_wait3A_122] : memref<4x128x128xf32, #tpu.memory_space<vmem>> -> memref<1x128x128xf32, #tpu.memory_space<vmem>>
    %dma_wait3A_124 = tpu.memref_squeeze %dma_wait3A_123 : memref<1x128x128xf32, #tpu.memory_space<vmem>> -> memref<128x128xf32, #tpu.memory_space<vmem>>
    %dma_wait3A_125 = arith.constant 0 : i32
    %dma_wait3A_126 = tpu.memref_slice %arg5[%dma_wait3A_119, %dma_wait3A_125] : memref<200x128xi32, #tpu.memory_space<vmem>> -> memref<1x128xi32, #tpu.memory_space<vmem>>
    %dma_wait3A_127 = tpu.memref_squeeze %dma_wait3A_126 : memref<1x128xi32, #tpu.memory_space<vmem>> -> memref<128xi32, #tpu.memory_space<vmem>>
    %dma_wait3A_128 = arith.constant 0 : i32
    %dma_wait3A_129 = arith.constant 0 : i32
    %dma_wait3A_130 = tpu.memref_slice %arg2[%dma_wait3A_128, %dma_wait3A_129] : memref<100000x128xf32, #tpu.memory_space<hbm>> -> memref<100000x128xf32, #tpu.memory_space<hbm>>
    tpu.wait_indirect_dma semaphore(%arg9 : memref<!tpu.dma_semaphore, #tpu.memory_space<semaphore_mem>>) src(%dma_wait3A_130 : memref<100000x128xf32, #tpu.memory_space<hbm>>) dst(%dma_wait3A_124 : memref<128x128xf32, #tpu.memory_space<vmem>>)
    %scan3A_131 = arith.constant 2 : i32
    %scan3A_132 = arith.constant 0 : i32
    %scan3A_133 = arith.constant 128 : i32
    %scan3A_134 = arith.addi %scan3A_132, %scan3A_133 : i32
    %scan3A_135 = arith.constant 1 : i32
    scf.for %scan3A_245 = %scan3A_132 to %scan3A_134 step %scan3A_135  : i32 {
      %mul3A_246 = arith.constant 1 : i32
      %mul3A_247 = arith.muli %scan3A_245, %mul3A_246 : i32
      %add3A_248 = arith.constant 0 : i32
      %add3A_249 = arith.addi %add3A_248, %mul3A_247 : i32
      %get3A = arith.constant 0 : i32
      %get3A_250 = arith.constant 0 : i32
      %get3A_251 = tpu.memref_slice %arg6[%scan3A_131, %get3A, %get3A_250] : memref<4x128x128xf32, #tpu.memory_space<vmem>> -> memref<1x128x128xf32, #tpu.memory_space<vmem>>
      %get3A_252 = tpu.memref_squeeze %get3A_251 : memref<1x128x128xf32, #tpu.memory_space<vmem>> -> memref<128x128xf32, #tpu.memory_space<vmem>>
      %get3A_253 = arith.index_cast %add3A_249 : i32 to index
      %get3A_254 = arith.constant 0 : index
      %get3A_255 = tpu.vector_load %get3A_252[%get3A_253, %get3A_254] {strides = array<i32>} : memref<128x128xf32, #tpu.memory_space<vmem>>, vector<1x16xf32>,
      %get3A_256 = vector.shape_cast %get3A_255 : vector<1x16xf32> to vector<16xf32>
      %mul3A_257 = arith.constant 11.3137083 : f32
      %mul3A_258 = vector.broadcast %mul3A_257 : f32 to vector<16xf32>
      %mul3A_259 = arith.mulf %get3A_256, %mul3A_258 : vector<16xf32>
      %swap3A = arith.constant 0 : i32
      %swap3A_260 = arith.constant 0 : i32
      %swap3A_261 = tpu.memref_slice %arg6[%scan3A_131, %swap3A, %swap3A_260] : memref<4x128x128xf32, #tpu.memory_space<vmem>> -> memref<1x128x128xf32, #tpu.memory_space<vmem>>
      %swap3A_262 = tpu.memref_squeeze %swap3A_261 : memref<1x128x128xf32, #tpu.memory_space<vmem>> -> memref<128x128xf32, #tpu.memory_space<vmem>>
      %swap3A_263 = arith.index_cast %add3A_249 : i32 to index
      %swap3A_264 = arith.constant 0 : index
      %swap3A_265 = tpu.vector_load %swap3A_262[%swap3A_263, %swap3A_264] {strides = array<i32>} : memref<128x128xf32, #tpu.memory_space<vmem>>, vector<1x16xf32>,
      %swap3A_266 = vector.shape_cast %swap3A_265 : vector<1x16xf32> to vector<16xf32>
      %swap3A_267 = vector.shape_cast %mul3A_259 : vector<16xf32> to vector<1x16xf32>
      tpu.vector_store %swap3A_262[%swap3A_263, %swap3A_264], %swap3A_267 {strides = array<i32>} : memref<128x128xf32, #tpu.memory_space<vmem>>, vector<1x16xf32>,
      %get3A_268 = arith.constant 0 : i32
      %get3A_269 = arith.constant 0 : i32
      %get3A_270 = tpu.memref_slice %arg6[%scan3A_131, %get3A_268, %get3A_269] : memref<4x128x128xf32, #tpu.memory_space<vmem>> -> memref<1x128x128xf32, #tpu.memory_space<vmem>>
      %get3A_271 = tpu.memref_squeeze %get3A_270 : memref<1x128x128xf32, #tpu.memory_space<vmem>> -> memref<128x128xf32, #tpu.memory_space<vmem>>
      %get3A_272 = arith.index_cast %add3A_249 : i32 to index
      %get3A_273 = arith.constant 16 : index
      %get3A_274 = tpu.vector_load %get3A_271[%get3A_272, %get3A_273] {strides = array<i32>} : memref<128x128xf32, #tpu.memory_space<vmem>>, vector<1x16xf32>,
      %get3A_275 = vector.shape_cast %get3A_274 : vector<1x16xf32> to vector<16xf32>
      %mul3A_276 = arith.constant 11.3137083 : f32
      %mul3A_277 = vector.broadcast %mul3A_276 : f32 to vector<16xf32>
      %mul3A_278 = arith.mulf %get3A_275, %mul3A_277 : vector<16xf32>
      %swap3A_279 = arith.constant 0 : i32
      %swap3A_280 = arith.constant 0 : i32
      %swap3A_281 = tpu.memref_slice %arg6[%scan3A_131, %swap3A_279, %swap3A_280] : memref<4x128x128xf32, #tpu.memory_space<vmem>> -> memref<1x128x128xf32, #tpu.memory_space<vmem>>
      %swap3A_282 = tpu.memref_squeeze %swap3A_281 : memref<1x128x128xf32, #tpu.memory_space<vmem>> -> memref<128x128xf32, #tpu.memory_space<vmem>>
      %swap3A_283 = arith.index_cast %add3A_249 : i32 to index
      %swap3A_284 = arith.constant 16 : index
      %swap3A_285 = tpu.vector_load %swap3A_282[%swap3A_283, %swap3A_284] {strides = array<i32>} : memref<128x128xf32, #tpu.memory_space<vmem>>, vector<1x16xf32>,
      %swap3A_286 = vector.shape_cast %swap3A_285 : vector<1x16xf32> to vector<16xf32>
      %swap3A_287 = vector.shape_cast %mul3A_278 : vector<16xf32> to vector<1x16xf32>
      tpu.vector_store %swap3A_282[%swap3A_283, %swap3A_284], %swap3A_287 {strides = array<i32>} : memref<128x128xf32, #tpu.memory_space<vmem>>, vector<1x16xf32>,
      %get3A_288 = arith.constant 0 : i32
      %get3A_289 = arith.constant 0 : i32
      %get3A_290 = tpu.memref_slice %arg6[%scan3A_131, %get3A_288, %get3A_289] : memref<4x128x128xf32, #tpu.memory_space<vmem>> -> memref<1x128x128xf32, #tpu.memory_space<vmem>>
      %get3A_291 = tpu.memref_squeeze %get3A_290 : memref<1x128x128xf32, #tpu.memory_space<vmem>> -> memref<128x128xf32, #tpu.memory_space<vmem>>
      %get3A_292 = arith.index_cast %add3A_249 : i32 to index
      %get3A_293 = arith.constant 32 : index
      %get3A_294 = tpu.vector_load %get3A_291[%get3A_292, %get3A_293] {strides = array<i32>} : memref<128x128xf32, #tpu.memory_space<vmem>>, vector<1x16xf32>,
      %get3A_295 = vector.shape_cast %get3A_294 : vector<1x16xf32> to vector<16xf32>
      %mul3A_296 = arith.constant 11.3137083 : f32
      %mul3A_297 = vector.broadcast %mul3A_296 : f32 to vector<16xf32>
      %mul3A_298 = arith.mulf %get3A_295, %mul3A_297 : vector<16xf32>
      %swap3A_299 = arith.constant 0 : i32
      %swap3A_300 = arith.constant 0 : i32
      %swap3A_301 = tpu.memref_slice %arg6[%scan3A_131, %swap3A_299, %swap3A_300] : memref<4x128x128xf32, #tpu.memory_space<vmem>> -> memref<1x128x128xf32, #tpu.memory_space<vmem>>
      %swap3A_302 = tpu.memref_squeeze %swap3A_301 : memref<1x128x128xf32, #tpu.memory_space<vmem>> -> memref<128x128xf32, #tpu.memory_space<vmem>>
      %swap3A_303 = arith.index_cast %add3A_249 : i32 to index
      %swap3A_304 = arith.constant 32 : index
      %swap3A_305 = tpu.vector_load %swap3A_302[%swap3A_303, %swap3A_304] {strides = array<i32>} : memref<128x128xf32, #tpu.memory_space<vmem>>, vector<1x16xf32>,
      %swap3A_306 = vector.shape_cast %swap3A_305 : vector<1x16xf32> to vector<16xf32>
      %swap3A_307 = vector.shape_cast %mul3A_298 : vector<16xf32> to vector<1x16xf32>
      tpu.vector_store %swap3A_302[%swap3A_303, %swap3A_304], %swap3A_307 {strides = array<i32>} : memref<128x128xf32, #tpu.memory_space<vmem>>, vector<1x16xf32>,
      %get3A_308 = arith.constant 0 : i32
      %get3A_309 = arith.constant 0 : i32
      %get3A_310 = tpu.memref_slice %arg6[%scan3A_131, %get3A_308, %get3A_309] : memref<4x128x128xf32, #tpu.memory_space<vmem>> -> memref<1x128x128xf32, #tpu.memory_space<vmem>>
      %get3A_311 = tpu.memref_squeeze %get3A_310 : memref<1x128x128xf32, #tpu.memory_space<vmem>> -> memref<128x128xf32, #tpu.memory_space<vmem>>
      %get3A_312 = arith.index_cast %add3A_249 : i32 to index
      %get3A_313 = arith.constant 48 : index
      %get3A_314 = tpu.vector_load %get3A_311[%get3A_312, %get3A_313] {strides = array<i32>} : memref<128x128xf32, #tpu.memory_space<vmem>>, vector<1x16xf32>,
      %get3A_315 = vector.shape_cast %get3A_314 : vector<1x16xf32> to vector<16xf32>
      %mul3A_316 = arith.constant 11.3137083 : f32
      %mul3A_317 = vector.broadcast %mul3A_316 : f32 to vector<16xf32>
      %mul3A_318 = arith.mulf %get3A_315, %mul3A_317 : vector<16xf32>
      %swap3A_319 = arith.constant 0 : i32
      %swap3A_320 = arith.constant 0 : i32
      %swap3A_321 = tpu.memref_slice %arg6[%scan3A_131, %swap3A_319, %swap3A_320] : memref<4x128x128xf32, #tpu.memory_space<vmem>> -> memref<1x128x128xf32, #tpu.memory_space<vmem>>
      %swap3A_322 = tpu.memref_squeeze %swap3A_321 : memref<1x128x128xf32, #tpu.memory_space<vmem>> -> memref<128x128xf32, #tpu.memory_space<vmem>>
      %swap3A_323 = arith.index_cast %add3A_249 : i32 to index
      %swap3A_324 = arith.constant 48 : index
      %swap3A_325 = tpu.vector_load %swap3A_322[%swap3A_323, %swap3A_324] {strides = array<i32>} : memref<128x128xf32, #tpu.memory_space<vmem>>, vector<1x16xf32>,
      %swap3A_326 = vector.shape_cast %swap3A_325 : vector<1x16xf32> to vector<16xf32>
      %swap3A_327 = vector.shape_cast %mul3A_318 : vector<16xf32> to vector<1x16xf32>
      tpu.vector_store %swap3A_322[%swap3A_323, %swap3A_324], %swap3A_327 {strides = array<i32>} : memref<128x128xf32, #tpu.memory_space<vmem>>, vector<1x16xf32>,
      %get3A_328 = arith.constant 0 : i32
      %get3A_329 = arith.constant 0 : i32
      %get3A_330 = tpu.memref_slice %arg6[%scan3A_131, %get3A_328, %get3A_329] : memref<4x128x128xf32, #tpu.memory_space<vmem>> -> memref<1x128x128xf32, #tpu.memory_space<vmem>>
      %get3A_331 = tpu.memref_squeeze %get3A_330 : memref<1x128x128xf32, #tpu.memory_space<vmem>> -> memref<128x128xf32, #tpu.memory_space<vmem>>
      %get3A_332 = arith.index_cast %add3A_249 : i32 to index
      %get3A_333 = arith.constant 64 : index
      %get3A_334 = tpu.vector_load %get3A_331[%get3A_332, %get3A_333] {strides = array<i32>} : memref<128x128xf32, #tpu.memory_space<vmem>>, vector<1x16xf32>,
      %get3A_335 = vector.shape_cast %get3A_334 : vector<1x16xf32> to vector<16xf32>
      %mul3A_336 = arith.constant 11.3137083 : f32
      %mul3A_337 = vector.broadcast %mul3A_336 : f32 to vector<16xf32>
      %mul3A_338 = arith.mulf %get3A_335, %mul3A_337 : vector<16xf32>
      %swap3A_339 = arith.constant 0 : i32
      %swap3A_340 = arith.constant 0 : i32
      %swap3A_341 = tpu.memref_slice %arg6[%scan3A_131, %swap3A_339, %swap3A_340] : memref<4x128x128xf32, #tpu.memory_space<vmem>> -> memref<1x128x128xf32, #tpu.memory_space<vmem>>
      %swap3A_342 = tpu.memref_squeeze %swap3A_341 : memref<1x128x128xf32, #tpu.memory_space<vmem>> -> memref<128x128xf32, #tpu.memory_space<vmem>>
      %swap3A_343 = arith.index_cast %add3A_249 : i32 to index
      %swap3A_344 = arith.constant 64 : index
      %swap3A_345 = tpu.vector_load %swap3A_342[%swap3A_343, %swap3A_344] {strides = array<i32>} : memref<128x128xf32, #tpu.memory_space<vmem>>, vector<1x16xf32>,
      %swap3A_346 = vector.shape_cast %swap3A_345 : vector<1x16xf32> to vector<16xf32>
      %swap3A_347 = vector.shape_cast %mul3A_338 : vector<16xf32> to vector<1x16xf32>
      tpu.vector_store %swap3A_342[%swap3A_343, %swap3A_344], %swap3A_347 {strides = array<i32>} : memref<128x128xf32, #tpu.memory_space<vmem>>, vector<1x16xf32>,
      %get3A_348 = arith.constant 0 : i32
      %get3A_349 = arith.constant 0 : i32
      %get3A_350 = tpu.memref_slice %arg6[%scan3A_131, %get3A_348, %get3A_349] : memref<4x128x128xf32, #tpu.memory_space<vmem>> -> memref<1x128x128xf32, #tpu.memory_space<vmem>>
      %get3A_351 = tpu.memref_squeeze %get3A_350 : memref<1x128x128xf32, #tpu.memory_space<vmem>> -> memref<128x128xf32, #tpu.memory_space<vmem>>
      %get3A_352 = arith.index_cast %add3A_249 : i32 to index
      %get3A_353 = arith.constant 80 : index
      %get3A_354 = tpu.vector_load %get3A_351[%get3A_352, %get3A_353] {strides = array<i32>} : memref<128x128xf32, #tpu.memory_space<vmem>>, vector<1x16xf32>,
      %get3A_355 = vector.shape_cast %get3A_354 : vector<1x16xf32> to vector<16xf32>
      %mul3A_356 = arith.constant 11.3137083 : f32
      %mul3A_357 = vector.broadcast %mul3A_356 : f32 to vector<16xf32>
      %mul3A_358 = arith.mulf %get3A_355, %mul3A_357 : vector<16xf32>
      %swap3A_359 = arith.constant 0 : i32
      %swap3A_360 = arith.constant 0 : i32
      %swap3A_361 = tpu.memref_slice %arg6[%scan3A_131, %swap3A_359, %swap3A_360] : memref<4x128x128xf32, #tpu.memory_space<vmem>> -> memref<1x128x128xf32, #tpu.memory_space<vmem>>
      %swap3A_362 = tpu.memref_squeeze %swap3A_361 : memref<1x128x128xf32, #tpu.memory_space<vmem>> -> memref<128x128xf32, #tpu.memory_space<vmem>>
      %swap3A_363 = arith.index_cast %add3A_249 : i32 to index
      %swap3A_364 = arith.constant 80 : index
      %swap3A_365 = tpu.vector_load %swap3A_362[%swap3A_363, %swap3A_364] {strides = array<i32>} : memref<128x128xf32, #tpu.memory_space<vmem>>, vector<1x16xf32>,
      %swap3A_366 = vector.shape_cast %swap3A_365 : vector<1x16xf32> to vector<16xf32>
      %swap3A_367 = vector.shape_cast %mul3A_358 : vector<16xf32> to vector<1x16xf32>
      tpu.vector_store %swap3A_362[%swap3A_363, %swap3A_364], %swap3A_367 {strides = array<i32>} : memref<128x128xf32, #tpu.memory_space<vmem>>, vector<1x16xf32>,
      %get3A_368 = arith.constant 0 : i32
      %get3A_369 = arith.constant 0 : i32
      %get3A_370 = tpu.memref_slice %arg6[%scan3A_131, %get3A_368, %get3A_369] : memref<4x128x128xf32, #tpu.memory_space<vmem>> -> memref<1x128x128xf32, #tpu.memory_space<vmem>>
      %get3A_371 = tpu.memref_squeeze %get3A_370 : memref<1x128x128xf32, #tpu.memory_space<vmem>> -> memref<128x128xf32, #tpu.memory_space<vmem>>
      %get3A_372 = arith.index_cast %add3A_249 : i32 to index
      %get3A_373 = arith.constant 96 : index
      %get3A_374 = tpu.vector_load %get3A_371[%get3A_372, %get3A_373] {strides = array<i32>} : memref<128x128xf32, #tpu.memory_space<vmem>>, vector<1x16xf32>,
      %get3A_375 = vector.shape_cast %get3A_374 : vector<1x16xf32> to vector<16xf32>
      %mul3A_376 = arith.constant 11.3137083 : f32
      %mul3A_377 = vector.broadcast %mul3A_376 : f32 to vector<16xf32>
      %mul3A_378 = arith.mulf %get3A_375, %mul3A_377 : vector<16xf32>
      %swap3A_379 = arith.constant 0 : i32
      %swap3A_380 = arith.constant 0 : i32
      %swap3A_381 = tpu.memref_slice %arg6[%scan3A_131, %swap3A_379, %swap3A_380] : memref<4x128x128xf32, #tpu.memory_space<vmem>> -> memref<1x128x128xf32, #tpu.memory_space<vmem>>
      %swap3A_382 = tpu.memref_squeeze %swap3A_381 : memref<1x128x128xf32, #tpu.memory_space<vmem>> -> memref<128x128xf32, #tpu.memory_space<vmem>>
      %swap3A_383 = arith.index_cast %add3A_249 : i32 to index
      %swap3A_384 = arith.constant 96 : index
      %swap3A_385 = tpu.vector_load %swap3A_382[%swap3A_383, %swap3A_384] {strides = array<i32>} : memref<128x128xf32, #tpu.memory_space<vmem>>, vector<1x16xf32>,
      %swap3A_386 = vector.shape_cast %swap3A_385 : vector<1x16xf32> to vector<16xf32>
      %swap3A_387 = vector.shape_cast %mul3A_378 : vector<16xf32> to vector<1x16xf32>
      tpu.vector_store %swap3A_382[%swap3A_383, %swap3A_384], %swap3A_387 {strides = array<i32>} : memref<128x128xf32, #tpu.memory_space<vmem>>, vector<1x16xf32>,
      %get3A_388 = arith.constant 0 : i32
      %get3A_389 = arith.constant 0 : i32
      %get3A_390 = tpu.memref_slice %arg6[%scan3A_131, %get3A_388, %get3A_389] : memref<4x128x128xf32, #tpu.memory_space<vmem>> -> memref<1x128x128xf32, #tpu.memory_space<vmem>>
      %get3A_391 = tpu.memref_squeeze %get3A_390 : memref<1x128x128xf32, #tpu.memory_space<vmem>> -> memref<128x128xf32, #tpu.memory_space<vmem>>
      %get3A_392 = arith.index_cast %add3A_249 : i32 to index
      %get3A_393 = arith.constant 112 : index
      %get3A_394 = tpu.vector_load %get3A_391[%get3A_392, %get3A_393] {strides = array<i32>} : memref<128x128xf32, #tpu.memory_space<vmem>>, vector<1x16xf32>,
      %get3A_395 = vector.shape_cast %get3A_394 : vector<1x16xf32> to vector<16xf32>
      %mul3A_396 = arith.constant 11.3137083 : f32
      %mul3A_397 = vector.broadcast %mul3A_396 : f32 to vector<16xf32>
      %mul3A_398 = arith.mulf %get3A_395, %mul3A_397 : vector<16xf32>
      %swap3A_399 = arith.constant 0 : i32
      %swap3A_400 = arith.constant 0 : i32
      %swap3A_401 = tpu.memref_slice %arg6[%scan3A_131, %swap3A_399, %swap3A_400] : memref<4x128x128xf32, #tpu.memory_space<vmem>> -> memref<1x128x128xf32, #tpu.memory_space<vmem>>
      %swap3A_402 = tpu.memref_squeeze %swap3A_401 : memref<1x128x128xf32, #tpu.memory_space<vmem>> -> memref<128x128xf32, #tpu.memory_space<vmem>>
      %swap3A_403 = arith.index_cast %add3A_249 : i32 to index
      %swap3A_404 = arith.constant 112 : index
      %swap3A_405 = tpu.vector_load %swap3A_402[%swap3A_403, %swap3A_404] {strides = array<i32>} : memref<128x128xf32, #tpu.memory_space<vmem>>, vector<1x16xf32>,
      %swap3A_406 = vector.shape_cast %swap3A_405 : vector<1x16xf32> to vector<16xf32>
      %swap3A_407 = vector.shape_cast %mul3A_398 : vector<16xf32> to vector<1x16xf32>
      tpu.vector_store %swap3A_402[%swap3A_403, %swap3A_404], %swap3A_407 {strides = array<i32>} : memref<128x128xf32, #tpu.memory_space<vmem>>, vector<1x16xf32>,
    }
    %scan3A_136 = arith.constant 128 : i32
    %add3A_137 = arith.constant 25344 : i32
    %add3A_138 = arith.addi %mul3A_2, %add3A_137 : i32
    %dma_start3A_139 = arith.constant 2 : i32
    %dma_start3A_140 = arith.constant 0 : i32
    %dma_start3A_141 = arith.constant 0 : i32
    %dma_start3A_142 = tpu.memref_slice %arg6[%dma_start3A_139, %dma_start3A_140, %dma_start3A_141] : memref<4x128x128xf32, #tpu.memory_space<vmem>> -> memref<1x128x128xf32, #tpu.memory_space<vmem>>
    %dma_start3A_143 = tpu.memref_squeeze %dma_start3A_142 : memref<1x128x128xf32, #tpu.memory_space<vmem>> -> memref<128x128xf32, #tpu.memory_space<vmem>>
    %dma_start3A_144 = arith.constant 0 : i32
    %dma_start3A_145 = tpu.memref_slice %arg4[%add3A_138, %dma_start3A_144] : memref<819200x128xf32, #tpu.memory_space<hbm>> -> memref<128x128xf32, #tpu.memory_space<hbm>>
    %dma_start3A_146 = arith.constant 0 : i32
    %dma_start3A_147 = tpu.memref_slice %arg4[%add3A_138, %dma_start3A_146] : memref<819200x128xf32, #tpu.memory_space<hbm>> -> memref<128x128xf32, #tpu.memory_space<hbm>>
    %dma_start3A_148 = arith.constant 0 : i32
    %dma_start3A_149 = arith.constant 0 : i32
    %dma_start3A_150 = tpu.memref_slice %arg6[%dma_start3A_139, %dma_start3A_148, %dma_start3A_149] : memref<4x128x128xf32, #tpu.memory_space<vmem>> -> memref<1x128x128xf32, #tpu.memory_space<vmem>>
    %dma_start3A_151 = tpu.memref_squeeze %dma_start3A_150 : memref<1x128x128xf32, #tpu.memory_space<vmem>> -> memref<128x128xf32, #tpu.memory_space<vmem>>
    tpu.enqueue_dma source(%dma_start3A_151 : memref<128x128xf32, #tpu.memory_space<vmem>>) target(%dma_start3A_147 : memref<128x128xf32, #tpu.memory_space<hbm>>) target_semaphore(%arg13 : memref<!tpu.dma_semaphore, #tpu.memory_space<semaphore_mem>>)
    %add3A_152 = arith.constant 25088 : i32
    %add3A_153 = arith.addi %mul3A_2, %add3A_152 : i32
    %dma_wait3A_154 = arith.constant 0 : i32
    %dma_wait3A_155 = arith.constant 0 : i32
    %dma_wait3A_156 = arith.constant 0 : i32
    %dma_wait3A_157 = tpu.memref_slice %arg6[%dma_wait3A_154, %dma_wait3A_155, %dma_wait3A_156] : memref<4x128x128xf32, #tpu.memory_space<vmem>> -> memref<1x128x128xf32, #tpu.memory_space<vmem>>
    %dma_wait3A_158 = tpu.memref_squeeze %dma_wait3A_157 : memref<1x128x128xf32, #tpu.memory_space<vmem>> -> memref<128x128xf32, #tpu.memory_space<vmem>>
    %dma_wait3A_159 = arith.constant 0 : i32
    %dma_wait3A_160 = tpu.memref_slice %arg4[%add3A_153, %dma_wait3A_159] : memref<819200x128xf32, #tpu.memory_space<hbm>> -> memref<128x128xf32, #tpu.memory_space<hbm>>
    %dma_wait3A_161 = arith.constant 0 : i32
    %dma_wait3A_162 = tpu.memref_slice %arg4[%add3A_153, %dma_wait3A_161] : memref<819200x128xf32, #tpu.memory_space<hbm>> -> memref<128x128xf32, #tpu.memory_space<hbm>>
    %dma_wait3A_163 = arith.constant 0 : i32
    %dma_wait3A_164 = arith.constant 0 : i32
    %dma_wait3A_165 = tpu.memref_slice %arg6[%dma_wait3A_154, %dma_wait3A_163, %dma_wait3A_164] : memref<4x128x128xf32, #tpu.memory_space<vmem>> -> memref<1x128x128xf32, #tpu.memory_space<vmem>>
    %dma_wait3A_166 = tpu.memref_squeeze %dma_wait3A_165 : memref<1x128x128xf32, #tpu.memory_space<vmem>> -> memref<128x128xf32, #tpu.memory_space<vmem>>
    tpu.wait_dma2 semaphore(%arg11 : memref<!tpu.dma_semaphore, #tpu.memory_space<semaphore_mem>>) src(%dma_wait3A_166 : memref<128x128xf32, #tpu.memory_space<vmem>>) dst(%dma_wait3A_162 : memref<128x128xf32, #tpu.memory_space<hbm>>)
    %dma_wait3A_167 = arith.constant 199 : i32
    %dma_wait3A_168 = arith.constant 3 : i32
    %dma_wait3A_169 = arith.constant 0 : i32
    %dma_wait3A_170 = arith.constant 0 : i32
    %dma_wait3A_171 = tpu.memref_slice %arg6[%dma_wait3A_168, %dma_wait3A_169, %dma_wait3A_170] : memref<4x128x128xf32, #tpu.memory_space<vmem>> -> memref<1x128x128xf32, #tpu.memory_space<vmem>>
    %dma_wait3A_172 = tpu.memref_squeeze %dma_wait3A_171 : memref<1x128x128xf32, #tpu.memory_space<vmem>> -> memref<128x128xf32, #tpu.memory_space<vmem>>
    %dma_wait3A_173 = arith.constant 0 : i32
    %dma_wait3A_174 = tpu.memref_slice %arg5[%dma_wait3A_167, %dma_wait3A_173] : memref<200x128xi32, #tpu.memory_space<vmem>> -> memref<1x128xi32, #tpu.memory_space<vmem>>
    %dma_wait3A_175 = tpu.memref_squeeze %dma_wait3A_174 : memref<1x128xi32, #tpu.memory_space<vmem>> -> memref<128xi32, #tpu.memory_space<vmem>>
    %dma_wait3A_176 = arith.constant 0 : i32
    %dma_wait3A_177 = arith.constant 0 : i32
    %dma_wait3A_178 = tpu.memref_slice %arg2[%dma_wait3A_176, %dma_wait3A_177] : memref<100000x128xf32, #tpu.memory_space<hbm>> -> memref<100000x128xf32, #tpu.memory_space<hbm>>
    tpu.wait_indirect_dma semaphore(%arg10 : memref<!tpu.dma_semaphore, #tpu.memory_space<semaphore_mem>>) src(%dma_wait3A_178 : memref<100000x128xf32, #tpu.memory_space<hbm>>) dst(%dma_wait3A_172 : memref<128x128xf32, #tpu.memory_space<vmem>>)
    %scan3A_179 = arith.constant 3 : i32
    %scan3A_180 = arith.constant 0 : i32
    %scan3A_181 = arith.constant 128 : i32
    %scan3A_182 = arith.addi %scan3A_180, %scan3A_181 : i32
    %scan3A_183 = arith.constant 1 : i32
    scf.for %scan3A_245 = %scan3A_180 to %scan3A_182 step %scan3A_183  : i32 {
      %mul3A_246 = arith.constant 1 : i32
      %mul3A_247 = arith.muli %scan3A_245, %mul3A_246 : i32
      %add3A_248 = arith.constant 0 : i32
      %add3A_249 = arith.addi %add3A_248, %mul3A_247 : i32
      %get3A = arith.constant 0 : i32
      %get3A_250 = arith.constant 0 : i32
      %get3A_251 = tpu.memref_slice %arg6[%scan3A_179, %get3A, %get3A_250] : memref<4x128x128xf32, #tpu.memory_space<vmem>> -> memref<1x128x128xf32, #tpu.memory_space<vmem>>
      %get3A_252 = tpu.memref_squeeze %get3A_251 : memref<1x128x128xf32, #tpu.memory_space<vmem>> -> memref<128x128xf32, #tpu.memory_space<vmem>>
      %get3A_253 = arith.index_cast %add3A_249 : i32 to index
      %get3A_254 = arith.constant 0 : index
      %get3A_255 = tpu.vector_load %get3A_252[%get3A_253, %get3A_254] {strides = array<i32>} : memref<128x128xf32, #tpu.memory_space<vmem>>, vector<1x16xf32>,
      %get3A_256 = vector.shape_cast %get3A_255 : vector<1x16xf32> to vector<16xf32>
      %mul3A_257 = arith.constant 11.3137083 : f32
      %mul3A_258 = vector.broadcast %mul3A_257 : f32 to vector<16xf32>
      %mul3A_259 = arith.mulf %get3A_256, %mul3A_258 : vector<16xf32>
      %swap3A = arith.constant 0 : i32
      %swap3A_260 = arith.constant 0 : i32
      %swap3A_261 = tpu.memref_slice %arg6[%scan3A_179, %swap3A, %swap3A_260] : memref<4x128x128xf32, #tpu.memory_space<vmem>> -> memref<1x128x128xf32, #tpu.memory_space<vmem>>
      %swap3A_262 = tpu.memref_squeeze %swap3A_261 : memref<1x128x128xf32, #tpu.memory_space<vmem>> -> memref<128x128xf32, #tpu.memory_space<vmem>>
      %swap3A_263 = arith.index_cast %add3A_249 : i32 to index
      %swap3A_264 = arith.constant 0 : index
      %swap3A_265 = tpu.vector_load %swap3A_262[%swap3A_263, %swap3A_264] {strides = array<i32>} : memref<128x128xf32, #tpu.memory_space<vmem>>, vector<1x16xf32>,
      %swap3A_266 = vector.shape_cast %swap3A_265 : vector<1x16xf32> to vector<16xf32>
      %swap3A_267 = vector.shape_cast %mul3A_259 : vector<16xf32> to vector<1x16xf32>
      tpu.vector_store %swap3A_262[%swap3A_263, %swap3A_264], %swap3A_267 {strides = array<i32>} : memref<128x128xf32, #tpu.memory_space<vmem>>, vector<1x16xf32>,
      %get3A_268 = arith.constant 0 : i32
      %get3A_269 = arith.constant 0 : i32
      %get3A_270 = tpu.memref_slice %arg6[%scan3A_179, %get3A_268, %get3A_269] : memref<4x128x128xf32, #tpu.memory_space<vmem>> -> memref<1x128x128xf32, #tpu.memory_space<vmem>>
      %get3A_271 = tpu.memref_squeeze %get3A_270 : memref<1x128x128xf32, #tpu.memory_space<vmem>> -> memref<128x128xf32, #tpu.memory_space<vmem>>
      %get3A_272 = arith.index_cast %add3A_249 : i32 to index
      %get3A_273 = arith.constant 16 : index
      %get3A_274 = tpu.vector_load %get3A_271[%get3A_272, %get3A_273] {strides = array<i32>} : memref<128x128xf32, #tpu.memory_space<vmem>>, vector<1x16xf32>,
      %get3A_275 = vector.shape_cast %get3A_274 : vector<1x16xf32> to vector<16xf32>
      %mul3A_276 = arith.constant 11.3137083 : f32
      %mul3A_277 = vector.broadcast %mul3A_276 : f32 to vector<16xf32>
      %mul3A_278 = arith.mulf %get3A_275, %mul3A_277 : vector<16xf32>
      %swap3A_279 = arith.constant 0 : i32
      %swap3A_280 = arith.constant 0 : i32
      %swap3A_281 = tpu.memref_slice %arg6[%scan3A_179, %swap3A_279, %swap3A_280] : memref<4x128x128xf32, #tpu.memory_space<vmem>> -> memref<1x128x128xf32, #tpu.memory_space<vmem>>
      %swap3A_282 = tpu.memref_squeeze %swap3A_281 : memref<1x128x128xf32, #tpu.memory_space<vmem>> -> memref<128x128xf32, #tpu.memory_space<vmem>>
      %swap3A_283 = arith.index_cast %add3A_249 : i32 to index
      %swap3A_284 = arith.constant 16 : index
      %swap3A_285 = tpu.vector_load %swap3A_282[%swap3A_283, %swap3A_284] {strides = array<i32>} : memref<128x128xf32, #tpu.memory_space<vmem>>, vector<1x16xf32>,
      %swap3A_286 = vector.shape_cast %swap3A_285 : vector<1x16xf32> to vector<16xf32>
      %swap3A_287 = vector.shape_cast %mul3A_278 : vector<16xf32> to vector<1x16xf32>
      tpu.vector_store %swap3A_282[%swap3A_283, %swap3A_284], %swap3A_287 {strides = array<i32>} : memref<128x128xf32, #tpu.memory_space<vmem>>, vector<1x16xf32>,
      %get3A_288 = arith.constant 0 : i32
      %get3A_289 = arith.constant 0 : i32
      %get3A_290 = tpu.memref_slice %arg6[%scan3A_179, %get3A_288, %get3A_289] : memref<4x128x128xf32, #tpu.memory_space<vmem>> -> memref<1x128x128xf32, #tpu.memory_space<vmem>>
      %get3A_291 = tpu.memref_squeeze %get3A_290 : memref<1x128x128xf32, #tpu.memory_space<vmem>> -> memref<128x128xf32, #tpu.memory_space<vmem>>
      %get3A_292 = arith.index_cast %add3A_249 : i32 to index
      %get3A_293 = arith.constant 32 : index
      %get3A_294 = tpu.vector_load %get3A_291[%get3A_292, %get3A_293] {strides = array<i32>} : memref<128x128xf32, #tpu.memory_space<vmem>>, vector<1x16xf32>,
      %get3A_295 = vector.shape_cast %get3A_294 : vector<1x16xf32> to vector<16xf32>
      %mul3A_296 = arith.constant 11.3137083 : f32
      %mul3A_297 = vector.broadcast %mul3A_296 : f32 to vector<16xf32>
      %mul3A_298 = arith.mulf %get3A_295, %mul3A_297 : vector<16xf32>
      %swap3A_299 = arith.constant 0 : i32
      %swap3A_300 = arith.constant 0 : i32
      %swap3A_301 = tpu.memref_slice %arg6[%scan3A_179, %swap3A_299, %swap3A_300] : memref<4x128x128xf32, #tpu.memory_space<vmem>> -> memref<1x128x128xf32, #tpu.memory_space<vmem>>
      %swap3A_302 = tpu.memref_squeeze %swap3A_301 : memref<1x128x128xf32, #tpu.memory_space<vmem>> -> memref<128x128xf32, #tpu.memory_space<vmem>>
      %swap3A_303 = arith.index_cast %add3A_249 : i32 to index
      %swap3A_304 = arith.constant 32 : index
      %swap3A_305 = tpu.vector_load %swap3A_302[%swap3A_303, %swap3A_304] {strides = array<i32>} : memref<128x128xf32, #tpu.memory_space<vmem>>, vector<1x16xf32>,
      %swap3A_306 = vector.shape_cast %swap3A_305 : vector<1x16xf32> to vector<16xf32>
      %swap3A_307 = vector.shape_cast %mul3A_298 : vector<16xf32> to vector<1x16xf32>
      tpu.vector_store %swap3A_302[%swap3A_303, %swap3A_304], %swap3A_307 {strides = array<i32>} : memref<128x128xf32, #tpu.memory_space<vmem>>, vector<1x16xf32>,
      %get3A_308 = arith.constant 0 : i32
      %get3A_309 = arith.constant 0 : i32
      %get3A_310 = tpu.memref_slice %arg6[%scan3A_179, %get3A_308, %get3A_309] : memref<4x128x128xf32, #tpu.memory_space<vmem>> -> memref<1x128x128xf32, #tpu.memory_space<vmem>>
      %get3A_311 = tpu.memref_squeeze %get3A_310 : memref<1x128x128xf32, #tpu.memory_space<vmem>> -> memref<128x128xf32, #tpu.memory_space<vmem>>
      %get3A_312 = arith.index_cast %add3A_249 : i32 to index
      %get3A_313 = arith.constant 48 : index
      %get3A_314 = tpu.vector_load %get3A_311[%get3A_312, %get3A_313] {strides = array<i32>} : memref<128x128xf32, #tpu.memory_space<vmem>>, vector<1x16xf32>,
      %get3A_315 = vector.shape_cast %get3A_314 : vector<1x16xf32> to vector<16xf32>
      %mul3A_316 = arith.constant 11.3137083 : f32
      %mul3A_317 = vector.broadcast %mul3A_316 : f32 to vector<16xf32>
      %mul3A_318 = arith.mulf %get3A_315, %mul3A_317 : vector<16xf32>
      %swap3A_319 = arith.constant 0 : i32
      %swap3A_320 = arith.constant 0 : i32
      %swap3A_321 = tpu.memref_slice %arg6[%scan3A_179, %swap3A_319, %swap3A_320] : memref<4x128x128xf32, #tpu.memory_space<vmem>> -> memref<1x128x128xf32, #tpu.memory_space<vmem>>
      %swap3A_322 = tpu.memref_squeeze %swap3A_321 : memref<1x128x128xf32, #tpu.memory_space<vmem>> -> memref<128x128xf32, #tpu.memory_space<vmem>>
      %swap3A_323 = arith.index_cast %add3A_249 : i32 to index
      %swap3A_324 = arith.constant 48 : index
      %swap3A_325 = tpu.vector_load %swap3A_322[%swap3A_323, %swap3A_324] {strides = array<i32>} : memref<128x128xf32, #tpu.memory_space<vmem>>, vector<1x16xf32>,
      %swap3A_326 = vector.shape_cast %swap3A_325 : vector<1x16xf32> to vector<16xf32>
      %swap3A_327 = vector.shape_cast %mul3A_318 : vector<16xf32> to vector<1x16xf32>
      tpu.vector_store %swap3A_322[%swap3A_323, %swap3A_324], %swap3A_327 {strides = array<i32>} : memref<128x128xf32, #tpu.memory_space<vmem>>, vector<1x16xf32>,
      %get3A_328 = arith.constant 0 : i32
      %get3A_329 = arith.constant 0 : i32
      %get3A_330 = tpu.memref_slice %arg6[%scan3A_179, %get3A_328, %get3A_329] : memref<4x128x128xf32, #tpu.memory_space<vmem>> -> memref<1x128x128xf32, #tpu.memory_space<vmem>>
      %get3A_331 = tpu.memref_squeeze %get3A_330 : memref<1x128x128xf32, #tpu.memory_space<vmem>> -> memref<128x128xf32, #tpu.memory_space<vmem>>
      %get3A_332 = arith.index_cast %add3A_249 : i32 to index
      %get3A_333 = arith.constant 64 : index
      %get3A_334 = tpu.vector_load %get3A_331[%get3A_332, %get3A_333] {strides = array<i32>} : memref<128x128xf32, #tpu.memory_space<vmem>>, vector<1x16xf32>,
      %get3A_335 = vector.shape_cast %get3A_334 : vector<1x16xf32> to vector<16xf32>
      %mul3A_336 = arith.constant 11.3137083 : f32
      %mul3A_337 = vector.broadcast %mul3A_336 : f32 to vector<16xf32>
      %mul3A_338 = arith.mulf %get3A_335, %mul3A_337 : vector<16xf32>
      %swap3A_339 = arith.constant 0 : i32
      %swap3A_340 = arith.constant 0 : i32
      %swap3A_341 = tpu.memref_slice %arg6[%scan3A_179, %swap3A_339, %swap3A_340] : memref<4x128x128xf32, #tpu.memory_space<vmem>> -> memref<1x128x128xf32, #tpu.memory_space<vmem>>
      %swap3A_342 = tpu.memref_squeeze %swap3A_341 : memref<1x128x128xf32, #tpu.memory_space<vmem>> -> memref<128x128xf32, #tpu.memory_space<vmem>>
      %swap3A_343 = arith.index_cast %add3A_249 : i32 to index
      %swap3A_344 = arith.constant 64 : index
      %swap3A_345 = tpu.vector_load %swap3A_342[%swap3A_343, %swap3A_344] {strides = array<i32>} : memref<128x128xf32, #tpu.memory_space<vmem>>, vector<1x16xf32>,
      %swap3A_346 = vector.shape_cast %swap3A_345 : vector<1x16xf32> to vector<16xf32>
      %swap3A_347 = vector.shape_cast %mul3A_338 : vector<16xf32> to vector<1x16xf32>
      tpu.vector_store %swap3A_342[%swap3A_343, %swap3A_344], %swap3A_347 {strides = array<i32>} : memref<128x128xf32, #tpu.memory_space<vmem>>, vector<1x16xf32>,
      %get3A_348 = arith.constant 0 : i32
      %get3A_349 = arith.constant 0 : i32
      %get3A_350 = tpu.memref_slice %arg6[%scan3A_179, %get3A_348, %get3A_349] : memref<4x128x128xf32, #tpu.memory_space<vmem>> -> memref<1x128x128xf32, #tpu.memory_space<vmem>>
      %get3A_351 = tpu.memref_squeeze %get3A_350 : memref<1x128x128xf32, #tpu.memory_space<vmem>> -> memref<128x128xf32, #tpu.memory_space<vmem>>
      %get3A_352 = arith.index_cast %add3A_249 : i32 to index
      %get3A_353 = arith.constant 80 : index
      %get3A_354 = tpu.vector_load %get3A_351[%get3A_352, %get3A_353] {strides = array<i32>} : memref<128x128xf32, #tpu.memory_space<vmem>>, vector<1x16xf32>,
      %get3A_355 = vector.shape_cast %get3A_354 : vector<1x16xf32> to vector<16xf32>
      %mul3A_356 = arith.constant 11.3137083 : f32
      %mul3A_357 = vector.broadcast %mul3A_356 : f32 to vector<16xf32>
      %mul3A_358 = arith.mulf %get3A_355, %mul3A_357 : vector<16xf32>
      %swap3A_359 = arith.constant 0 : i32
      %swap3A_360 = arith.constant 0 : i32
      %swap3A_361 = tpu.memref_slice %arg6[%scan3A_179, %swap3A_359, %swap3A_360] : memref<4x128x128xf32, #tpu.memory_space<vmem>> -> memref<1x128x128xf32, #tpu.memory_space<vmem>>
      %swap3A_362 = tpu.memref_squeeze %swap3A_361 : memref<1x128x128xf32, #tpu.memory_space<vmem>> -> memref<128x128xf32, #tpu.memory_space<vmem>>
      %swap3A_363 = arith.index_cast %add3A_249 : i32 to index
      %swap3A_364 = arith.constant 80 : index
      %swap3A_365 = tpu.vector_load %swap3A_362[%swap3A_363, %swap3A_364] {strides = array<i32>} : memref<128x128xf32, #tpu.memory_space<vmem>>, vector<1x16xf32>,
      %swap3A_366 = vector.shape_cast %swap3A_365 : vector<1x16xf32> to vector<16xf32>
      %swap3A_367 = vector.shape_cast %mul3A_358 : vector<16xf32> to vector<1x16xf32>
      tpu.vector_store %swap3A_362[%swap3A_363, %swap3A_364], %swap3A_367 {strides = array<i32>} : memref<128x128xf32, #tpu.memory_space<vmem>>, vector<1x16xf32>,
      %get3A_368 = arith.constant 0 : i32
      %get3A_369 = arith.constant 0 : i32
      %get3A_370 = tpu.memref_slice %arg6[%scan3A_179, %get3A_368, %get3A_369] : memref<4x128x128xf32, #tpu.memory_space<vmem>> -> memref<1x128x128xf32, #tpu.memory_space<vmem>>
      %get3A_371 = tpu.memref_squeeze %get3A_370 : memref<1x128x128xf32, #tpu.memory_space<vmem>> -> memref<128x128xf32, #tpu.memory_space<vmem>>
      %get3A_372 = arith.index_cast %add3A_249 : i32 to index
      %get3A_373 = arith.constant 96 : index
      %get3A_374 = tpu.vector_load %get3A_371[%get3A_372, %get3A_373] {strides = array<i32>} : memref<128x128xf32, #tpu.memory_space<vmem>>, vector<1x16xf32>,
      %get3A_375 = vector.shape_cast %get3A_374 : vector<1x16xf32> to vector<16xf32>
      %mul3A_376 = arith.constant 11.3137083 : f32
      %mul3A_377 = vector.broadcast %mul3A_376 : f32 to vector<16xf32>
      %mul3A_378 = arith.mulf %get3A_375, %mul3A_377 : vector<16xf32>
      %swap3A_379 = arith.constant 0 : i32
      %swap3A_380 = arith.constant 0 : i32
      %swap3A_381 = tpu.memref_slice %arg6[%scan3A_179, %swap3A_379, %swap3A_380] : memref<4x128x128xf32, #tpu.memory_space<vmem>> -> memref<1x128x128xf32, #tpu.memory_space<vmem>>
      %swap3A_382 = tpu.memref_squeeze %swap3A_381 : memref<1x128x128xf32, #tpu.memory_space<vmem>> -> memref<128x128xf32, #tpu.memory_space<vmem>>
      %swap3A_383 = arith.index_cast %add3A_249 : i32 to index
      %swap3A_384 = arith.constant 96 : index
      %swap3A_385 = tpu.vector_load %swap3A_382[%swap3A_383, %swap3A_384] {strides = array<i32>} : memref<128x128xf32, #tpu.memory_space<vmem>>, vector<1x16xf32>,
      %swap3A_386 = vector.shape_cast %swap3A_385 : vector<1x16xf32> to vector<16xf32>
      %swap3A_387 = vector.shape_cast %mul3A_378 : vector<16xf32> to vector<1x16xf32>
      tpu.vector_store %swap3A_382[%swap3A_383, %swap3A_384], %swap3A_387 {strides = array<i32>} : memref<128x128xf32, #tpu.memory_space<vmem>>, vector<1x16xf32>,
      %get3A_388 = arith.constant 0 : i32
      %get3A_389 = arith.constant 0 : i32
      %get3A_390 = tpu.memref_slice %arg6[%scan3A_179, %get3A_388, %get3A_389] : memref<4x128x128xf32, #tpu.memory_space<vmem>> -> memref<1x128x128xf32, #tpu.memory_space<vmem>>
      %get3A_391 = tpu.memref_squeeze %get3A_390 : memref<1x128x128xf32, #tpu.memory_space<vmem>> -> memref<128x128xf32, #tpu.memory_space<vmem>>
      %get3A_392 = arith.index_cast %add3A_249 : i32 to index
      %get3A_393 = arith.constant 112 : index
      %get3A_394 = tpu.vector_load %get3A_391[%get3A_392, %get3A_393] {strides = array<i32>} : memref<128x128xf32, #tpu.memory_space<vmem>>, vector<1x16xf32>,
      %get3A_395 = vector.shape_cast %get3A_394 : vector<1x16xf32> to vector<16xf32>
      %mul3A_396 = arith.constant 11.3137083 : f32
      %mul3A_397 = vector.broadcast %mul3A_396 : f32 to vector<16xf32>
      %mul3A_398 = arith.mulf %get3A_395, %mul3A_397 : vector<16xf32>
      %swap3A_399 = arith.constant 0 : i32
      %swap3A_400 = arith.constant 0 : i32
      %swap3A_401 = tpu.memref_slice %arg6[%scan3A_179, %swap3A_399, %swap3A_400] : memref<4x128x128xf32, #tpu.memory_space<vmem>> -> memref<1x128x128xf32, #tpu.memory_space<vmem>>
      %swap3A_402 = tpu.memref_squeeze %swap3A_401 : memref<1x128x128xf32, #tpu.memory_space<vmem>> -> memref<128x128xf32, #tpu.memory_space<vmem>>
      %swap3A_403 = arith.index_cast %add3A_249 : i32 to index
      %swap3A_404 = arith.constant 112 : index
      %swap3A_405 = tpu.vector_load %swap3A_402[%swap3A_403, %swap3A_404] {strides = array<i32>} : memref<128x128xf32, #tpu.memory_space<vmem>>, vector<1x16xf32>,
      %swap3A_406 = vector.shape_cast %swap3A_405 : vector<1x16xf32> to vector<16xf32>
      %swap3A_407 = vector.shape_cast %mul3A_398 : vector<16xf32> to vector<1x16xf32>
      tpu.vector_store %swap3A_402[%swap3A_403, %swap3A_404], %swap3A_407 {strides = array<i32>} : memref<128x128xf32, #tpu.memory_space<vmem>>, vector<1x16xf32>,
    }
    %scan3A_184 = arith.constant 128 : i32
    %add3A_185 = arith.constant 25472 : i32
    %add3A_186 = arith.addi %mul3A_2, %add3A_185 : i32
    %dma_start3A_187 = arith.constant 3 : i32
    %dma_start3A_188 = arith.constant 0 : i32
    %dma_start3A_189 = arith.constant 0 : i32
    %dma_start3A_190 = tpu.memref_slice %arg6[%dma_start3A_187, %dma_start3A_188, %dma_start3A_189] : memref<4x128x128xf32, #tpu.memory_space<vmem>> -> memref<1x128x128xf32, #tpu.memory_space<vmem>>
    %dma_start3A_191 = tpu.memref_squeeze %dma_start3A_190 : memref<1x128x128xf32, #tpu.memory_space<vmem>> -> memref<128x128xf32, #tpu.memory_space<vmem>>
    %dma_start3A_192 = arith.constant 0 : i32
    %dma_start3A_193 = tpu.memref_slice %arg4[%add3A_186, %dma_start3A_192] : memref<819200x128xf32, #tpu.memory_space<hbm>> -> memref<128x128xf32, #tpu.memory_space<hbm>>
    %dma_start3A_194 = arith.constant 0 : i32
    %dma_start3A_195 = tpu.memref_slice %arg4[%add3A_186, %dma_start3A_194] : memref<819200x128xf32, #tpu.memory_space<hbm>> -> memref<128x128xf32, #tpu.memory_space<hbm>>
    %dma_start3A_196 = arith.constant 0 : i32
    %dma_start3A_197 = arith.constant 0 : i32
    %dma_start3A_198 = tpu.memref_slice %arg6[%dma_start3A_187, %dma_start3A_196, %dma_start3A_197] : memref<4x128x128xf32, #tpu.memory_space<vmem>> -> memref<1x128x128xf32, #tpu.memory_space<vmem>>
    %dma_start3A_199 = tpu.memref_squeeze %dma_start3A_198 : memref<1x128x128xf32, #tpu.memory_space<vmem>> -> memref<128x128xf32, #tpu.memory_space<vmem>>
    tpu.enqueue_dma source(%dma_start3A_199 : memref<128x128xf32, #tpu.memory_space<vmem>>) target(%dma_start3A_195 : memref<128x128xf32, #tpu.memory_space<hbm>>) target_semaphore(%arg14 : memref<!tpu.dma_semaphore, #tpu.memory_space<semaphore_mem>>)
    %add3A_200 = arith.constant 25216 : i32
    %add3A_201 = arith.addi %mul3A_2, %add3A_200 : i32
    %dma_wait3A_202 = arith.constant 1 : i32
    %dma_wait3A_203 = arith.constant 0 : i32
    %dma_wait3A_204 = arith.constant 0 : i32
    %dma_wait3A_205 = tpu.memref_slice %arg6[%dma_wait3A_202, %dma_wait3A_203, %dma_wait3A_204] : memref<4x128x128xf32, #tpu.memory_space<vmem>> -> memref<1x128x128xf32, #tpu.memory_space<vmem>>
    %dma_wait3A_206 = tpu.memref_squeeze %dma_wait3A_205 : memref<1x128x128xf32, #tpu.memory_space<vmem>> -> memref<128x128xf32, #tpu.memory_space<vmem>>
    %dma_wait3A_207 = arith.constant 0 : i32
    %dma_wait3A_208 = tpu.memref_slice %arg4[%add3A_201, %dma_wait3A_207] : memref<819200x128xf32, #tpu.memory_space<hbm>> -> memref<128x128xf32, #tpu.memory_space<hbm>>
    %dma_wait3A_209 = arith.constant 0 : i32
    %dma_wait3A_210 = tpu.memref_slice %arg4[%add3A_201, %dma_wait3A_209] : memref<819200x128xf32, #tpu.memory_space<hbm>> -> memref<128x128xf32, #tpu.memory_space<hbm>>
    %dma_wait3A_211 = arith.constant 0 : i32
    %dma_wait3A_212 = arith.constant 0 : i32
    %dma_wait3A_213 = tpu.memref_slice %arg6[%dma_wait3A_202, %dma_wait3A_211, %dma_wait3A_212] : memref<4x128x128xf32, #tpu.memory_space<vmem>> -> memref<1x128x128xf32, #tpu.memory_space<vmem>>
    %dma_wait3A_214 = tpu.memref_squeeze %dma_wait3A_213 : memref<1x128x128xf32, #tpu.memory_space<vmem>> -> memref<128x128xf32, #tpu.memory_space<vmem>>
    tpu.wait_dma2 semaphore(%arg12 : memref<!tpu.dma_semaphore, #tpu.memory_space<semaphore_mem>>) src(%dma_wait3A_214 : memref<128x128xf32, #tpu.memory_space<vmem>>) dst(%dma_wait3A_210 : memref<128x128xf32, #tpu.memory_space<hbm>>)
    %add3A_215 = arith.constant 25344 : i32
    %add3A_216 = arith.addi %mul3A_2, %add3A_215 : i32
    %dma_wait3A_217 = arith.constant 2 : i32
    %dma_wait3A_218 = arith.constant 0 : i32
    %dma_wait3A_219 = arith.constant 0 : i32
    %dma_wait3A_220 = tpu.memref_slice %arg6[%dma_wait3A_217, %dma_wait3A_218, %dma_wait3A_219] : memref<4x128x128xf32, #tpu.memory_space<vmem>> -> memref<1x128x128xf32, #tpu.memory_space<vmem>>
    %dma_wait3A_221 = tpu.memref_squeeze %dma_wait3A_220 : memref<1x128x128xf32, #tpu.memory_space<vmem>> -> memref<128x128xf32, #tpu.memory_space<vmem>>
    %dma_wait3A_222 = arith.constant 0 : i32
    %dma_wait3A_223 = tpu.memref_slice %arg4[%add3A_216, %dma_wait3A_222] : memref<819200x128xf32, #tpu.memory_space<hbm>> -> memref<128x128xf32, #tpu.memory_space<hbm>>
    %dma_wait3A_224 = arith.constant 0 : i32
    %dma_wait3A_225 = tpu.memref_slice %arg4[%add3A_216, %dma_wait3A_224] : memref<819200x128xf32, #tpu.memory_space<hbm>> -> memref<128x128xf32, #tpu.memory_space<hbm>>
    %dma_wait3A_226 = arith.constant 0 : i32
    %dma_wait3A_227 = arith.constant 0 : i32
    %dma_wait3A_228 = tpu.memref_slice %arg6[%dma_wait3A_217, %dma_wait3A_226, %dma_wait3A_227] : memref<4x128x128xf32, #tpu.memory_space<vmem>> -> memref<1x128x128xf32, #tpu.memory_space<vmem>>
    %dma_wait3A_229 = tpu.memref_squeeze %dma_wait3A_228 : memref<1x128x128xf32, #tpu.memory_space<vmem>> -> memref<128x128xf32, #tpu.memory_space<vmem>>
    tpu.wait_dma2 semaphore(%arg13 : memref<!tpu.dma_semaphore, #tpu.memory_space<semaphore_mem>>) src(%dma_wait3A_229 : memref<128x128xf32, #tpu.memory_space<vmem>>) dst(%dma_wait3A_225 : memref<128x128xf32, #tpu.memory_space<hbm>>)
    %add3A_230 = arith.constant 25472 : i32
    %add3A_231 = arith.addi %mul3A_2, %add3A_230 : i32
    %dma_wait3A_232 = arith.constant 3 : i32
    %dma_wait3A_233 = arith.constant 0 : i32
    %dma_wait3A_234 = arith.constant 0 : i32
    %dma_wait3A_235 = tpu.memref_slice %arg6[%dma_wait3A_232, %dma_wait3A_233, %dma_wait3A_234] : memref<4x128x128xf32, #tpu.memory_space<vmem>> -> memref<1x128x128xf32, #tpu.memory_space<vmem>>
    %dma_wait3A_236 = tpu.memref_squeeze %dma_wait3A_235 : memref<1x128x128xf32, #tpu.memory_space<vmem>> -> memref<128x128xf32, #tpu.memory_space<vmem>>
    %dma_wait3A_237 = arith.constant 0 : i32
    %dma_wait3A_238 = tpu.memref_slice %arg4[%add3A_231, %dma_wait3A_237] : memref<819200x128xf32, #tpu.memory_space<hbm>> -> memref<128x128xf32, #tpu.memory_space<hbm>>
    %dma_wait3A_239 = arith.constant 0 : i32
    %dma_wait3A_240 = tpu.memref_slice %arg4[%add3A_231, %dma_wait3A_239] : memref<819200x128xf32, #tpu.memory_space<hbm>> -> memref<128x128xf32, #tpu.memory_space<hbm>>
    %dma_wait3A_241 = arith.constant 0 : i32
    %dma_wait3A_242 = arith.constant 0 : i32
    %dma_wait3A_243 = tpu.memref_slice %arg6[%dma_wait3A_232, %dma_wait3A_241, %dma_wait3A_242] : memref<4x128x128xf32, #tpu.memory_space<vmem>> -> memref<1x128x128xf32, #tpu.memory_space<vmem>>
    %dma_wait3A_244 = tpu.memref_squeeze %dma_wait3A_243 : memref<1x128x128xf32, #tpu.memory_space<vmem>> -> memref<128x128xf32, #tpu.memory_space<vmem>>
    tpu.wait_dma2 semaphore(%arg14 : memref<!tpu.dma_semaphore, #tpu.memory_space<semaphore_mem>>) src(%dma_wait3A_244 : memref<128x128xf32, #tpu.memory_space<vmem>>) dst(%dma_wait3A_240 : memref<128x128xf32, #tpu.memory_space<hbm>>)
    return
  }
}

</mosaic_0001>

<sc_bundles>
// kernel: kernel.3.cloned.1.call-start
scs
__scs_entry_jumppad:
0x0: {  	(pc) =	sbr.rel $0x88, $3  }
0x1: {  	(tag) =	ssettag $0x0;
	lr =	simm.s32 $0x1  }
0x2: {  	[smem:$0x3F9F] =	sst lr;
	_ =	strace $0xD0000000  }
0x3: {  	_ = 	snop  }
0x4: {  	_ = 	snop  }
0x5: {  	_ = 	snop  }
0x6: {  	_ = 	snop  }
0x7: {  	_ = 	snop  }
__scs_overlays_trampoline_lowered:
0x8: {  	[smem:$0x3FAE] =	sst s0  }
0x9: {  	[smem:$0x3FAF] =	sst s1  }
0xa: {  	[smem:$0x3FB0] =	sst s2  }
0xb: {  	[smem:$0x3FB1] =	sst s3  }
0xc: {  	[smem:$0x3FB2] =	sst s4  }
0xd: {  	[smem:$0x3FB3] =	sst s5  }
0xe: {  	[smem:$0x3FB4] =	sst s6  }
0xf: {  	[smem:$0x3FB5] =	sst s7  }
0x10: {  	[smem:$0x3FB6] =	sst s8  }
0x11: {  	[smem:$0x3FB7] =	sst s9;
	s0 =	simm.s32 @!p0 $0x0  }
0x12: {  	s1 =	sld [smem:$0x3F9D];
	s0 =	simm.s32 @p0 $0x1  }
0x13: {  	[smem:$0x3FB8] =	sst s0;
	s0 =	simm.s32 @!p1 $0x0  }
0x14: {  	s2 =	sld [smem:$0x3F9C];
	s0 =	simm.s32 @p1 $0x1  }
0x15: {  	[smem:$0x3FB9] =	sst s0;
	s0 =	simm.s32 @!p2 $0x0  }
0x16: {  	s3 =	sld [smem:$0x3FDB];
	s0 =	simm.s32 @p2 $0x1  }
0x17: {  	s4 =	simm.s32 $0x1BF5;
	[smem:$0x3FBB] =	sst s0  }
0x18: {  	s0 =	sld [smem:$0x3F9E];
	_ =	swait.ge [sflag:s4], $0x0  }
0x19: {  	s7 =	sld [smem:$0x3F9F]  }
0x1a: {  	s8 =	sadd.s32 $0xFFFFE003, lr  }
0x1b: {  	s9 =	sadd.s32 $0xFFFFFEF7, lr;
	s5 =	simm.s32 $0xFFFFFFFF;
	p2 =	slt.u32 s8, $0xFFFFF086  }
0x1c: {  	p1 =	slt.u32 s9, $0xF7A;
	s5 =	simm.s32 @!p2 $0x0  }
0x1d: {  	s5 =	simm.s32 @p1 $0x1;
	p0 =	seq.s32 s7, s2  }
0x1e: {  	s7 =	smul.u32 @!p0 $0xF7A, s2;
	p2 =	seq.s32 @!p0 s5, $0x0  }
0x1f: {  	s9 =	smul.u32 $0xF7A, s1;
	s8 =	simm.s32 @!p0 $0x1BF5;
	p2 =	por !p2, p0  }
0x20: {  	[sflag:s8] =	ssyncset.s32 @!p0 $0xFFFFF086;
	s6 =	sadd.s32 @!p0 s3, s7;
	s7 =	simm.s32 @!p0 $0x108  }
0x21: {  	s3 =	sadd.s32 s3, s9;
	s6 =	sadd.s32 @!p0 $0x88, s6;
	s7 =	simm.s32 @p2 $0x1082  }
0x22: {  	[simem:s7], [sflag:s8] =	dma.local @!p0 [hbm:s6], $0xF7A  }
0x23: {  	s9 =	sor.u32 $0xD0000000, s2;
	s6 =	simm.s32 $0x108;
	_ =	swait.ge @!p0 [sflag:s8], $0x0  }
0x24: {  	s3 =	sadd.s32 $0x88, s3;
	s6 =	simm.s32 @!p1 $0x1082;
	[sflag:s4] =	ssyncset.s32 $0xFFFFF086  }
0x25: {  	[simem:s6], [sflag:s4] =	dma.local [hbm:s3], $0xF7A  }
0x26: {  	[smem:$0x3F9F] =	sst s1;
	(tag) =	ssettag s2;
	_ =	strace s9  }
0x27: {  	s1 =	sld [smem:$0x3FAF]  }
0x28: {  	s2 =	sld [smem:$0x3FB0]  }
0x29: {  	s4 =	sld [smem:$0x3FB2]  }
0x2a: {  	p0 =	seq.s32 s5, $0x0;
	s5 =	sld [smem:$0x3FB3]  }
0x2b: {  	s6 =	sld [smem:$0x3FB4]  }
0x2c: {  	s7 =	sld [smem:$0x3FB5]  }
0x2d: {  	s3 =	simm.s32 $0x108;
	s8 =	sld [smem:$0x3FB6]  }
0x2e: {  	s3 =	simm.s32 @!p0 $0x1082;
	s9 =	sld [smem:$0x3FB7]  }
0x2f: {  	lr =	sadd.s32 s0, s3;
	s0 =	sld [smem:$0x3FAE]  }
0x30: {  	s3 =	sld [smem:$0x3FB1]  }
0x31: {  	[smem:$0x3FBA] =	sst s10  }
0x32: {  	s10 =	sld [smem:$0x3FB8];
	_ =	sdelay $0x3  }
0x33: {  	p0 =	seq.s32 s10, $0x1;
	s10 =	sld [smem:$0x3FBA];
	_ =	sdelay $0x3  }
0x34: {  	[smem:$0x3FBA] =	sst s10  }
0x35: {  	s10 =	sld [smem:$0x3FB9];
	_ =	sdelay $0x3  }
0x36: {  	p1 =	seq.s32 s10, $0x1;
	s10 =	sld [smem:$0x3FBA];
	_ =	sdelay $0x3  }
0x37: {  	[smem:$0x3FBA] =	sst s10  }
0x38: {  	s10 =	sld [smem:$0x3FBB]  }
0x39: {  	_ = 	snop;
	(pc) =	sbr.ind lr, $3  }
0x3a: {  	_ = 	snop  }
0x3b: {  	_ = 	snop  }
0x3c: {  	p2 =	seq.s32 s10, $0x1;
	s10 =	sld [smem:$0x3FBA]  }
0x3d: {  	_ =	shalt  }
0x3e: {  	_ =	shalt  }
0x3f: {  	_ =	shalt  }
0x40: {  	_ =	shalt  }
0x41: {  	_ =	shalt  }
0x42: {  	_ =	shalt  }
0x43: {  	_ =	shalt  }
0x44: {  	_ =	shalt  }
0x45: {  	_ =	shalt  }
0x46: {  	_ =	shalt  }
0x47: {  	_ =	shalt  }
0x48: {  	_ =	shalt  }
0x49: {  	_ =	shalt  }
0x4a: {  	_ =	shalt  }
0x4b: {  	_ =	shalt  }
0x4c: {  	_ =	shalt  }
0x4d: {  	_ =	shalt  }
0x4e: {  	_ =	shalt  }
0x4f: {  	_ =	shalt  }
0x50: {  	_ =	shalt  }
0x51: {  	_ =	shalt  }
0x52: {  	_ =	shalt  }
0x53: {  	_ =	shalt  }
0x54: {  	_ =	shalt  }
0x55: {  	_ =	shalt  }
0x56: {  	_ =	shalt  }
0x57: {  	_ =	shalt  }
0x58: {  	_ =	shalt  }
0x59: {  	_ =	shalt  }
0x5a: {  	_ =	shalt  }
0x5b: {  	_ =	shalt  }
0x5c: {  	_ =	shalt  }
0x5d: {  	_ =	shalt  }
0x5e: {  	_ =	shalt  }
0x5f: {  	_ =	shalt  }
0x60: {  	_ =	shalt  }
0x61: {  	_ =	shalt  }
0x62: {  	_ =	shalt  }
0x63: {  	_ =	shalt  }
0x64: {  	_ =	shalt  }
0x65: {  	_ =	shalt  }
0x66: {  	_ =	shalt  }
0x67: {  	_ =	shalt  }
0x68: {  	_ =	shalt  }
0x69: {  	_ =	shalt  }
0x6a: {  	_ =	shalt  }
0x6b: {  	_ =	shalt  }
0x6c: {  	_ =	shalt  }
0x6d: {  	_ =	shalt  }
0x6e: {  	_ =	shalt  }
0x6f: {  	_ =	shalt  }
0x70: {  	_ =	shalt  }
0x71: {  	_ =	shalt  }
0x72: {  	_ =	shalt  }
0x73: {  	_ =	shalt  }
0x74: {  	_ =	shalt  }
0x75: {  	_ =	shalt  }
0x76: {  	_ =	shalt  }
0x77: {  	_ =	shalt  }
0x78: {  	_ =	shalt  }
0x79: {  	_ =	shalt  }
0x7a: {  	_ =	shalt  }
0x7b: {  	_ =	shalt  }
0x7c: {  	_ =	shalt  }
0x7d: {  	_ =	shalt  }
0x7e: {  	_ =	shalt  }
0x7f: {  	_ =	shalt  }
0x80: {  	_ =	shalt  }
0x81: {  	_ =	shalt  }
0x82: {  	_ =	shalt  }
0x83: {  	_ =	shalt  }
0x84: {  	_ =	shalt  }
0x85: {  	_ =	shalt  }
0x86: {  	_ =	shalt  }
0x87: {  	_ =	shalt  }
.Lfunc_end0:
.L_simem_size_0:
called_computation_lowered:
.L_overlay_start_0:
0x88: {  	s2 =	sld [smem:$0x3FD9]  }
0x89: {  	s3 =	sld [smem:$0x3FFE];
	_ =	sdelay $0x1  }
0x8a: {  	s1 =	srdreg.scid  }
0x8b: {  	s0 =	sand.u32 $0x1, s1  }
0x8c: {  	s17 =	sshll.u32 s0, $0xA;
	s2 =	sadd.s32 s3, s2  }
0x8d: {  	s2 =	sadd.s32 s2, s17  }
0x8e: {  	[smem:$0x3FC6] =	sst s2  }
0x8f: {  	_ = 	snop  }
0x90: {  	s2 =	sld [smem:$0x3FC8]  }
0x91: {  	s18 =	sld [smem:$0x3FD0];
	(tm) =	ssettm $0x1  }
0x92: {  	s4 =	sld [smem:$0x3FFB];
	_ =	sdelay $0x3  }
0x93: {  	_ =	strace s4  }
0x94: {  	s4 =	sld [smem:$0x3FFC];
	_ =	sdelay $0x3  }
0x95: {  	_ =	strace s4  }
0x96: {  	s4 =	sld [smem:$0x3FFD];
	_ =	sdelay $0x3  }
0x97: {  	_ =	strace s4  }
0x98: {  	_ =	strace $0x8FFFFFFF  }
0x99: {  	s19 =	sld [smem:$0x3FDB];
	_ =	sdelay $0x1  }
0x9a: {  	s5 =	simm.s32 $_scs_section_size  }
0x9b: {  	s6 =	simm.s32 $_size__tile_overlayer_lowered;
	s7 =	simm.s32 $_tile_overlayer_lowered  }
0x9c: {  	s22 =	simm.s32 $0x1BFF;
	s21 =	sshll.u32 s7, $0x1;
	s4 =	sadd.s32 s5, s19  }
0x9d: {  	s8 =	simm.s32 $0x0;
	s20 =	sshll.u32 s6, $0x1;
	s6 =	sadd.s32 s21, s4  }
0x9e: {  	[timem:s8], [sflag:s22] =	dma.local [hbm:s6], s20  }
0x9f: {  	_ =	swait.ge [sflag:s22], s20  }
0xa0: {  	s5 =	ssub.s32 $0x0, s20;
	[sflag:s22] =	ssyncset.done $0x0  }
0xa1: {  	[sflag:s22] =	ssyncadd.s32 s5;
	_ =	sdelay $0x1  }
0xa2: {  	s23 =	simm.s32 $0x1B8B  }
0xa3: {  	_ =	swait.ge [sflag:s23], $0x1  }
0xa4: {  	[sflag:s23] =	ssyncset.done $0x0  }
0xa5: {  	s25 =	simm.s32 $0x1B8E;
	s24 =	sld [smem:$0x3FFE];
	[sflag:s23] =	ssyncadd.s32 $0xFFFFFFFF  }
0xa6: {  	s26 =	simm.s32 $execute0_lowered;
	[smem:$0x3FD2] =	sst s25  }
0xa7: {  	s6 =	sshll.u32 s26, $0x1;
	_ =	strace $0x80000046;
	[dreg:$0x1] =	wrdreg $0xFFFFFFFF  }
0xa8: {  	s28 =	simm.s32 $_size_execute0_lowered;
	s4 =	sadd.s32 s4, s6;
	[dreg:$0x0] =	wrdreg $0x0  }
0xa9: {  	s6 =	sshll.u32 s28, $0x1;
	[dreg:$0x2] =	wrdreg s4  }
0xaa: {  	[dreg:$0x3] =	wrdreg s6  }
0xab: {  	[dreg:$0x4] =	wrdreg $0xC0  }
0xac: {  	_ =	task [dreg:s8], $0x5FFFF  }
0xad: {  	[dreg:$0x1] =	wrdreg $0xFFFFFFFF  }
0xae: {  	[dreg:$0x0] =	wrdreg $0x60  }
0xaf: {  	[dreg:$0x2] =	wrdreg s2  }
0xb0: {  	[dreg:$0x3] =	wrdreg s24  }
0xb1: {  	[dreg:$0x4] =	wrdreg s18  }
0xb2: {  	[dreg:$0x5] =	wrdreg $0x9  }
0xb3: {  	_ =	task.clear_ibuf [dreg:s8], $0x6FFFF;
	_ =	strace $0x90000046  }
0xb4: {  	s29 =	simm.s32 $0x9;
	_ =	strace $0x80000048  }
0xb5: {  	_ =	swait.ge [sflag:s29], $0x1  }
0xb6: {  	[sflag:s29] =	ssyncadd.s32 $0xFFFFFFFF  }
0xb7: {  	_ =	strace $0x90000048  }
0xb8: {  	_ =	sfence  }
0xb9: {  	s30 =	sld [smem:$0x0];
	_ =	sdelay $0x2  }
0xba: {  	s31 =	sshll.u32 s1, $0xD;
	s1 =	sshrl.u32 s1, $0x2  }
0xbb: {  	s3 =	sand.u32 $0x4000, s31;
	s1 =	sadd.s32 s1, s30  }
0xbc: {  	s0 =	sor.u32 s3, s0;
	s1 =	sshll.u32 s1, $0x11  }
0xbd: {  	s0 =	sor.u32 s1, s0  }
0xbe: {  	s0 =	sadd.s32 $0x8F2B, s0  }
0xbf: {  	[sflag:s0] =	ssyncadd.remote.s32 $0x1  }
0xc0: {  	_ =	sfence.sel $0xFFFF  }
0xc1: {  	[dreg:$0x0] =	wrdreg $0xFFFFFFFF;
	(pc) =	sbr.abs _section_cstart, $3  }
0xc2: {  	[dreg:$0x1] =	wrdreg $0xFFFFFFFF  }
0xc3: {  	_ =	task.clear_ibuf [dreg:s8], $0x2FFFF;
	_ =	strace $0x9FFFFFFF  }
0xc4: {  	(tm) =	ssettm $0x7FFFFFFF  }
0xc5: {  	_ =	shalt  }
tec
execute0_lowered:
.L_overlay_start_1:
0x0: {  	(tag) =	ssettag $0x1  }
0x1: {  	s1 =	rddreg [dreg:$0x0];
	s0 =	srdreg.scid  }
0x2: {  	s3 =	stileid.u32;
	s2 =	rddreg [dreg:$0x1];
	s14 =	simm.s32 $0x9  }
0x3: {  	s15 =	simm.s32 $0x80;
	s16 =	simm.s32 $0x6400;
	s17 =	simm.s32 $0xA400  }
0x4: {  	s18 =	simm.s32 $0x1;
	s20 =	simm.s32 $0xE400;
	s21 =	simm.s32 $0x2  }
0x5: {  	s23 =	simm.s32 $0x12400;
	s0 =	sand.u32 $0x1, s0;
	s4 =	sshll.u32 s3, $0x1  }
0x6: {  	s28 =	simm.s32 $0x6;
	s29 =	simm.s32 $0x7;
	s6 =	sor.u32 s0, s4  }
0x7: {  	s30 =	simm.s32 $0x8;
	s31 =	simm.s32 $0x0;
	s5 =	smul.u32 $0x6400, s6  }
0x8: {  	s4 =	simm.s32 $0x0;
	s0 =	ssub.s32 $0x2, s0;
	s7 =	smul.u32 $0x64000, s6  }
0x9: {  	[smem:$0x7FF] =	sst s4;
	s9 =	sshrl.u32 s0, $0x1;
	s6 =	smul.u32 $0x320000, s6  }
0xa: {  	s3 =	rddreg [dreg:$0x2];
	_ =	strace $0x80000047;
	s0 =	ssub.s32 s0, s9  }
0xb: {  	s8 =	sshrl.u32 s5, $0x3;
	s7 =	sadd.s32 s3, s7;
	s24 =	sshrl.u32 s6, $0x3  }
0xc: {  	s9 =	sor.u32 $0x100, s5;
	s2 =	sadd.s32 s8, s2;
	s25 =	sadd.s32 $0x800, s7  }
0xd: {  	s10 =	sor.u32 $0x180, s5;
	s2 =	sadd.s32 $0x400, s2;
	[dreg:$0x5] =	wrdreg s25  }
0xe: {  	s13 =	smax.u32 s0, $0x1;
	[dreg:$0x4] =	wrdreg s2;
	s2 =	sadd.s32 s3, s24  }
0xf: {  	s25 =	simm.s32 $0x5;
	s24 =	simm.s32 $0x3;
	s26 =	sadd.s32 $0x63000, s2  }
0x10: {  	s12 =	sadd.s32 $0x63800, s2;
	[dreg:$0x6] =	wrdreg s26;
	s26 =	simm.s32 $0x4  }
.LBB2_1:
0x11: {  	s0 =	rddreg [dreg:$0x4]  }
0x12: {  	[tilespmem:s4], [sflag:$0x9] =	stream.linear.gather [hbm4b:s0+s4], $0x6400, $0x38;
	[tilespmem:$0x16400] =	vst v63  }
0x13: {  	_ =	swait.ge [sflag:s14], $0x6400  }
0x14: {  	[sflag:s14] =	ssyncset.done $0x0  }
0x15: {  	[sflag:s14] =	ssyncadd.s32 $0xFFFF9C00  }
0x16: {  	[tilespmem:s16], [sflag:$0x1] =	stream.indirect.gather [hbm4b:s1+s15], $0x80, s4, s15, $0xb8;
	[tilespmem:$0x16400] =	vst v63  }
0x17: {  	_ = 	snop  }
0x18: {  	[tilespmem:s17], [sflag:$0x2] =	stream.indirect.gather [hbm4b:s1+s15], $0x80, s15, s15, $0xb8;
	[tilespmem:$0x16400] =	vst v63  }
0x19: {  	_ =	swait.ge [sflag:s18], $0x4000  }
0x1a: {  	[sflag:s18] =	ssyncset.done $0x0  }
0x1b: {  	s0 =	simm.s32 $0x0;
	[sflag:s18] =	ssyncadd.s32 $0xFFFFC000  }
0x1c: {  	v3 =	vld [tilespmem:s0+$0x6400]  }
0x1d: {  	v5 =	vld [tilespmem:s0+$0x6410]  }
0x1e: {  	v4 =	vld [tilespmem:s0+$0x6420]  }
0x1f: {  	v2 =	vld [tilespmem:s0+$0x6430]  }
0x20: {  	v0 =	vld [tilespmem:s0+$0x6440]  }
0x21: {  	v1 =	vld [tilespmem:s0+$0x6450];
	v6 =	vmul.f32 $1.131370830e+01, v3  }
0x22: {  	s2 =	simm.s32 $0x200;
	v5 =	vmul.f32 $1.131370830e+01, v5;
	v3 =	vld [tilespmem:s0+$0x6460]  }
.LBB2_2:
0x23: {  	s6 =	sshra.s32 s2, $0x2;
	p0 =	sne.s32 s2, $0xFE00;
	[tilespmem:s0+$0x6400] =	vst v6;
	v4 =	vmul.f32 $1.131370830e+01, v4;
	v6 =	vld [tilespmem:s0+$0x6470]  }
0x24: {  	v7 =	vld [tilespmem:s6+$0x6400];
	[tilespmem:s0+$0x6410] =	vst v5;
	v2 =	vmul.f32 $1.131370830e+01, v2  }
0x25: {  	v5 =	vld [tilespmem:s6+$0x6410];
	[tilespmem:s0+$0x6420] =	vst v4;
	v0 =	vmul.f32 $1.131370830e+01, v0  }
.Ltmp0:
0x26: {  	v4 =	vld [tilespmem:s6+$0x6420];
	[tilespmem:s0+$0x6430] =	vst v2;
	v1 =	vmul.f32 $1.131370830e+01, v1;
	(pc) =	sbr.rel @p0 .LBB2_2-.Ltmp0, $4  }
0x27: {  	v2 =	vld [tilespmem:s6+$0x6430];
	[tilespmem:s0+$0x6440] =	vst v0;
	v3 =	vmul.f32 $1.131370830e+01, v3  }
0x28: {  	v0 =	vld [tilespmem:s6+$0x6440];
	[tilespmem:s0+$0x6450] =	vst v1;
	v8 =	vmul.f32 $1.131370830e+01, v6  }
0x29: {  	v6 =	vmul.f32 $1.131370830e+01, v7;
	v1 =	vld [tilespmem:s6+$0x6450];
	[tilespmem:s0+$0x6460] =	vst v3  }
0x2a: {  	s2 =	sadd.s32 $0x200, s2;
	v5 =	vmul.f32 $1.131370830e+01, v5;
	v3 =	vld [tilespmem:s6+$0x6460];
	[tilespmem:s0+$0x6470] =	vst v8;
	s0 =	smov.u32 s6  }
0x2b: {  	[tilespmem:s0+$0x6400] =	vst v6;
	v4 =	vmul.f32 $1.131370830e+01, v4;
	v6 =	vld [tilespmem:s0+$0x6470]  }
0x2c: {  	[tilespmem:s0+$0x6410] =	vst v5;
	v2 =	vmul.f32 $1.131370830e+01, v2  }
0x2d: {  	[tilespmem:s0+$0x6420] =	vst v4;
	v0 =	vmul.f32 $1.131370830e+01, v0  }
0x2e: {  	[tilespmem:s0+$0x6430] =	vst v2;
	v1 =	vmul.f32 $1.131370830e+01, v1  }
0x2f: {  	[tilespmem:s0+$0x6440] =	vst v0;
	v0 =	vmul.f32 $1.131370830e+01, v3  }
0x30: {  	[tilespmem:s0+$0x6450] =	vst v1;
	v1 =	vmul.f32 $1.131370830e+01, v6  }
0x31: {  	[tilespmem:s0+$0x6460] =	vst v0  }
0x32: {  	s19 =	simm.s32 $0x0;
	[tilespmem:s0+$0x6470] =	vst v1  }
0x33: {  	[hbm4b:s7+s19] =	stream.linear.scatter [tilespmem:s16], [sflag:$0x5], $0x4000, $0x38;
	[tilespmem:$0x16400] =	vst v63  }
0x34: {  	s22 =	simm.s32 $0x100  }
0x35: {  	[tilespmem:s20], [sflag:$0x3] =	stream.indirect.gather [hbm4b:s1+s15], $0x80, s22, s15, $0xb8;
	[tilespmem:$0x16400] =	vst v63  }
0x36: {  	_ =	swait.ge [sflag:s21], $0x4000  }
0x37: {  	[sflag:s21] =	ssyncset.done $0x0  }
0x38: {  	s0 =	simm.s32 $0x0;
	[sflag:s21] =	ssyncadd.s32 $0xFFFFC000  }
0x39: {  	v3 =	vld [tilespmem:s0+$0xA400]  }
0x3a: {  	v5 =	vld [tilespmem:s0+$0xA410]  }
0x3b: {  	v4 =	vld [tilespmem:s0+$0xA420]  }
0x3c: {  	v2 =	vld [tilespmem:s0+$0xA430]  }
0x3d: {  	v0 =	vld [tilespmem:s0+$0xA440]  }
0x3e: {  	v1 =	vld [tilespmem:s0+$0xA450];
	v6 =	vmul.f32 $1.131370830e+01, v3  }
0x3f: {  	s2 =	simm.s32 $0x200;
	v5 =	vmul.f32 $1.131370830e+01, v5;
	v3 =	vld [tilespmem:s0+$0xA460]  }
.LBB2_4:
0x40: {  	s6 =	sshra.s32 s2, $0x2;
	p0 =	sne.s32 s2, $0xFE00;
	[tilespmem:s0+$0xA400] =	vst v6;
	v4 =	vmul.f32 $1.131370830e+01, v4;
	v6 =	vld [tilespmem:s0+$0xA470]  }
0x41: {  	v7 =	vld [tilespmem:s6+$0xA400];
	[tilespmem:s0+$0xA410] =	vst v5;
	v2 =	vmul.f32 $1.131370830e+01, v2  }
0x42: {  	v5 =	vld [tilespmem:s6+$0xA410];
	[tilespmem:s0+$0xA420] =	vst v4;
	v0 =	vmul.f32 $1.131370830e+01, v0  }
.Ltmp1:
0x43: {  	v4 =	vld [tilespmem:s6+$0xA420];
	[tilespmem:s0+$0xA430] =	vst v2;
	v1 =	vmul.f32 $1.131370830e+01, v1;
	(pc) =	sbr.rel @p0 .LBB2_4-.Ltmp1, $4  }
0x44: {  	v2 =	vld [tilespmem:s6+$0xA430];
	[tilespmem:s0+$0xA440] =	vst v0;
	v3 =	vmul.f32 $1.131370830e+01, v3  }
0x45: {  	v0 =	vld [tilespmem:s6+$0xA440];
	[tilespmem:s0+$0xA450] =	vst v1;
	v8 =	vmul.f32 $1.131370830e+01, v6  }
0x46: {  	v6 =	vmul.f32 $1.131370830e+01, v7;
	v1 =	vld [tilespmem:s6+$0xA450];
	[tilespmem:s0+$0xA460] =	vst v3  }
0x47: {  	s2 =	sadd.s32 $0x200, s2;
	v5 =	vmul.f32 $1.131370830e+01, v5;
	v3 =	vld [tilespmem:s6+$0xA460];
	[tilespmem:s0+$0xA470] =	vst v8;
	s0 =	smov.u32 s6  }
0x48: {  	[tilespmem:s0+$0xA400] =	vst v6;
	v4 =	vmul.f32 $1.131370830e+01, v4;
	v61 =	vld [tilespmem:s0+$0xA470]  }
0x49: {  	[tilespmem:s0+$0xA410] =	vst v5;
	v2 =	vmul.f32 $1.131370830e+01, v2  }
0x4a: {  	[tilespmem:s0+$0xA420] =	vst v4;
	v0 =	vmul.f32 $1.131370830e+01, v0  }
0x4b: {  	[tilespmem:s0+$0xA430] =	vst v2;
	v1 =	vmul.f32 $1.131370830e+01, v1  }
0x4c: {  	[tilespmem:s0+$0xA440] =	vst v0;
	v62 =	vmul.f32 $1.131370830e+01, v3  }
0x4d: {  	[tilespmem:s0+$0xA450] =	vst v1;
	v63 =	vmul.f32 $1.131370830e+01, v61  }
0x4e: {  	[tilespmem:s0+$0xA460] =	vst v62  }
0x4f: {  	s2 =	simm.s32 $0x0;
	s19 =	rddreg [dreg:$0x5];
	[tilespmem:s0+$0xA470] =	vst v63  }
0x50: {  	[hbm4b:s19+s2] =	stream.linear.scatter [tilespmem:s17], [sflag:$0x6], $0x4000, $0x38;
	[tilespmem:$0x16400] =	vst v63  }
0x51: {  	s22 =	simm.s32 $0x180  }
0x52: {  	[tilespmem:s23], [sflag:$0x4] =	stream.indirect.gather [hbm4b:s1+s15], $0x80, s22, s15, $0xb8;
	[tilespmem:$0x16400] =	vst v63  }
.LBB2_6:
0x53: {  	_ =	swait.ge [sflag:s24], $0x4000  }
0x54: {  	[sflag:s24] =	ssyncset.done $0x0  }
0x55: {  	s19 =	simm.s32 $0x0;
	[sflag:s24] =	ssyncadd.s32 $0xFFFFC000  }
0x56: {  	v3 =	vld [tilespmem:s19+$0xE400]  }
0x57: {  	v5 =	vld [tilespmem:s19+$0xE410]  }
0x58: {  	v4 =	vld [tilespmem:s19+$0xE420]  }
0x59: {  	v2 =	vld [tilespmem:s19+$0xE430]  }
0x5a: {  	v0 =	vld [tilespmem:s19+$0xE440]  }
0x5b: {  	v1 =	vld [tilespmem:s19+$0xE450];
	v6 =	vmul.f32 $1.131370830e+01, v3  }
0x5c: {  	s0 =	simm.s32 $0x200;
	v5 =	vmul.f32 $1.131370830e+01, v5;
	v3 =	vld [tilespmem:s19+$0xE460]  }
.LBB2_7:
0x5d: {  	s6 =	sshra.s32 s0, $0x2;
	p0 =	sne.s32 s0, $0xFE00;
	[tilespmem:s19+$0xE400] =	vst v6;
	v4 =	vmul.f32 $1.131370830e+01, v4;
	v6 =	vld [tilespmem:s19+$0xE470]  }
0x5e: {  	v7 =	vld [tilespmem:s6+$0xE400];
	[tilespmem:s19+$0xE410] =	vst v5;
	v2 =	vmul.f32 $1.131370830e+01, v2  }
0x5f: {  	v5 =	vld [tilespmem:s6+$0xE410];
	[tilespmem:s19+$0xE420] =	vst v4;
	v0 =	vmul.f32 $1.131370830e+01, v0  }
.Ltmp2:
0x60: {  	v4 =	vld [tilespmem:s6+$0xE420];
	[tilespmem:s19+$0xE430] =	vst v2;
	v1 =	vmul.f32 $1.131370830e+01, v1;
	(pc) =	sbr.rel @p0 .LBB2_7-.Ltmp2, $4  }
0x61: {  	v2 =	vld [tilespmem:s6+$0xE430];
	[tilespmem:s19+$0xE440] =	vst v0;
	v3 =	vmul.f32 $1.131370830e+01, v3  }
0x62: {  	v0 =	vld [tilespmem:s6+$0xE440];
	[tilespmem:s19+$0xE450] =	vst v1;
	v8 =	vmul.f32 $1.131370830e+01, v6  }
0x63: {  	v6 =	vmul.f32 $1.131370830e+01, v7;
	v1 =	vld [tilespmem:s6+$0xE450];
	[tilespmem:s19+$0xE460] =	vst v3  }
0x64: {  	s0 =	sadd.s32 $0x200, s0;
	v5 =	vmul.f32 $1.131370830e+01, v5;
	v3 =	vld [tilespmem:s6+$0xE460];
	[tilespmem:s19+$0xE470] =	vst v8;
	s19 =	smov.u32 s6  }
0x65: {  	[tilespmem:s19+$0xE400] =	vst v6;
	v4 =	vmul.f32 $1.131370830e+01, v4;
	v6 =	vld [tilespmem:s19+$0xE470]  }
0x66: {  	[tilespmem:s19+$0xE410] =	vst v5;
	v2 =	vmul.f32 $1.131370830e+01, v2  }
0x67: {  	[tilespmem:s19+$0xE420] =	vst v4;
	v0 =	vmul.f32 $1.131370830e+01, v0  }
0x68: {  	[tilespmem:s19+$0xE430] =	vst v2;
	v1 =	vmul.f32 $1.131370830e+01, v1  }
0x69: {  	s0 =	sshll.u32 s2, $0x9;
	[tilespmem:s19+$0xE440] =	vst v0;
	v0 =	vmul.f32 $1.131370830e+01, v3  }
0x6a: {  	s6 =	sadd.s32 s0, s9;
	[tilespmem:s19+$0xE450] =	vst v1;
	v1 =	vmul.f32 $1.131370830e+01, v6  }
0x6b: {  	s6 =	sshll.u32 s6, $0x4;
	[tilespmem:s19+$0xE460] =	vst v0  }
0x6c: {  	s8 =	simm.s32 $0x0;
	s6 =	sadd.s32 s3, s6;
	[tilespmem:s19+$0xE470] =	vst v1  }
0x6d: {  	[hbm4b:s6+s8] =	stream.linear.scatter [tilespmem:s20], [sflag:$0x7], $0x4000, $0x38;
	[tilespmem:$0x16400] =	vst v63  }
0x6e: {  	_ =	swait.ge [sflag:s25], $0x4000  }
0x6f: {  	[sflag:s25] =	ssyncset.done $0x0  }
0x70: {  	s22 =	sadd.s32 $0x200, s0;
	[sflag:s25] =	ssyncadd.s32 $0xFFFFC000  }
0x71: {  	[tilespmem:s16], [sflag:$0x1] =	stream.indirect.gather [hbm4b:s1+s15], $0x80, s22, s15, $0xb8;
	[tilespmem:$0x16400] =	vst v63  }
0x72: {  	_ =	swait.ge [sflag:s26], $0x4000  }
0x73: {  	[sflag:s26] =	ssyncset.done $0x0  }
0x74: {  	s19 =	simm.s32 $0x0;
	[sflag:s26] =	ssyncadd.s32 $0xFFFFC000  }
0x75: {  	v3 =	vld [tilespmem:s19+$0x12400]  }
0x76: {  	v5 =	vld [tilespmem:s19+$0x12410]  }
0x77: {  	v4 =	vld [tilespmem:s19+$0x12420]  }
0x78: {  	v2 =	vld [tilespmem:s19+$0x12430]  }
0x79: {  	v0 =	vld [tilespmem:s19+$0x12440]  }
0x7a: {  	v1 =	vld [tilespmem:s19+$0x12450];
	v6 =	vmul.f32 $1.131370830e+01, v3  }
0x7b: {  	s6 =	simm.s32 $0x200;
	v5 =	vmul.f32 $1.131370830e+01, v5;
	v3 =	vld [tilespmem:s19+$0x12460]  }
.LBB2_9:
0x7c: {  	s8 =	sshra.s32 s6, $0x2;
	p0 =	sne.s32 s6, $0xFE00;
	[tilespmem:s19+$0x12400] =	vst v6;
	v4 =	vmul.f32 $1.131370830e+01, v4;
	v6 =	vld [tilespmem:s19+$0x12470]  }
0x7d: {  	v7 =	vld [tilespmem:s8+$0x12400];
	[tilespmem:s19+$0x12410] =	vst v5;
	v2 =	vmul.f32 $1.131370830e+01, v2  }
0x7e: {  	v5 =	vld [tilespmem:s8+$0x12410];
	[tilespmem:s19+$0x12420] =	vst v4;
	v0 =	vmul.f32 $1.131370830e+01, v0  }
.Ltmp3:
0x7f: {  	v4 =	vld [tilespmem:s8+$0x12420];
	[tilespmem:s19+$0x12430] =	vst v2;
	v1 =	vmul.f32 $1.131370830e+01, v1;
	(pc) =	sbr.rel @p0 .LBB2_9-.Ltmp3, $4  }
0x80: {  	v2 =	vld [tilespmem:s8+$0x12430];
	[tilespmem:s19+$0x12440] =	vst v0;
	v3 =	vmul.f32 $1.131370830e+01, v3  }
0x81: {  	v0 =	vld [tilespmem:s8+$0x12440];
	[tilespmem:s19+$0x12450] =	vst v1;
	v8 =	vmul.f32 $1.131370830e+01, v6  }
0x82: {  	v6 =	vmul.f32 $1.131370830e+01, v7;
	v1 =	vld [tilespmem:s8+$0x12450];
	[tilespmem:s19+$0x12460] =	vst v3  }
0x83: {  	s6 =	sadd.s32 $0x200, s6;
	v5 =	vmul.f32 $1.131370830e+01, v5;
	v3 =	vld [tilespmem:s8+$0x12460];
	[tilespmem:s19+$0x12470] =	vst v8;
	s19 =	smov.u32 s8  }
0x84: {  	[tilespmem:s19+$0x12400] =	vst v6;
	v4 =	vmul.f32 $1.131370830e+01, v4;
	v6 =	vld [tilespmem:s19+$0x12470]  }
0x85: {  	[tilespmem:s19+$0x12410] =	vst v5;
	v2 =	vmul.f32 $1.131370830e+01, v2  }
0x86: {  	[tilespmem:s19+$0x12420] =	vst v4;
	v0 =	vmul.f32 $1.131370830e+01, v0  }
0x87: {  	[tilespmem:s19+$0x12430] =	vst v2;
	v1 =	vmul.f32 $1.131370830e+01, v1  }
0x88: {  	[tilespmem:s19+$0x12440] =	vst v0;
	v0 =	vmul.f32 $1.131370830e+01, v3  }
0x89: {  	s6 =	sadd.s32 s0, s10;
	[tilespmem:s19+$0x12450] =	vst v1;
	v1 =	vmul.f32 $1.131370830e+01, v6  }
0x8a: {  	s6 =	sshll.u32 s6, $0x4;
	[tilespmem:s19+$0x12460] =	vst v0  }
0x8b: {  	s8 =	simm.s32 $0x0;
	s6 =	sadd.s32 s3, s6;
	[tilespmem:s19+$0x12470] =	vst v1  }
0x8c: {  	[hbm4b:s6+s8] =	stream.linear.scatter [tilespmem:s23], [sflag:$0x8], $0x4000, $0x38;
	[tilespmem:$0x16400] =	vst v63  }
0x8d: {  	_ =	swait.ge [sflag:s28], $0x4000  }
0x8e: {  	[sflag:s28] =	ssyncset.done $0x0  }
0x8f: {  	s19 =	sadd.s32 $0x280, s0;
	[sflag:s28] =	ssyncadd.s32 $0xFFFFC000  }
0x90: {  	[tilespmem:s17], [sflag:$0x2] =	stream.indirect.gather [hbm4b:s1+s15], $0x80, s19, s15, $0xb8;
	[tilespmem:$0x16400] =	vst v63  }
0x91: {  	_ =	swait.ge [sflag:s18], $0x4000  }
0x92: {  	[sflag:s18] =	ssyncset.done $0x0  }
0x93: {  	s6 =	simm.s32 $0x0;
	[sflag:s18] =	ssyncadd.s32 $0xFFFFC000  }
0x94: {  	v3 =	vld [tilespmem:s6+$0x6400]  }
0x95: {  	v5 =	vld [tilespmem:s6+$0x6410]  }
0x96: {  	v4 =	vld [tilespmem:s6+$0x6420]  }
0x97: {  	v2 =	vld [tilespmem:s6+$0x6430]  }
0x98: {  	v0 =	vld [tilespmem:s6+$0x6440]  }
0x99: {  	v1 =	vld [tilespmem:s6+$0x6450];
	v6 =	vmul.f32 $1.131370830e+01, v3  }
0x9a: {  	s8 =	simm.s32 $0x200;
	v5 =	vmul.f32 $1.131370830e+01, v5;
	v3 =	vld [tilespmem:s6+$0x6460]  }
.LBB2_11:
0x9b: {  	s11 =	sshra.s32 s8, $0x2;
	p0 =	sne.s32 s8, $0xFE00;
	[tilespmem:s6+$0x6400] =	vst v6;
	v4 =	vmul.f32 $1.131370830e+01, v4;
	v6 =	vld [tilespmem:s6+$0x6470]  }
0x9c: {  	v7 =	vld [tilespmem:s11+$0x6400];
	[tilespmem:s6+$0x6410] =	vst v5;
	v2 =	vmul.f32 $1.131370830e+01, v2  }
0x9d: {  	v5 =	vld [tilespmem:s11+$0x6410];
	[tilespmem:s6+$0x6420] =	vst v4;
	v0 =	vmul.f32 $1.131370830e+01, v0  }
.Ltmp4:
0x9e: {  	v4 =	vld [tilespmem:s11+$0x6420];
	[tilespmem:s6+$0x6430] =	vst v2;
	v1 =	vmul.f32 $1.131370830e+01, v1;
	(pc) =	sbr.rel @p0 .LBB2_11-.Ltmp4, $4  }
0x9f: {  	v2 =	vld [tilespmem:s11+$0x6430];
	[tilespmem:s6+$0x6440] =	vst v0;
	v3 =	vmul.f32 $1.131370830e+01, v3  }
0xa0: {  	v0 =	vld [tilespmem:s11+$0x6440];
	[tilespmem:s6+$0x6450] =	vst v1;
	v8 =	vmul.f32 $1.131370830e+01, v6  }
0xa1: {  	v6 =	vmul.f32 $1.131370830e+01, v7;
	v1 =	vld [tilespmem:s11+$0x6450];
	[tilespmem:s6+$0x6460] =	vst v3  }
0xa2: {  	s8 =	sadd.s32 $0x200, s8;
	v5 =	vmul.f32 $1.131370830e+01, v5;
	v3 =	vld [tilespmem:s11+$0x6460];
	[tilespmem:s6+$0x6470] =	vst v8;
	s6 =	smov.u32 s11  }
0xa3: {  	[tilespmem:s6+$0x6400] =	vst v6;
	v4 =	vmul.f32 $1.131370830e+01, v4;
	v6 =	vld [tilespmem:s6+$0x6470]  }
0xa4: {  	[tilespmem:s6+$0x6410] =	vst v5;
	v2 =	vmul.f32 $1.131370830e+01, v2  }
0xa5: {  	[tilespmem:s6+$0x6420] =	vst v4;
	v0 =	vmul.f32 $1.131370830e+01, v0  }
0xa6: {  	[tilespmem:s6+$0x6430] =	vst v2;
	v1 =	vmul.f32 $1.131370830e+01, v1  }
0xa7: {  	[tilespmem:s6+$0x6440] =	vst v0;
	v0 =	vmul.f32 $1.131370830e+01, v3  }
0xa8: {  	s8 =	sadd.s32 s5, s22;
	[tilespmem:s6+$0x6450] =	vst v1;
	v1 =	vmul.f32 $1.131370830e+01, v6  }
0xa9: {  	s8 =	sshll.u32 s8, $0x4;
	[tilespmem:s6+$0x6460] =	vst v0  }
0xaa: {  	s11 =	simm.s32 $0x0;
	s8 =	sadd.s32 s3, s8;
	[tilespmem:s6+$0x6470] =	vst v1  }
0xab: {  	[hbm4b:s8+s11] =	stream.linear.scatter [tilespmem:s16], [sflag:$0x5], $0x4000, $0x38;
	[tilespmem:$0x16400] =	vst v63  }
0xac: {  	_ =	swait.ge [sflag:s29], $0x4000  }
0xad: {  	s0 =	sand.u32 $0x3FFFFE00, s0;
	[sflag:s29] =	ssyncset.done $0x0  }
0xae: {  	s22 =	sadd.s32 $0x300, s0;
	[sflag:s29] =	ssyncadd.s32 $0xFFFFC000  }
0xaf: {  	[tilespmem:s20], [sflag:$0x3] =	stream.indirect.gather [hbm4b:s1+s15], $0x80, s22, s15, $0xb8;
	[tilespmem:$0x16400] =	vst v63  }
0xb0: {  	_ =	swait.ge [sflag:s21], $0x4000  }
0xb1: {  	[sflag:s21] =	ssyncset.done $0x0  }
0xb2: {  	s6 =	simm.s32 $0x0;
	[sflag:s21] =	ssyncadd.s32 $0xFFFFC000  }
0xb3: {  	v3 =	vld [tilespmem:s6+$0xA400]  }
0xb4: {  	v5 =	vld [tilespmem:s6+$0xA410]  }
0xb5: {  	v4 =	vld [tilespmem:s6+$0xA420]  }
0xb6: {  	v2 =	vld [tilespmem:s6+$0xA430]  }
0xb7: {  	v0 =	vld [tilespmem:s6+$0xA440]  }
0xb8: {  	v1 =	vld [tilespmem:s6+$0xA450];
	v6 =	vmul.f32 $1.131370830e+01, v3  }
0xb9: {  	s8 =	simm.s32 $0x200;
	v5 =	vmul.f32 $1.131370830e+01, v5;
	v3 =	vld [tilespmem:s6+$0xA460]  }
.LBB2_13:
0xba: {  	s11 =	sshra.s32 s8, $0x2;
	p0 =	sne.s32 s8, $0xFE00;
	[tilespmem:s6+$0xA400] =	vst v6;
	v4 =	vmul.f32 $1.131370830e+01, v4;
	v6 =	vld [tilespmem:s6+$0xA470]  }
0xbb: {  	v7 =	vld [tilespmem:s11+$0xA400];
	[tilespmem:s6+$0xA410] =	vst v5;
	v2 =	vmul.f32 $1.131370830e+01, v2  }
0xbc: {  	v5 =	vld [tilespmem:s11+$0xA410];
	[tilespmem:s6+$0xA420] =	vst v4;
	v0 =	vmul.f32 $1.131370830e+01, v0  }
.Ltmp5:
0xbd: {  	v4 =	vld [tilespmem:s11+$0xA420];
	[tilespmem:s6+$0xA430] =	vst v2;
	v1 =	vmul.f32 $1.131370830e+01, v1;
	(pc) =	sbr.rel @p0 .LBB2_13-.Ltmp5, $4  }
0xbe: {  	v2 =	vld [tilespmem:s11+$0xA430];
	[tilespmem:s6+$0xA440] =	vst v0;
	v3 =	vmul.f32 $1.131370830e+01, v3  }
0xbf: {  	v0 =	vld [tilespmem:s11+$0xA440];
	[tilespmem:s6+$0xA450] =	vst v1;
	v8 =	vmul.f32 $1.131370830e+01, v6  }
0xc0: {  	v6 =	vmul.f32 $1.131370830e+01, v7;
	v1 =	vld [tilespmem:s11+$0xA450];
	[tilespmem:s6+$0xA460] =	vst v3  }
0xc1: {  	s8 =	sadd.s32 $0x200, s8;
	v5 =	vmul.f32 $1.131370830e+01, v5;
	v3 =	vld [tilespmem:s11+$0xA460];
	[tilespmem:s6+$0xA470] =	vst v8;
	s6 =	smov.u32 s11  }
0xc2: {  	[tilespmem:s6+$0xA400] =	vst v6;
	v4 =	vmul.f32 $1.131370830e+01, v4;
	v61 =	vld [tilespmem:s6+$0xA470]  }
0xc3: {  	[tilespmem:s6+$0xA410] =	vst v5;
	v2 =	vmul.f32 $1.131370830e+01, v2  }
0xc4: {  	[tilespmem:s6+$0xA420] =	vst v4;
	v0 =	vmul.f32 $1.131370830e+01, v0  }
0xc5: {  	[tilespmem:s6+$0xA430] =	vst v2;
	v1 =	vmul.f32 $1.131370830e+01, v1  }
0xc6: {  	[tilespmem:s6+$0xA440] =	vst v0;
	v62 =	vmul.f32 $1.131370830e+01, v3  }
0xc7: {  	s8 =	sadd.s32 s5, s19;
	[tilespmem:s6+$0xA450] =	vst v1;
	v63 =	vmul.f32 $1.131370830e+01, v61  }
0xc8: {  	s2 =	sadd.s32 $0x1, s2;
	s8 =	sshll.u32 s8, $0x4;
	[tilespmem:s6+$0xA460] =	vst v62  }
0xc9: {  	p0 =	sne.s32 s2, $0x31;
	s22 =	sadd.s32 s3, s8;
	[tilespmem:s6+$0xA470] =	vst v63  }
0xca: {  	[hbm4b:s22+s4] =	stream.linear.scatter [tilespmem:s17], [sflag:$0x6], $0x4000, $0x38;
	[tilespmem:$0x16400] =	vst v63  }
.Ltmp6:
0xcb: {  	_ = 	snop;
	(pc) =	sbr.rel @p0 .LBB2_6-.Ltmp6, $4  }
0xcc: {  	_ =	swait.ge [sflag:s30], $0x4000  }
0xcd: {  	[sflag:s30] =	ssyncset.done $0x0  }
0xce: {  	s0 =	sadd.s32 $0x380, s0;
	[sflag:s30] =	ssyncadd.s32 $0xFFFFC000  }
0xcf: {  	[tilespmem:s23], [sflag:$0x4] =	stream.indirect.gather [hbm4b:s1+s15], $0x80, s0, s15, $0xb8;
	[tilespmem:$0x16400] =	vst v63  }
0xd0: {  	_ =	swait.ge [sflag:s24], $0x4000  }
0xd1: {  	[sflag:s24] =	ssyncset.done $0x0  }
0xd2: {  	s0 =	simm.s32 $0x0;
	[sflag:s24] =	ssyncadd.s32 $0xFFFFC000  }
0xd3: {  	v3 =	vld [tilespmem:s0+$0xE400]  }
0xd4: {  	v5 =	vld [tilespmem:s0+$0xE410]  }
0xd5: {  	v4 =	vld [tilespmem:s0+$0xE420]  }
0xd6: {  	v2 =	vld [tilespmem:s0+$0xE430]  }
0xd7: {  	v0 =	vld [tilespmem:s0+$0xE440]  }
0xd8: {  	v1 =	vld [tilespmem:s0+$0xE450];
	v6 =	vmul.f32 $1.131370830e+01, v3  }
0xd9: {  	s2 =	simm.s32 $0x200;
	v5 =	vmul.f32 $1.131370830e+01, v5;
	v3 =	vld [tilespmem:s0+$0xE460]  }
.LBB2_16:
0xda: {  	s6 =	sshra.s32 s2, $0x2;
	p0 =	sne.s32 s2, $0xFE00;
	[tilespmem:s0+$0xE400] =	vst v6;
	v4 =	vmul.f32 $1.131370830e+01, v4;
	v6 =	vld [tilespmem:s0+$0xE470]  }
0xdb: {  	v7 =	vld [tilespmem:s6+$0xE400];
	[tilespmem:s0+$0xE410] =	vst v5;
	v2 =	vmul.f32 $1.131370830e+01, v2  }
0xdc: {  	v5 =	vld [tilespmem:s6+$0xE410];
	[tilespmem:s0+$0xE420] =	vst v4;
	v0 =	vmul.f32 $1.131370830e+01, v0  }
.Ltmp7:
0xdd: {  	v4 =	vld [tilespmem:s6+$0xE420];
	[tilespmem:s0+$0xE430] =	vst v2;
	v1 =	vmul.f32 $1.131370830e+01, v1;
	(pc) =	sbr.rel @p0 .LBB2_16-.Ltmp7, $4  }
0xde: {  	v2 =	vld [tilespmem:s6+$0xE430];
	[tilespmem:s0+$0xE440] =	vst v0;
	v3 =	vmul.f32 $1.131370830e+01, v3  }
0xdf: {  	v0 =	vld [tilespmem:s6+$0xE440];
	[tilespmem:s0+$0xE450] =	vst v1;
	v8 =	vmul.f32 $1.131370830e+01, v6  }
0xe0: {  	v6 =	vmul.f32 $1.131370830e+01, v7;
	v1 =	vld [tilespmem:s6+$0xE450];
	[tilespmem:s0+$0xE460] =	vst v3  }
0xe1: {  	s2 =	sadd.s32 $0x200, s2;
	v5 =	vmul.f32 $1.131370830e+01, v5;
	v3 =	vld [tilespmem:s6+$0xE460];
	[tilespmem:s0+$0xE470] =	vst v8;
	s0 =	smov.u32 s6  }
0xe2: {  	[tilespmem:s0+$0xE400] =	vst v6;
	v4 =	vmul.f32 $1.131370830e+01, v4;
	v6 =	vld [tilespmem:s0+$0xE470]  }
0xe3: {  	[tilespmem:s0+$0xE410] =	vst v5;
	v2 =	vmul.f32 $1.131370830e+01, v2  }
0xe4: {  	[tilespmem:s0+$0xE420] =	vst v4;
	v0 =	vmul.f32 $1.131370830e+01, v0  }
0xe5: {  	[tilespmem:s0+$0xE430] =	vst v2;
	v1 =	vmul.f32 $1.131370830e+01, v1  }
0xe6: {  	[tilespmem:s0+$0xE440] =	vst v0;
	v0 =	vmul.f32 $1.131370830e+01, v3  }
0xe7: {  	[tilespmem:s0+$0xE450] =	vst v1;
	v1 =	vmul.f32 $1.131370830e+01, v6  }
0xe8: {  	[tilespmem:s0+$0xE460] =	vst v0  }
0xe9: {  	s22 =	simm.s32 $0x0;
	s2 =	rddreg [dreg:$0x6];
	[tilespmem:s0+$0xE470] =	vst v1  }
0xea: {  	[hbm4b:s2+s22] =	stream.linear.scatter [tilespmem:s20], [sflag:$0x7], $0x4000, $0x38;
	[tilespmem:$0x16400] =	vst v63  }
0xeb: {  	_ =	swait.ge [sflag:s25], $0x4000  }
0xec: {  	[sflag:s25] =	ssyncset.done $0x0  }
0xed: {  	[sflag:s25] =	ssyncadd.s32 $0xFFFFC000  }
0xee: {  	_ =	swait.ge [sflag:s26], $0x4000  }
0xef: {  	[sflag:s26] =	ssyncset.done $0x0  }
0xf0: {  	s0 =	simm.s32 $0x0;
	[sflag:s26] =	ssyncadd.s32 $0xFFFFC000  }
0xf1: {  	v3 =	vld [tilespmem:s0+$0x12400]  }
0xf2: {  	v5 =	vld [tilespmem:s0+$0x12410]  }
0xf3: {  	v4 =	vld [tilespmem:s0+$0x12420]  }
0xf4: {  	v2 =	vld [tilespmem:s0+$0x12430]  }
0xf5: {  	v0 =	vld [tilespmem:s0+$0x12440]  }
0xf6: {  	v1 =	vld [tilespmem:s0+$0x12450];
	v6 =	vmul.f32 $1.131370830e+01, v3  }
0xf7: {  	s2 =	simm.s32 $0x200;
	v5 =	vmul.f32 $1.131370830e+01, v5;
	v3 =	vld [tilespmem:s0+$0x12460]  }
.LBB2_18:
0xf8: {  	s6 =	sshra.s32 s2, $0x2;
	p0 =	sne.s32 s2, $0xFE00;
	[tilespmem:s0+$0x12400] =	vst v6;
	v4 =	vmul.f32 $1.131370830e+01, v4;
	v6 =	vld [tilespmem:s0+$0x12470]  }
0xf9: {  	v7 =	vld [tilespmem:s6+$0x12400];
	[tilespmem:s0+$0x12410] =	vst v5;
	v2 =	vmul.f32 $1.131370830e+01, v2  }
0xfa: {  	v5 =	vld [tilespmem:s6+$0x12410];
	[tilespmem:s0+$0x12420] =	vst v4;
	v0 =	vmul.f32 $1.131370830e+01, v0  }
.Ltmp8:
0xfb: {  	v4 =	vld [tilespmem:s6+$0x12420];
	[tilespmem:s0+$0x12430] =	vst v2;
	v1 =	vmul.f32 $1.131370830e+01, v1;
	(pc) =	sbr.rel @p0 .LBB2_18-.Ltmp8, $4  }
0xfc: {  	v2 =	vld [tilespmem:s6+$0x12430];
	[tilespmem:s0+$0x12440] =	vst v0;
	v3 =	vmul.f32 $1.131370830e+01, v3  }
0xfd: {  	v0 =	vld [tilespmem:s6+$0x12440];
	[tilespmem:s0+$0x12450] =	vst v1;
	v8 =	vmul.f32 $1.131370830e+01, v6  }
0xfe: {  	v6 =	vmul.f32 $1.131370830e+01, v7;
	v1 =	vld [tilespmem:s6+$0x12450];
	[tilespmem:s0+$0x12460] =	vst v3  }
0xff: {  	s2 =	sadd.s32 $0x200, s2;
	v5 =	vmul.f32 $1.131370830e+01, v5;
	v3 =	vld [tilespmem:s6+$0x12460];
	[tilespmem:s0+$0x12470] =	vst v8;
	s0 =	smov.u32 s6  }
0x100: {  	[tilespmem:s0+$0x12400] =	vst v6;
	v4 =	vmul.f32 $1.131370830e+01, v4;
	v61 =	vld [tilespmem:s0+$0x12470]  }
0x101: {  	[tilespmem:s0+$0x12410] =	vst v5;
	v2 =	vmul.f32 $1.131370830e+01, v2  }
0x102: {  	[tilespmem:s0+$0x12420] =	vst v4;
	v0 =	vmul.f32 $1.131370830e+01, v0  }
0x103: {  	[tilespmem:s0+$0x12430] =	vst v2;
	v1 =	vmul.f32 $1.131370830e+01, v1  }
0x104: {  	[tilespmem:s0+$0x12440] =	vst v0;
	v62 =	vmul.f32 $1.131370830e+01, v3  }
0x105: {  	[tilespmem:s0+$0x12450] =	vst v1;
	v63 =	vmul.f32 $1.131370830e+01, v61  }
0x106: {  	[tilespmem:s0+$0x12460] =	vst v62  }
0x107: {  	[tilespmem:s0+$0x12470] =	vst v63  }
0x108: {  	[hbm4b:s12+s4] =	stream.linear.scatter [tilespmem:s23], [sflag:$0x8], $0x4000, $0x38;
	[tilespmem:$0x16400] =	vst v63  }
0x109: {  	_ =	swait.ge [sflag:s28], $0x4000  }
0x10a: {  	[sflag:s28] =	ssyncset.done $0x0  }
0x10b: {  	s31 =	sadd.s32 $0x1, s31;
	[sflag:s28] =	ssyncadd.s32 $0xFFFFC000  }
0x10c: {  	p0 =	sne.s32 s31, s13;
	_ =	swait.ge [sflag:s29], $0x4000  }
.Ltmp9:
0x10d: {  	[sflag:s29] =	ssyncset.done $0x0;
	(pc) =	sbr.rel @p0 .LBB2_1-.Ltmp9, $4  }
0x10e: {  	[sflag:s29] =	ssyncadd.s32 $0xFFFFC000  }
0x10f: {  	_ =	swait.ge [sflag:s30], $0x4000  }
0x110: {  	[sflag:s30] =	ssyncset.done $0x0  }
0x111: {  	[sflag:s30] =	ssyncadd.s32 $0xFFFFC000  }
0x112: {  	_ =	sfence.sel $0x180000  }
0x113: {  	[bflag:$0x0] =	sbarrier.arrive $0xFFFF  }
0x114: {  	_ =	strace $0x90000047  }
0x115: {  	s0 =	stileid.u32;
	[bflag:$0x2] =	sbarrier.arrive $0xFFFF  }
0x116: {  	p0 =	sne.s32 s0, $0x0;
	s0 =	rddreg [dreg:$0x3]  }
0x117: {  	s0 =	sadd.s32 @!p0 $0x100000, s0  }
0x118: {  	[sflag:s0] =	ssyncadd.tile.s32 @!p0 $0x1;
	_ =	shalt  }
.Lfunc_end2:
_tile_overlayer_lowered:
.L_overlay_start_2:
0x119: {  	(tag) =	ssettag $0x2  }
0x11a: {  	s0 =	rddreg [dreg:$0x0];
	s2 =	stileid.u32  }
0x11b: {  	s1 =	rddreg [dreg:$0x1];
	p0 =	sne.s32 s2, $0x0  }
0x11c: {  	s3 =	rddreg [dreg:$0x2];
	[bflag:$0x3] =	sbarrier.arrive $0xFFFF;
	s2 =	simm.s32 @!p0 $0x1C09  }
0x11d: {  	[timem:s3], [sflag:s2] =	dma.local @!p0 [hbm:s0], s1  }
0x11e: {  	s0 =	simm.s32 @!p0 $0x9  }
0x11f: {  	_ =	swait.ge @!p0 [sflag:s0], s1  }
0x120: {  	s1 =	ssub.s32 @!p0 $0x0, s1;
	[sflag:s0] =	ssyncset.done @!p0 $0x0  }
0x121: {  	[sflag:s0] =	ssyncadd.s32 @!p0 s1  }
0x122: {  	[bflag:$0x3] =	sbarrier.arrive $0xFFFF  }
0x123: {  	_ =	shalt  }

</sc_bundles>
